<compile_context>
chip_gen: v7x
topology: tpu7x:2x2x1
jax: 0.10.2.dev20260603
libtpu: 0.0.44.dev20260713+nightly
codegen_flags: <defaults>
</compile_context>

<pallas_src>
import functools

import jax
import jax.numpy as jnp
from jax import lax
from jax.experimental import pallas as pl
from jax.experimental.pallas import tpu as pltpu
from jax.experimental.pallas import tpu_sc as plsc

_INFO = plsc.get_sparse_core_info()
_NC, _NS = _INFO.num_cores, _INFO.num_subcores
_NW = _NC * _NS


def _make_sc_gather(B, D):
    bpw = B // _NW
    mesh = plsc.VectorSubcoreMesh(core_axis_name="c", subcore_axis_name="s")

    G = 16
    W = 128

    @functools.partial(
        pl.kernel,
        mesh=mesh,
        out_type=[
            jax.ShapeDtypeStruct((D, B), jnp.float32),
            jax.ShapeDtypeStruct((D, B), jnp.float32),
        ],
        scratch_types=[
            pltpu.VMEM((2, bpw), jnp.int32),
            pltpu.VMEM((D, G * W), jnp.float32),
            pltpu.VMEM((D, bpw), jnp.float32),
            pltpu.VMEM((D, bpw), jnp.float32),
            pltpu.SemaphoreType.DMA,
        ],
        compiler_params=pltpu.CompilerParams(
            use_tc_tiling_on_sc=True, needs_layout_passes=False),
    )
    def gather(uids, iids, utabT, itabT, u_outT, i_outT,
               ids_vm, slab, uoutT, ioutT, sem):
        wid = lax.axis_index("s") * _NC + lax.axis_index("c")
        base = wid * bpw
        pltpu.sync_copy(uids.at[pl.ds(base, bpw)], ids_vm.at[0])
        pltpu.sync_copy(iids.at[pl.ds(base, bpw)], ids_vm.at[1])
        lane = lax.iota(jnp.int32, G)

        def make_issue(t, tabT, outT):
            def issue(g, _):
                vec = ids_vm[t, pl.ds(g * G, G)]
                for l in range(G):
                    tid = jnp.sum(jnp.where(lane == l, vec, 0))
                    off = pl.multiple_of(tid & ~(W - 1), W)
                    pltpu.make_async_copy(
                        tabT.at[:, pl.ds(off, W)],
                        slab.at[:, pl.ds(l * W, W)], sem).start()
                pltpu.make_async_copy(
                    tabT.at[:, pl.ds(0, G * W)], slab, sem).wait()
                idx1 = lane * W + (vec & (W - 1))
                for c in range(D):
                    idx0 = jnp.broadcast_to(jnp.int32(c), (G,))
                    row = plsc.load_gather(slab, [idx0, idx1])
                    outT[c, pl.ds(g * G, G)] = row
                return 0

            lax.fori_loop(0, bpw // G, issue, 0)

        make_issue(0, utabT, uoutT)
        make_issue(1, itabT, ioutT)
        pltpu.sync_copy(uoutT, u_outT.at[:, pl.ds(base, bpw)])
        pltpu.sync_copy(ioutT, i_outT.at[:, pl.ds(base, bpw)])

    return gather


def _mlp_body(xuT, xiT, w1aT, w1bT, b1c, w2T, b2c, w3T, b3c, outT):
    h = jnp.dot(w1aT[...], xuT[...], preferred_element_type=jnp.float32)
    h = h + jnp.dot(w1bT[...], xiT[...], preferred_element_type=jnp.float32)
    h = jnp.maximum(h + b1c[...], 0.0)
    h = jnp.maximum(
        jnp.dot(w2T[...], h, preferred_element_type=jnp.float32) + b2c[...],
        0.0)
    outT[...] = (
        jnp.dot(w3T[...], h, preferred_element_type=jnp.float32) + b3c[...])


def _mlp_tc(xuT, xiT, w1aT, w1bT, b1c, w2T, b2c, w3T, b3c, blk=2048):
    D, B = xuT.shape
    H1 = w1aT.shape[0]
    H2 = w2T.shape[0]
    grid = (B // blk,)
    full = lambda shape: pl.BlockSpec(shape, lambda i: (0, 0))
    return pl.pallas_call(
        _mlp_body,
        grid=grid,
        in_specs=[
            pl.BlockSpec((D, blk), lambda i: (0, i)),
            pl.BlockSpec((D, blk), lambda i: (0, i)),
            full((H1, D)), full((H1, D)), full((H1, 1)),
            full((H2, H1)), full((H2, 1)),
            full((1, H2)), full((1, 1)),
        ],
        out_specs=pl.BlockSpec((1, blk), lambda i: (0, i)),
        out_shape=jax.ShapeDtypeStruct((1, B), jnp.float32),
    )(xuT, xiT, w1aT, w1bT, b1c, w2T, b2c, w3T, b3c)


def kernel(user_ids, item_ids, user_table, item_table, W1, b1, W2, b2, W3, b3):
    B = user_ids.shape[0]
    D = user_table.shape[1]
    uids = user_ids.astype(jnp.int32)
    iids = item_ids.astype(jnp.int32)
    u_embT, i_embT = _make_sc_gather(B, D)(
        uids, iids, user_table.T, item_table.T)
    W1T = W1.T
    outT = _mlp_tc(u_embT, i_embT, W1T[:, :D], W1T[:, D:], b1.reshape(-1, 1),
                   W2.T, b2.reshape(-1, 1), W3.T, b3.reshape(1, 1))
    return outT.reshape(B)

# --- scband reference (transcript-rebuilt; emitter-appended) ---
"""Pipeline reference for scband-ncf-62723702390911 (READ-ONLY COPY).

The authoritative reference and input builder live on the scoring server;
editing this copy changes nothing except your own understanding.
"""

import jax, jax.numpy as jnp
import numpy as np

NUM_USERS = 1000000
NUM_ITEMS = 1000000
EMBED_DIM = 32
BATCH = 16384
HIDDEN = [64, 32]


def setup_inputs(seed: int = 0) -> dict:
    key = jax.random.key(seed)
    ks = jax.random.split(key, 10)
    user_ids = jax.random.randint(ks[0], (BATCH,), 0, NUM_USERS, dtype=jnp.int64 if jax.config.jax_enable_x64 else jnp.int32)
    item_ids = jax.random.randint(ks[1], (BATCH,), 0, NUM_ITEMS, dtype=jnp.int64 if jax.config.jax_enable_x64 else jnp.int32)
    user_table = jax.random.normal(ks[2], (NUM_USERS, EMBED_DIM), dtype=jnp.float32) * 0.05
    item_table = jax.random.normal(ks[3], (NUM_ITEMS, EMBED_DIM), dtype=jnp.float32) * 0.05
    d_in = EMBED_DIM * 2
    W1 = jax.random.normal(ks[4], (d_in, HIDDEN[0]), dtype=jnp.float32) * (1.0 / np.sqrt(d_in))
    b1 = jnp.zeros((HIDDEN[0],), dtype=jnp.float32)
    W2 = jax.random.normal(ks[5], (HIDDEN[0], HIDDEN[1]), dtype=jnp.float32) * (1.0 / np.sqrt(HIDDEN[0]))
    b2 = jnp.zeros((HIDDEN[1],), dtype=jnp.float32)
    W3 = jax.random.normal(ks[6], (HIDDEN[1], 1), dtype=jnp.float32) * (1.0 / np.sqrt(HIDDEN[1]))
    b3 = jnp.zeros((1,), dtype=jnp.float32)
    return {
        "user_ids": user_ids,
        "item_ids": item_ids,
        "user_table": user_table,
        "item_table": item_table,
        "W1": W1, "b1": b1,
        "W2": W2, "b2": b2,
        "W3": W3, "b3": b3,
    }


def reference(user_ids, item_ids, user_table, item_table, W1, b1, W2, b2, W3, b3):
    u_embed = jnp.take(user_table, user_ids, axis=0)
    i_embed = jnp.take(item_table, item_ids, axis=0)
    x = jnp.concatenate([u_embed, i_embed], axis=-1)
    h = jax.nn.relu(x @ W1 + b1)
    h = jax.nn.relu(h @ W2 + b2)
    out = h @ W3 + b3
    return jnp.squeeze(out, axis=1)

if __name__ == "__main__":
    import jax
    _d = setup_inputs()
    print(jax.jit(kernel)(*tuple(_d.values())))

</pallas_src>

<mosaic_0001>
#map = affine_map<(d0, d1) -> (0)>
#map1 = affine_map<(d0, d1) -> (0, 0)>
module attributes {stable_mosaic.version = 14 : i64} {
  func.func @gather(%arg0: i32, %arg1: i32, %arg2: memref<16384xi32, #tpu.memory_space<hbm>>, %arg3: memref<16384xi32, #tpu.memory_space<hbm>>, %arg4: memref<32x1000000xf32, #tpu.memory_space<hbm>>, %arg5: memref<32x1000000xf32, #tpu.memory_space<hbm>>, %arg6: memref<32x16384xf32, #tpu.memory_space<hbm>>, %arg7: memref<32x16384xf32, #tpu.memory_space<hbm>>, %arg8: memref<2x512xi32, #tpu.memory_space<vmem>>, %arg9: memref<32x2048xf32, #tpu.memory_space<vmem>>, %arg10: memref<32x512xf32, #tpu.memory_space<vmem>>, %arg11: memref<32x512xf32, #tpu.memory_space<vmem>>, %arg12: memref<!tpu.dma_semaphore, #tpu.memory_space<semaphore_mem>>) attributes {dimension_semantics = [#tpu.dimension_semantics<core_parallel>, #tpu.dimension_semantics<subcore_parallel>], iteration_bounds = array<i64: 2, 16>, scalar_prefetch = 0 : i64, scratch_operands = 5 : i64, tpu.core_type = #tpu.core_type<sc_vector_subcore>, window_params = [{transform_indices = #map}, {transform_indices = #map}, {transform_indices = #map1}, {transform_indices = #map1}, {transform_indices = #map1}, {transform_indices = #map1}]} {
    %mul3A = arith.constant 2 : i32
    %mul3A_0 = arith.muli %arg1, %mul3A : i32
    %add3A = arith.addi %mul3A_0, %arg0 : i32
    %mul3A_1 = arith.constant 512 : i32
    %mul3A_2 = arith.muli %add3A, %mul3A_1 : i32
    %run_scoped3A = arith.constant 0 : i32
    "tpu.region"() ({
      %run_scoped3A_17 = tpu.sem_alloc : memref<!tpu.dma_semaphore, #tpu.memory_space<semaphore_mem>>
      %dma_start3A = arith.constant 0 : i32
      %dma_start3A_18 = tpu.memref_slice %arg8[%run_scoped3A, %dma_start3A] : memref<2x512xi32, #tpu.memory_space<vmem>> -> memref<1x512xi32, #tpu.memory_space<vmem>>
      %dma_start3A_19 = tpu.memref_squeeze %dma_start3A_18 : memref<1x512xi32, #tpu.memory_space<vmem>> -> memref<512xi32, #tpu.memory_space<vmem>>
      %dma_start3A_20 = tpu.memref_slice %arg2[%mul3A_2] : memref<16384xi32, #tpu.memory_space<hbm>> -> memref<512xi32, #tpu.memory_space<hbm>>
      %dma_start3A_21 = arith.constant 0 : i32
      %dma_start3A_22 = tpu.memref_slice %arg8[%run_scoped3A, %dma_start3A_21] : memref<2x512xi32, #tpu.memory_space<vmem>> -> memref<1x512xi32, #tpu.memory_space<vmem>>
      %dma_start3A_23 = tpu.memref_squeeze %dma_start3A_22 : memref<1x512xi32, #tpu.memory_space<vmem>> -> memref<512xi32, #tpu.memory_space<vmem>>
      %dma_start3A_24 = tpu.memref_slice %arg2[%mul3A_2] : memref<16384xi32, #tpu.memory_space<hbm>> -> memref<512xi32, #tpu.memory_space<hbm>>
      tpu.enqueue_dma source(%dma_start3A_24 : memref<512xi32, #tpu.memory_space<hbm>>) target(%dma_start3A_23 : memref<512xi32, #tpu.memory_space<vmem>>) target_semaphore(%run_scoped3A_17 : memref<!tpu.dma_semaphore, #tpu.memory_space<semaphore_mem>>)
      %dma_wait3A = arith.constant 0 : i32
      %dma_wait3A_25 = tpu.memref_slice %arg8[%run_scoped3A, %dma_wait3A] : memref<2x512xi32, #tpu.memory_space<vmem>> -> memref<1x512xi32, #tpu.memory_space<vmem>>
      %dma_wait3A_26 = tpu.memref_squeeze %dma_wait3A_25 : memref<1x512xi32, #tpu.memory_space<vmem>> -> memref<512xi32, #tpu.memory_space<vmem>>
      %dma_wait3A_27 = tpu.memref_slice %arg2[%mul3A_2] : memref<16384xi32, #tpu.memory_space<hbm>> -> memref<512xi32, #tpu.memory_space<hbm>>
      %dma_wait3A_28 = arith.constant 0 : i32
      %dma_wait3A_29 = tpu.memref_slice %arg8[%run_scoped3A, %dma_wait3A_28] : memref<2x512xi32, #tpu.memory_space<vmem>> -> memref<1x512xi32, #tpu.memory_space<vmem>>
      %dma_wait3A_30 = tpu.memref_squeeze %dma_wait3A_29 : memref<1x512xi32, #tpu.memory_space<vmem>> -> memref<512xi32, #tpu.memory_space<vmem>>
      %dma_wait3A_31 = tpu.memref_slice %arg2[%mul3A_2] : memref<16384xi32, #tpu.memory_space<hbm>> -> memref<512xi32, #tpu.memory_space<hbm>>
      tpu.wait_dma2 semaphore(%run_scoped3A_17 : memref<!tpu.dma_semaphore, #tpu.memory_space<semaphore_mem>>) src(%dma_wait3A_31 : memref<512xi32, #tpu.memory_space<hbm>>) dst(%dma_wait3A_30 : memref<512xi32, #tpu.memory_space<vmem>>)
      tpu.yield
    }) : () -> ()
    %run_scoped3A_3 = arith.constant 1 : i32
    "tpu.region"() ({
      %run_scoped3A_17 = tpu.sem_alloc : memref<!tpu.dma_semaphore, #tpu.memory_space<semaphore_mem>>
      %dma_start3A = arith.constant 0 : i32
      %dma_start3A_18 = tpu.memref_slice %arg8[%run_scoped3A_3, %dma_start3A] : memref<2x512xi32, #tpu.memory_space<vmem>> -> memref<1x512xi32, #tpu.memory_space<vmem>>
      %dma_start3A_19 = tpu.memref_squeeze %dma_start3A_18 : memref<1x512xi32, #tpu.memory_space<vmem>> -> memref<512xi32, #tpu.memory_space<vmem>>
      %dma_start3A_20 = tpu.memref_slice %arg3[%mul3A_2] : memref<16384xi32, #tpu.memory_space<hbm>> -> memref<512xi32, #tpu.memory_space<hbm>>
      %dma_start3A_21 = arith.constant 0 : i32
      %dma_start3A_22 = tpu.memref_slice %arg8[%run_scoped3A_3, %dma_start3A_21] : memref<2x512xi32, #tpu.memory_space<vmem>> -> memref<1x512xi32, #tpu.memory_space<vmem>>
      %dma_start3A_23 = tpu.memref_squeeze %dma_start3A_22 : memref<1x512xi32, #tpu.memory_space<vmem>> -> memref<512xi32, #tpu.memory_space<vmem>>
      %dma_start3A_24 = tpu.memref_slice %arg3[%mul3A_2] : memref<16384xi32, #tpu.memory_space<hbm>> -> memref<512xi32, #tpu.memory_space<hbm>>
      tpu.enqueue_dma source(%dma_start3A_24 : memref<512xi32, #tpu.memory_space<hbm>>) target(%dma_start3A_23 : memref<512xi32, #tpu.memory_space<vmem>>) target_semaphore(%run_scoped3A_17 : memref<!tpu.dma_semaphore, #tpu.memory_space<semaphore_mem>>)
      %dma_wait3A = arith.constant 0 : i32
      %dma_wait3A_25 = tpu.memref_slice %arg8[%run_scoped3A_3, %dma_wait3A] : memref<2x512xi32, #tpu.memory_space<vmem>> -> memref<1x512xi32, #tpu.memory_space<vmem>>
      %dma_wait3A_26 = tpu.memref_squeeze %dma_wait3A_25 : memref<1x512xi32, #tpu.memory_space<vmem>> -> memref<512xi32, #tpu.memory_space<vmem>>
      %dma_wait3A_27 = tpu.memref_slice %arg3[%mul3A_2] : memref<16384xi32, #tpu.memory_space<hbm>> -> memref<512xi32, #tpu.memory_space<hbm>>
      %dma_wait3A_28 = arith.constant 0 : i32
      %dma_wait3A_29 = tpu.memref_slice %arg8[%run_scoped3A_3, %dma_wait3A_28] : memref<2x512xi32, #tpu.memory_space<vmem>> -> memref<1x512xi32, #tpu.memory_space<vmem>>
      %dma_wait3A_30 = tpu.memref_squeeze %dma_wait3A_29 : memref<1x512xi32, #tpu.memory_space<vmem>> -> memref<512xi32, #tpu.memory_space<vmem>>
      %dma_wait3A_31 = tpu.memref_slice %arg3[%mul3A_2] : memref<16384xi32, #tpu.memory_space<hbm>> -> memref<512xi32, #tpu.memory_space<hbm>>
      tpu.wait_dma2 semaphore(%run_scoped3A_17 : memref<!tpu.dma_semaphore, #tpu.memory_space<semaphore_mem>>) src(%dma_wait3A_31 : memref<512xi32, #tpu.memory_space<hbm>>) dst(%dma_wait3A_30 : memref<512xi32, #tpu.memory_space<vmem>>)
      tpu.yield
    }) : () -> ()
    %iota3A = tpu.iota {dimensions = array<i32: 0>} : vector<16xi32>
    %scan3A = arith.constant 0 : i32
    %scan3A_4 = arith.constant 0 : i32
    %scan3A_5 = arith.constant 32 : i32
    %scan3A_6 = arith.addi %scan3A_4, %scan3A_5 : i32
    %scan3A_7 = arith.constant 1 : i32
    %scan3A_8 = scf.for %scan3A_17 = %scan3A_4 to %scan3A_6 step %scan3A_7 iter_args(%scan3A_18 = %scan3A) -> (i32)  : i32 {
      %mul3A_19 = arith.constant 16 : i32
      %mul3A_20 = arith.muli %scan3A_17, %mul3A_19 : i32
      %get3A = arith.constant 0 : i32
      %get3A_21 = arith.index_cast %get3A : i32 to index
      %get3A_22 = arith.index_cast %mul3A_20 : i32 to index
      %get3A_23 = tpu.vector_load %arg8[%get3A_21, %get3A_22] {strides = array<i32>} : memref<2x512xi32, #tpu.memory_space<vmem>>, vector<16xi32>,
      %eq3A = arith.constant 0 : i32
      %eq3A_24 = vector.broadcast %eq3A : i32 to vector<16xi32>
      %eq3A_25 = arith.cmpi eq, %iota3A, %eq3A_24 : vector<16xi32>
      %jit3A = arith.constant 0 : i32
      %broadcast_in_dim3A = vector.broadcast %jit3A : i32 to vector<16xi32>
      %select_n3A = arith.select %eq3A_25, %get3A_23, %broadcast_in_dim3A : vector<16xi1>, vector<16xi32>
      %reduce_sum3A = arith.constant true
      %reduce_sum3A_26 = vector.broadcast %reduce_sum3A : i1 to vector<16xi1>
      %reduce_sum3A_27 = tpu.scan <sum>, %select_n3A masked %reduce_sum3A_26 : vector<16xi32>, vector<16xi1> -> vector<16xi32>
      %reduce_sum3A_28 = vector.extract %reduce_sum3A_27[15] : i32 from vector<16xi32>
      %and3A = arith.constant -128 : i32
      %and3A_29 = arith.andi %reduce_sum3A_28, %and3A : i32
      %multiple_of3A = tpu.assume_multiple %and3A_29, 128 : i32
      %dma_start3A = arith.constant 0 : i32
      %dma_start3A_30 = arith.constant 0 : i32
      %dma_start3A_31 = tpu.memref_slice %arg9[%dma_start3A, %dma_start3A_30] : memref<32x2048xf32, #tpu.memory_space<vmem>> -> memref<32x128xf32, #tpu.memory_space<vmem>>
      %dma_start3A_32 = arith.constant 0 : i32
      %dma_start3A_33 = tpu.memref_slice %arg4[%dma_start3A_32, %multiple_of3A] : memref<32x1000000xf32, #tpu.memory_space<hbm>> -> memref<32x128xf32, #tpu.memory_space<hbm>>
      %dma_start3A_34 = arith.constant 0 : i32
      %dma_start3A_35 = arith.constant 0 : i32
      %dma_start3A_36 = tpu.memref_slice %arg9[%dma_start3A_34, %dma_start3A_35] : memref<32x2048xf32, #tpu.memory_space<vmem>> -> memref<32x128xf32, #tpu.memory_space<vmem>>
      %dma_start3A_37 = arith.constant 0 : i32
      %dma_start3A_38 = tpu.memref_slice %arg4[%dma_start3A_37, %multiple_of3A] : memref<32x1000000xf32, #tpu.memory_space<hbm>> -> memref<32x128xf32, #tpu.memory_space<hbm>>
      tpu.enqueue_dma source(%dma_start3A_38 : memref<32x128xf32, #tpu.memory_space<hbm>>) target(%dma_start3A_36 : memref<32x128xf32, #tpu.memory_space<vmem>>) target_semaphore(%arg12 : memref<!tpu.dma_semaphore, #tpu.memory_space<semaphore_mem>>)
      %eq3A_39 = arith.constant 1 : i32
      %eq3A_40 = vector.broadcast %eq3A_39 : i32 to vector<16xi32>
      %eq3A_41 = arith.cmpi eq, %iota3A, %eq3A_40 : vector<16xi32>
      %jit3A_42 = arith.constant 0 : i32
      %broadcast_in_dim3A_43 = vector.broadcast %jit3A_42 : i32 to vector<16xi32>
      %select_n3A_44 = arith.select %eq3A_41, %get3A_23, %broadcast_in_dim3A_43 : vector<16xi1>, vector<16xi32>
      %reduce_sum3A_45 = arith.constant true
      %reduce_sum3A_46 = vector.broadcast %reduce_sum3A_45 : i1 to vector<16xi1>
      %reduce_sum3A_47 = tpu.scan <sum>, %select_n3A_44 masked %reduce_sum3A_46 : vector<16xi32>, vector<16xi1> -> vector<16xi32>
      %reduce_sum3A_48 = vector.extract %reduce_sum3A_47[15] : i32 from vector<16xi32>
      %and3A_49 = arith.constant -128 : i32
      %and3A_50 = arith.andi %reduce_sum3A_48, %and3A_49 : i32
      %multiple_of3A_51 = tpu.assume_multiple %and3A_50, 128 : i32
      %dma_start3A_52 = arith.constant 0 : i32
      %dma_start3A_53 = arith.constant 128 : i32
      %dma_start3A_54 = tpu.memref_slice %arg9[%dma_start3A_52, %dma_start3A_53] : memref<32x2048xf32, #tpu.memory_space<vmem>> -> memref<32x128xf32, #tpu.memory_space<vmem>>
      %dma_start3A_55 = arith.constant 0 : i32
      %dma_start3A_56 = tpu.memref_slice %arg4[%dma_start3A_55, %multiple_of3A_51] : memref<32x1000000xf32, #tpu.memory_space<hbm>> -> memref<32x128xf32, #tpu.memory_space<hbm>>
      %dma_start3A_57 = arith.constant 0 : i32
      %dma_start3A_58 = arith.constant 128 : i32
      %dma_start3A_59 = tpu.memref_slice %arg9[%dma_start3A_57, %dma_start3A_58] : memref<32x2048xf32, #tpu.memory_space<vmem>> -> memref<32x128xf32, #tpu.memory_space<vmem>>
      %dma_start3A_60 = arith.constant 0 : i32
      %dma_start3A_61 = tpu.memref_slice %arg4[%dma_start3A_60, %multiple_of3A_51] : memref<32x1000000xf32, #tpu.memory_space<hbm>> -> memref<32x128xf32, #tpu.memory_space<hbm>>
      tpu.enqueue_dma source(%dma_start3A_61 : memref<32x128xf32, #tpu.memory_space<hbm>>) target(%dma_start3A_59 : memref<32x128xf32, #tpu.memory_space<vmem>>) target_semaphore(%arg12 : memref<!tpu.dma_semaphore, #tpu.memory_space<semaphore_mem>>)
      %eq3A_62 = arith.constant 2 : i32
      %eq3A_63 = vector.broadcast %eq3A_62 : i32 to vector<16xi32>
      %eq3A_64 = arith.cmpi eq, %iota3A, %eq3A_63 : vector<16xi32>
      %jit3A_65 = arith.constant 0 : i32
      %broadcast_in_dim3A_66 = vector.broadcast %jit3A_65 : i32 to vector<16xi32>
      %select_n3A_67 = arith.select %eq3A_64, %get3A_23, %broadcast_in_dim3A_66 : vector<16xi1>, vector<16xi32>
      %reduce_sum3A_68 = arith.constant true
      %reduce_sum3A_69 = vector.broadcast %reduce_sum3A_68 : i1 to vector<16xi1>
      %reduce_sum3A_70 = tpu.scan <sum>, %select_n3A_67 masked %reduce_sum3A_69 : vector<16xi32>, vector<16xi1> -> vector<16xi32>
      %reduce_sum3A_71 = vector.extract %reduce_sum3A_70[15] : i32 from vector<16xi32>
      %and3A_72 = arith.constant -128 : i32
      %and3A_73 = arith.andi %reduce_sum3A_71, %and3A_72 : i32
      %multiple_of3A_74 = tpu.assume_multiple %and3A_73, 128 : i32
      %dma_start3A_75 = arith.constant 0 : i32
      %dma_start3A_76 = arith.constant 256 : i32
      %dma_start3A_77 = tpu.memref_slice %arg9[%dma_start3A_75, %dma_start3A_76] : memref<32x2048xf32, #tpu.memory_space<vmem>> -> memref<32x128xf32, #tpu.memory_space<vmem>>
      %dma_start3A_78 = arith.constant 0 : i32
      %dma_start3A_79 = tpu.memref_slice %arg4[%dma_start3A_78, %multiple_of3A_74] : memref<32x1000000xf32, #tpu.memory_space<hbm>> -> memref<32x128xf32, #tpu.memory_space<hbm>>
      %dma_start3A_80 = arith.constant 0 : i32
      %dma_start3A_81 = arith.constant 256 : i32
      %dma_start3A_82 = tpu.memref_slice %arg9[%dma_start3A_80, %dma_start3A_81] : memref<32x2048xf32, #tpu.memory_space<vmem>> -> memref<32x128xf32, #tpu.memory_space<vmem>>
      %dma_start3A_83 = arith.constant 0 : i32
      %dma_start3A_84 = tpu.memref_slice %arg4[%dma_start3A_83, %multiple_of3A_74] : memref<32x1000000xf32, #tpu.memory_space<hbm>> -> memref<32x128xf32, #tpu.memory_space<hbm>>
      tpu.enqueue_dma source(%dma_start3A_84 : memref<32x128xf32, #tpu.memory_space<hbm>>) target(%dma_start3A_82 : memref<32x128xf32, #tpu.memory_space<vmem>>) target_semaphore(%arg12 : memref<!tpu.dma_semaphore, #tpu.memory_space<semaphore_mem>>)
      %eq3A_85 = arith.constant 3 : i32
      %eq3A_86 = vector.broadcast %eq3A_85 : i32 to vector<16xi32>
      %eq3A_87 = arith.cmpi eq, %iota3A, %eq3A_86 : vector<16xi32>
      %jit3A_88 = arith.constant 0 : i32
      %broadcast_in_dim3A_89 = vector.broadcast %jit3A_88 : i32 to vector<16xi32>
      %select_n3A_90 = arith.select %eq3A_87, %get3A_23, %broadcast_in_dim3A_89 : vector<16xi1>, vector<16xi32>
      %reduce_sum3A_91 = arith.constant true
      %reduce_sum3A_92 = vector.broadcast %reduce_sum3A_91 : i1 to vector<16xi1>
      %reduce_sum3A_93 = tpu.scan <sum>, %select_n3A_90 masked %reduce_sum3A_92 : vector<16xi32>, vector<16xi1> -> vector<16xi32>
      %reduce_sum3A_94 = vector.extract %reduce_sum3A_93[15] : i32 from vector<16xi32>
      %and3A_95 = arith.constant -128 : i32
      %and3A_96 = arith.andi %reduce_sum3A_94, %and3A_95 : i32
      %multiple_of3A_97 = tpu.assume_multiple %and3A_96, 128 : i32
      %dma_start3A_98 = arith.constant 0 : i32
      %dma_start3A_99 = arith.constant 384 : i32
      %dma_start3A_100 = tpu.memref_slice %arg9[%dma_start3A_98, %dma_start3A_99] : memref<32x2048xf32, #tpu.memory_space<vmem>> -> memref<32x128xf32, #tpu.memory_space<vmem>>
      %dma_start3A_101 = arith.constant 0 : i32
      %dma_start3A_102 = tpu.memref_slice %arg4[%dma_start3A_101, %multiple_of3A_97] : memref<32x1000000xf32, #tpu.memory_space<hbm>> -> memref<32x128xf32, #tpu.memory_space<hbm>>
      %dma_start3A_103 = arith.constant 0 : i32
      %dma_start3A_104 = arith.constant 384 : i32
      %dma_start3A_105 = tpu.memref_slice %arg9[%dma_start3A_103, %dma_start3A_104] : memref<32x2048xf32, #tpu.memory_space<vmem>> -> memref<32x128xf32, #tpu.memory_space<vmem>>
      %dma_start3A_106 = arith.constant 0 : i32
      %dma_start3A_107 = tpu.memref_slice %arg4[%dma_start3A_106, %multiple_of3A_97] : memref<32x1000000xf32, #tpu.memory_space<hbm>> -> memref<32x128xf32, #tpu.memory_space<hbm>>
      tpu.enqueue_dma source(%dma_start3A_107 : memref<32x128xf32, #tpu.memory_space<hbm>>) target(%dma_start3A_105 : memref<32x128xf32, #tpu.memory_space<vmem>>) target_semaphore(%arg12 : memref<!tpu.dma_semaphore, #tpu.memory_space<semaphore_mem>>)
      %eq3A_108 = arith.constant 4 : i32
      %eq3A_109 = vector.broadcast %eq3A_108 : i32 to vector<16xi32>
      %eq3A_110 = arith.cmpi eq, %iota3A, %eq3A_109 : vector<16xi32>
      %jit3A_111 = arith.constant 0 : i32
      %broadcast_in_dim3A_112 = vector.broadcast %jit3A_111 : i32 to vector<16xi32>
      %select_n3A_113 = arith.select %eq3A_110, %get3A_23, %broadcast_in_dim3A_112 : vector<16xi1>, vector<16xi32>
      %reduce_sum3A_114 = arith.constant true
      %reduce_sum3A_115 = vector.broadcast %reduce_sum3A_114 : i1 to vector<16xi1>
      %reduce_sum3A_116 = tpu.scan <sum>, %select_n3A_113 masked %reduce_sum3A_115 : vector<16xi32>, vector<16xi1> -> vector<16xi32>
      %reduce_sum3A_117 = vector.extract %reduce_sum3A_116[15] : i32 from vector<16xi32>
      %and3A_118 = arith.constant -128 : i32
      %and3A_119 = arith.andi %reduce_sum3A_117, %and3A_118 : i32
      %multiple_of3A_120 = tpu.assume_multiple %and3A_119, 128 : i32
      %dma_start3A_121 = arith.constant 0 : i32
      %dma_start3A_122 = arith.constant 512 : i32
      %dma_start3A_123 = tpu.memref_slice %arg9[%dma_start3A_121, %dma_start3A_122] : memref<32x2048xf32, #tpu.memory_space<vmem>> -> memref<32x128xf32, #tpu.memory_space<vmem>>
      %dma_start3A_124 = arith.constant 0 : i32
      %dma_start3A_125 = tpu.memref_slice %arg4[%dma_start3A_124, %multiple_of3A_120] : memref<32x1000000xf32, #tpu.memory_space<hbm>> -> memref<32x128xf32, #tpu.memory_space<hbm>>
      %dma_start3A_126 = arith.constant 0 : i32
      %dma_start3A_127 = arith.constant 512 : i32
      %dma_start3A_128 = tpu.memref_slice %arg9[%dma_start3A_126, %dma_start3A_127] : memref<32x2048xf32, #tpu.memory_space<vmem>> -> memref<32x128xf32, #tpu.memory_space<vmem>>
      %dma_start3A_129 = arith.constant 0 : i32
      %dma_start3A_130 = tpu.memref_slice %arg4[%dma_start3A_129, %multiple_of3A_120] : memref<32x1000000xf32, #tpu.memory_space<hbm>> -> memref<32x128xf32, #tpu.memory_space<hbm>>
      tpu.enqueue_dma source(%dma_start3A_130 : memref<32x128xf32, #tpu.memory_space<hbm>>) target(%dma_start3A_128 : memref<32x128xf32, #tpu.memory_space<vmem>>) target_semaphore(%arg12 : memref<!tpu.dma_semaphore, #tpu.memory_space<semaphore_mem>>)
      %eq3A_131 = arith.constant 5 : i32
      %eq3A_132 = vector.broadcast %eq3A_131 : i32 to vector<16xi32>
      %eq3A_133 = arith.cmpi eq, %iota3A, %eq3A_132 : vector<16xi32>
      %jit3A_134 = arith.constant 0 : i32
      %broadcast_in_dim3A_135 = vector.broadcast %jit3A_134 : i32 to vector<16xi32>
      %select_n3A_136 = arith.select %eq3A_133, %get3A_23, %broadcast_in_dim3A_135 : vector<16xi1>, vector<16xi32>
      %reduce_sum3A_137 = arith.constant true
      %reduce_sum3A_138 = vector.broadcast %reduce_sum3A_137 : i1 to vector<16xi1>
      %reduce_sum3A_139 = tpu.scan <sum>, %select_n3A_136 masked %reduce_sum3A_138 : vector<16xi32>, vector<16xi1> -> vector<16xi32>
      %reduce_sum3A_140 = vector.extract %reduce_sum3A_139[15] : i32 from vector<16xi32>
      %and3A_141 = arith.constant -128 : i32
      %and3A_142 = arith.andi %reduce_sum3A_140, %and3A_141 : i32
      %multiple_of3A_143 = tpu.assume_multiple %and3A_142, 128 : i32
      %dma_start3A_144 = arith.constant 0 : i32
      %dma_start3A_145 = arith.constant 640 : i32
      %dma_start3A_146 = tpu.memref_slice %arg9[%dma_start3A_144, %dma_start3A_145] : memref<32x2048xf32, #tpu.memory_space<vmem>> -> memref<32x128xf32, #tpu.memory_space<vmem>>
      %dma_start3A_147 = arith.constant 0 : i32
      %dma_start3A_148 = tpu.memref_slice %arg4[%dma_start3A_147, %multiple_of3A_143] : memref<32x1000000xf32, #tpu.memory_space<hbm>> -> memref<32x128xf32, #tpu.memory_space<hbm>>
      %dma_start3A_149 = arith.constant 0 : i32
      %dma_start3A_150 = arith.constant 640 : i32
      %dma_start3A_151 = tpu.memref_slice %arg9[%dma_start3A_149, %dma_start3A_150] : memref<32x2048xf32, #tpu.memory_space<vmem>> -> memref<32x128xf32, #tpu.memory_space<vmem>>
      %dma_start3A_152 = arith.constant 0 : i32
      %dma_start3A_153 = tpu.memref_slice %arg4[%dma_start3A_152, %multiple_of3A_143] : memref<32x1000000xf32, #tpu.memory_space<hbm>> -> memref<32x128xf32, #tpu.memory_space<hbm>>
      tpu.enqueue_dma source(%dma_start3A_153 : memref<32x128xf32, #tpu.memory_space<hbm>>) target(%dma_start3A_151 : memref<32x128xf32, #tpu.memory_space<vmem>>) target_semaphore(%arg12 : memref<!tpu.dma_semaphore, #tpu.memory_space<semaphore_mem>>)
      %eq3A_154 = arith.constant 6 : i32
      %eq3A_155 = vector.broadcast %eq3A_154 : i32 to vector<16xi32>
      %eq3A_156 = arith.cmpi eq, %iota3A, %eq3A_155 : vector<16xi32>
      %jit3A_157 = arith.constant 0 : i32
      %broadcast_in_dim3A_158 = vector.broadcast %jit3A_157 : i32 to vector<16xi32>
      %select_n3A_159 = arith.select %eq3A_156, %get3A_23, %broadcast_in_dim3A_158 : vector<16xi1>, vector<16xi32>
      %reduce_sum3A_160 = arith.constant true
      %reduce_sum3A_161 = vector.broadcast %reduce_sum3A_160 : i1 to vector<16xi1>
      %reduce_sum3A_162 = tpu.scan <sum>, %select_n3A_159 masked %reduce_sum3A_161 : vector<16xi32>, vector<16xi1> -> vector<16xi32>
      %reduce_sum3A_163 = vector.extract %reduce_sum3A_162[15] : i32 from vector<16xi32>
      %and3A_164 = arith.constant -128 : i32
      %and3A_165 = arith.andi %reduce_sum3A_163, %and3A_164 : i32
      %multiple_of3A_166 = tpu.assume_multiple %and3A_165, 128 : i32
      %dma_start3A_167 = arith.constant 0 : i32
      %dma_start3A_168 = arith.constant 768 : i32
      %dma_start3A_169 = tpu.memref_slice %arg9[%dma_start3A_167, %dma_start3A_168] : memref<32x2048xf32, #tpu.memory_space<vmem>> -> memref<32x128xf32, #tpu.memory_space<vmem>>
      %dma_start3A_170 = arith.constant 0 : i32
      %dma_start3A_171 = tpu.memref_slice %arg4[%dma_start3A_170, %multiple_of3A_166] : memref<32x1000000xf32, #tpu.memory_space<hbm>> -> memref<32x128xf32, #tpu.memory_space<hbm>>
      %dma_start3A_172 = arith.constant 0 : i32
      %dma_start3A_173 = arith.constant 768 : i32
      %dma_start3A_174 = tpu.memref_slice %arg9[%dma_start3A_172, %dma_start3A_173] : memref<32x2048xf32, #tpu.memory_space<vmem>> -> memref<32x128xf32, #tpu.memory_space<vmem>>
      %dma_start3A_175 = arith.constant 0 : i32
      %dma_start3A_176 = tpu.memref_slice %arg4[%dma_start3A_175, %multiple_of3A_166] : memref<32x1000000xf32, #tpu.memory_space<hbm>> -> memref<32x128xf32, #tpu.memory_space<hbm>>
      tpu.enqueue_dma source(%dma_start3A_176 : memref<32x128xf32, #tpu.memory_space<hbm>>) target(%dma_start3A_174 : memref<32x128xf32, #tpu.memory_space<vmem>>) target_semaphore(%arg12 : memref<!tpu.dma_semaphore, #tpu.memory_space<semaphore_mem>>)
      %eq3A_177 = arith.constant 7 : i32
      %eq3A_178 = vector.broadcast %eq3A_177 : i32 to vector<16xi32>
      %eq3A_179 = arith.cmpi eq, %iota3A, %eq3A_178 : vector<16xi32>
      %jit3A_180 = arith.constant 0 : i32
      %broadcast_in_dim3A_181 = vector.broadcast %jit3A_180 : i32 to vector<16xi32>
      %select_n3A_182 = arith.select %eq3A_179, %get3A_23, %broadcast_in_dim3A_181 : vector<16xi1>, vector<16xi32>
      %reduce_sum3A_183 = arith.constant true
      %reduce_sum3A_184 = vector.broadcast %reduce_sum3A_183 : i1 to vector<16xi1>
      %reduce_sum3A_185 = tpu.scan <sum>, %select_n3A_182 masked %reduce_sum3A_184 : vector<16xi32>, vector<16xi1> -> vector<16xi32>
      %reduce_sum3A_186 = vector.extract %reduce_sum3A_185[15] : i32 from vector<16xi32>
      %and3A_187 = arith.constant -128 : i32
      %and3A_188 = arith.andi %reduce_sum3A_186, %and3A_187 : i32
      %multiple_of3A_189 = tpu.assume_multiple %and3A_188, 128 : i32
      %dma_start3A_190 = arith.constant 0 : i32
      %dma_start3A_191 = arith.constant 896 : i32
      %dma_start3A_192 = tpu.memref_slice %arg9[%dma_start3A_190, %dma_start3A_191] : memref<32x2048xf32, #tpu.memory_space<vmem>> -> memref<32x128xf32, #tpu.memory_space<vmem>>
      %dma_start3A_193 = arith.constant 0 : i32
      %dma_start3A_194 = tpu.memref_slice %arg4[%dma_start3A_193, %multiple_of3A_189] : memref<32x1000000xf32, #tpu.memory_space<hbm>> -> memref<32x128xf32, #tpu.memory_space<hbm>>
      %dma_start3A_195 = arith.constant 0 : i32
      %dma_start3A_196 = arith.constant 896 : i32
      %dma_start3A_197 = tpu.memref_slice %arg9[%dma_start3A_195, %dma_start3A_196] : memref<32x2048xf32, #tpu.memory_space<vmem>> -> memref<32x128xf32, #tpu.memory_space<vmem>>
      %dma_start3A_198 = arith.constant 0 : i32
      %dma_start3A_199 = tpu.memref_slice %arg4[%dma_start3A_198, %multiple_of3A_189] : memref<32x1000000xf32, #tpu.memory_space<hbm>> -> memref<32x128xf32, #tpu.memory_space<hbm>>
      tpu.enqueue_dma source(%dma_start3A_199 : memref<32x128xf32, #tpu.memory_space<hbm>>) target(%dma_start3A_197 : memref<32x128xf32, #tpu.memory_space<vmem>>) target_semaphore(%arg12 : memref<!tpu.dma_semaphore, #tpu.memory_space<semaphore_mem>>)
      %eq3A_200 = arith.constant 8 : i32
      %eq3A_201 = vector.broadcast %eq3A_200 : i32 to vector<16xi32>
      %eq3A_202 = arith.cmpi eq, %iota3A, %eq3A_201 : vector<16xi32>
      %jit3A_203 = arith.constant 0 : i32
      %broadcast_in_dim3A_204 = vector.broadcast %jit3A_203 : i32 to vector<16xi32>
      %select_n3A_205 = arith.select %eq3A_202, %get3A_23, %broadcast_in_dim3A_204 : vector<16xi1>, vector<16xi32>
      %reduce_sum3A_206 = arith.constant true
      %reduce_sum3A_207 = vector.broadcast %reduce_sum3A_206 : i1 to vector<16xi1>
      %reduce_sum3A_208 = tpu.scan <sum>, %select_n3A_205 masked %reduce_sum3A_207 : vector<16xi32>, vector<16xi1> -> vector<16xi32>
      %reduce_sum3A_209 = vector.extract %reduce_sum3A_208[15] : i32 from vector<16xi32>
      %and3A_210 = arith.constant -128 : i32
      %and3A_211 = arith.andi %reduce_sum3A_209, %and3A_210 : i32
      %multiple_of3A_212 = tpu.assume_multiple %and3A_211, 128 : i32
      %dma_start3A_213 = arith.constant 0 : i32
      %dma_start3A_214 = arith.constant 1024 : i32
      %dma_start3A_215 = tpu.memref_slice %arg9[%dma_start3A_213, %dma_start3A_214] : memref<32x2048xf32, #tpu.memory_space<vmem>> -> memref<32x128xf32, #tpu.memory_space<vmem>>
      %dma_start3A_216 = arith.constant 0 : i32
      %dma_start3A_217 = tpu.memref_slice %arg4[%dma_start3A_216, %multiple_of3A_212] : memref<32x1000000xf32, #tpu.memory_space<hbm>> -> memref<32x128xf32, #tpu.memory_space<hbm>>
      %dma_start3A_218 = arith.constant 0 : i32
      %dma_start3A_219 = arith.constant 1024 : i32
      %dma_start3A_220 = tpu.memref_slice %arg9[%dma_start3A_218, %dma_start3A_219] : memref<32x2048xf32, #tpu.memory_space<vmem>> -> memref<32x128xf32, #tpu.memory_space<vmem>>
      %dma_start3A_221 = arith.constant 0 : i32
      %dma_start3A_222 = tpu.memref_slice %arg4[%dma_start3A_221, %multiple_of3A_212] : memref<32x1000000xf32, #tpu.memory_space<hbm>> -> memref<32x128xf32, #tpu.memory_space<hbm>>
      tpu.enqueue_dma source(%dma_start3A_222 : memref<32x128xf32, #tpu.memory_space<hbm>>) target(%dma_start3A_220 : memref<32x128xf32, #tpu.memory_space<vmem>>) target_semaphore(%arg12 : memref<!tpu.dma_semaphore, #tpu.memory_space<semaphore_mem>>)
      %eq3A_223 = arith.constant 9 : i32
      %eq3A_224 = vector.broadcast %eq3A_223 : i32 to vector<16xi32>
      %eq3A_225 = arith.cmpi eq, %iota3A, %eq3A_224 : vector<16xi32>
      %jit3A_226 = arith.constant 0 : i32
      %broadcast_in_dim3A_227 = vector.broadcast %jit3A_226 : i32 to vector<16xi32>
      %select_n3A_228 = arith.select %eq3A_225, %get3A_23, %broadcast_in_dim3A_227 : vector<16xi1>, vector<16xi32>
      %reduce_sum3A_229 = arith.constant true
      %reduce_sum3A_230 = vector.broadcast %reduce_sum3A_229 : i1 to vector<16xi1>
      %reduce_sum3A_231 = tpu.scan <sum>, %select_n3A_228 masked %reduce_sum3A_230 : vector<16xi32>, vector<16xi1> -> vector<16xi32>
      %reduce_sum3A_232 = vector.extract %reduce_sum3A_231[15] : i32 from vector<16xi32>
      %and3A_233 = arith.constant -128 : i32
      %and3A_234 = arith.andi %reduce_sum3A_232, %and3A_233 : i32
      %multiple_of3A_235 = tpu.assume_multiple %and3A_234, 128 : i32
      %dma_start3A_236 = arith.constant 0 : i32
      %dma_start3A_237 = arith.constant 1152 : i32
      %dma_start3A_238 = tpu.memref_slice %arg9[%dma_start3A_236, %dma_start3A_237] : memref<32x2048xf32, #tpu.memory_space<vmem>> -> memref<32x128xf32, #tpu.memory_space<vmem>>
      %dma_start3A_239 = arith.constant 0 : i32
      %dma_start3A_240 = tpu.memref_slice %arg4[%dma_start3A_239, %multiple_of3A_235] : memref<32x1000000xf32, #tpu.memory_space<hbm>> -> memref<32x128xf32, #tpu.memory_space<hbm>>
      %dma_start3A_241 = arith.constant 0 : i32
      %dma_start3A_242 = arith.constant 1152 : i32
      %dma_start3A_243 = tpu.memref_slice %arg9[%dma_start3A_241, %dma_start3A_242] : memref<32x2048xf32, #tpu.memory_space<vmem>> -> memref<32x128xf32, #tpu.memory_space<vmem>>
      %dma_start3A_244 = arith.constant 0 : i32
      %dma_start3A_245 = tpu.memref_slice %arg4[%dma_start3A_244, %multiple_of3A_235] : memref<32x1000000xf32, #tpu.memory_space<hbm>> -> memref<32x128xf32, #tpu.memory_space<hbm>>
      tpu.enqueue_dma source(%dma_start3A_245 : memref<32x128xf32, #tpu.memory_space<hbm>>) target(%dma_start3A_243 : memref<32x128xf32, #tpu.memory_space<vmem>>) target_semaphore(%arg12 : memref<!tpu.dma_semaphore, #tpu.memory_space<semaphore_mem>>)
      %eq3A_246 = arith.constant 10 : i32
      %eq3A_247 = vector.broadcast %eq3A_246 : i32 to vector<16xi32>
      %eq3A_248 = arith.cmpi eq, %iota3A, %eq3A_247 : vector<16xi32>
      %jit3A_249 = arith.constant 0 : i32
      %broadcast_in_dim3A_250 = vector.broadcast %jit3A_249 : i32 to vector<16xi32>
      %select_n3A_251 = arith.select %eq3A_248, %get3A_23, %broadcast_in_dim3A_250 : vector<16xi1>, vector<16xi32>
      %reduce_sum3A_252 = arith.constant true
      %reduce_sum3A_253 = vector.broadcast %reduce_sum3A_252 : i1 to vector<16xi1>
      %reduce_sum3A_254 = tpu.scan <sum>, %select_n3A_251 masked %reduce_sum3A_253 : vector<16xi32>, vector<16xi1> -> vector<16xi32>
      %reduce_sum3A_255 = vector.extract %reduce_sum3A_254[15] : i32 from vector<16xi32>
      %and3A_256 = arith.constant -128 : i32
      %and3A_257 = arith.andi %reduce_sum3A_255, %and3A_256 : i32
      %multiple_of3A_258 = tpu.assume_multiple %and3A_257, 128 : i32
      %dma_start3A_259 = arith.constant 0 : i32
      %dma_start3A_260 = arith.constant 1280 : i32
      %dma_start3A_261 = tpu.memref_slice %arg9[%dma_start3A_259, %dma_start3A_260] : memref<32x2048xf32, #tpu.memory_space<vmem>> -> memref<32x128xf32, #tpu.memory_space<vmem>>
      %dma_start3A_262 = arith.constant 0 : i32
      %dma_start3A_263 = tpu.memref_slice %arg4[%dma_start3A_262, %multiple_of3A_258] : memref<32x1000000xf32, #tpu.memory_space<hbm>> -> memref<32x128xf32, #tpu.memory_space<hbm>>
      %dma_start3A_264 = arith.constant 0 : i32
      %dma_start3A_265 = arith.constant 1280 : i32
      %dma_start3A_266 = tpu.memref_slice %arg9[%dma_start3A_264, %dma_start3A_265] : memref<32x2048xf32, #tpu.memory_space<vmem>> -> memref<32x128xf32, #tpu.memory_space<vmem>>
      %dma_start3A_267 = arith.constant 0 : i32
      %dma_start3A_268 = tpu.memref_slice %arg4[%dma_start3A_267, %multiple_of3A_258] : memref<32x1000000xf32, #tpu.memory_space<hbm>> -> memref<32x128xf32, #tpu.memory_space<hbm>>
      tpu.enqueue_dma source(%dma_start3A_268 : memref<32x128xf32, #tpu.memory_space<hbm>>) target(%dma_start3A_266 : memref<32x128xf32, #tpu.memory_space<vmem>>) target_semaphore(%arg12 : memref<!tpu.dma_semaphore, #tpu.memory_space<semaphore_mem>>)
      %eq3A_269 = arith.constant 11 : i32
      %eq3A_270 = vector.broadcast %eq3A_269 : i32 to vector<16xi32>
      %eq3A_271 = arith.cmpi eq, %iota3A, %eq3A_270 : vector<16xi32>
      %jit3A_272 = arith.constant 0 : i32
      %broadcast_in_dim3A_273 = vector.broadcast %jit3A_272 : i32 to vector<16xi32>
      %select_n3A_274 = arith.select %eq3A_271, %get3A_23, %broadcast_in_dim3A_273 : vector<16xi1>, vector<16xi32>
      %reduce_sum3A_275 = arith.constant true
      %reduce_sum3A_276 = vector.broadcast %reduce_sum3A_275 : i1 to vector<16xi1>
      %reduce_sum3A_277 = tpu.scan <sum>, %select_n3A_274 masked %reduce_sum3A_276 : vector<16xi32>, vector<16xi1> -> vector<16xi32>
      %reduce_sum3A_278 = vector.extract %reduce_sum3A_277[15] : i32 from vector<16xi32>
      %and3A_279 = arith.constant -128 : i32
      %and3A_280 = arith.andi %reduce_sum3A_278, %and3A_279 : i32
      %multiple_of3A_281 = tpu.assume_multiple %and3A_280, 128 : i32
      %dma_start3A_282 = arith.constant 0 : i32
      %dma_start3A_283 = arith.constant 1408 : i32
      %dma_start3A_284 = tpu.memref_slice %arg9[%dma_start3A_282, %dma_start3A_283] : memref<32x2048xf32, #tpu.memory_space<vmem>> -> memref<32x128xf32, #tpu.memory_space<vmem>>
      %dma_start3A_285 = arith.constant 0 : i32
      %dma_start3A_286 = tpu.memref_slice %arg4[%dma_start3A_285, %multiple_of3A_281] : memref<32x1000000xf32, #tpu.memory_space<hbm>> -> memref<32x128xf32, #tpu.memory_space<hbm>>
      %dma_start3A_287 = arith.constant 0 : i32
      %dma_start3A_288 = arith.constant 1408 : i32
      %dma_start3A_289 = tpu.memref_slice %arg9[%dma_start3A_287, %dma_start3A_288] : memref<32x2048xf32, #tpu.memory_space<vmem>> -> memref<32x128xf32, #tpu.memory_space<vmem>>
      %dma_start3A_290 = arith.constant 0 : i32
      %dma_start3A_291 = tpu.memref_slice %arg4[%dma_start3A_290, %multiple_of3A_281] : memref<32x1000000xf32, #tpu.memory_space<hbm>> -> memref<32x128xf32, #tpu.memory_space<hbm>>
      tpu.enqueue_dma source(%dma_start3A_291 : memref<32x128xf32, #tpu.memory_space<hbm>>) target(%dma_start3A_289 : memref<32x128xf32, #tpu.memory_space<vmem>>) target_semaphore(%arg12 : memref<!tpu.dma_semaphore, #tpu.memory_space<semaphore_mem>>)
      %eq3A_292 = arith.constant 12 : i32
      %eq3A_293 = vector.broadcast %eq3A_292 : i32 to vector<16xi32>
      %eq3A_294 = arith.cmpi eq, %iota3A, %eq3A_293 : vector<16xi32>
      %jit3A_295 = arith.constant 0 : i32
      %broadcast_in_dim3A_296 = vector.broadcast %jit3A_295 : i32 to vector<16xi32>
      %select_n3A_297 = arith.select %eq3A_294, %get3A_23, %broadcast_in_dim3A_296 : vector<16xi1>, vector<16xi32>
      %reduce_sum3A_298 = arith.constant true
      %reduce_sum3A_299 = vector.broadcast %reduce_sum3A_298 : i1 to vector<16xi1>
      %reduce_sum3A_300 = tpu.scan <sum>, %select_n3A_297 masked %reduce_sum3A_299 : vector<16xi32>, vector<16xi1> -> vector<16xi32>
      %reduce_sum3A_301 = vector.extract %reduce_sum3A_300[15] : i32 from vector<16xi32>
      %and3A_302 = arith.constant -128 : i32
      %and3A_303 = arith.andi %reduce_sum3A_301, %and3A_302 : i32
      %multiple_of3A_304 = tpu.assume_multiple %and3A_303, 128 : i32
      %dma_start3A_305 = arith.constant 0 : i32
      %dma_start3A_306 = arith.constant 1536 : i32
      %dma_start3A_307 = tpu.memref_slice %arg9[%dma_start3A_305, %dma_start3A_306] : memref<32x2048xf32, #tpu.memory_space<vmem>> -> memref<32x128xf32, #tpu.memory_space<vmem>>
      %dma_start3A_308 = arith.constant 0 : i32
      %dma_start3A_309 = tpu.memref_slice %arg4[%dma_start3A_308, %multiple_of3A_304] : memref<32x1000000xf32, #tpu.memory_space<hbm>> -> memref<32x128xf32, #tpu.memory_space<hbm>>
      %dma_start3A_310 = arith.constant 0 : i32
      %dma_start3A_311 = arith.constant 1536 : i32
      %dma_start3A_312 = tpu.memref_slice %arg9[%dma_start3A_310, %dma_start3A_311] : memref<32x2048xf32, #tpu.memory_space<vmem>> -> memref<32x128xf32, #tpu.memory_space<vmem>>
      %dma_start3A_313 = arith.constant 0 : i32
      %dma_start3A_314 = tpu.memref_slice %arg4[%dma_start3A_313, %multiple_of3A_304] : memref<32x1000000xf32, #tpu.memory_space<hbm>> -> memref<32x128xf32, #tpu.memory_space<hbm>>
      tpu.enqueue_dma source(%dma_start3A_314 : memref<32x128xf32, #tpu.memory_space<hbm>>) target(%dma_start3A_312 : memref<32x128xf32, #tpu.memory_space<vmem>>) target_semaphore(%arg12 : memref<!tpu.dma_semaphore, #tpu.memory_space<semaphore_mem>>)
      %eq3A_315 = arith.constant 13 : i32
      %eq3A_316 = vector.broadcast %eq3A_315 : i32 to vector<16xi32>
      %eq3A_317 = arith.cmpi eq, %iota3A, %eq3A_316 : vector<16xi32>
      %jit3A_318 = arith.constant 0 : i32
      %broadcast_in_dim3A_319 = vector.broadcast %jit3A_318 : i32 to vector<16xi32>
      %select_n3A_320 = arith.select %eq3A_317, %get3A_23, %broadcast_in_dim3A_319 : vector<16xi1>, vector<16xi32>
      %reduce_sum3A_321 = arith.constant true
      %reduce_sum3A_322 = vector.broadcast %reduce_sum3A_321 : i1 to vector<16xi1>
      %reduce_sum3A_323 = tpu.scan <sum>, %select_n3A_320 masked %reduce_sum3A_322 : vector<16xi32>, vector<16xi1> -> vector<16xi32>
      %reduce_sum3A_324 = vector.extract %reduce_sum3A_323[15] : i32 from vector<16xi32>
      %and3A_325 = arith.constant -128 : i32
      %and3A_326 = arith.andi %reduce_sum3A_324, %and3A_325 : i32
      %multiple_of3A_327 = tpu.assume_multiple %and3A_326, 128 : i32
      %dma_start3A_328 = arith.constant 0 : i32
      %dma_start3A_329 = arith.constant 1664 : i32
      %dma_start3A_330 = tpu.memref_slice %arg9[%dma_start3A_328, %dma_start3A_329] : memref<32x2048xf32, #tpu.memory_space<vmem>> -> memref<32x128xf32, #tpu.memory_space<vmem>>
      %dma_start3A_331 = arith.constant 0 : i32
      %dma_start3A_332 = tpu.memref_slice %arg4[%dma_start3A_331, %multiple_of3A_327] : memref<32x1000000xf32, #tpu.memory_space<hbm>> -> memref<32x128xf32, #tpu.memory_space<hbm>>
      %dma_start3A_333 = arith.constant 0 : i32
      %dma_start3A_334 = arith.constant 1664 : i32
      %dma_start3A_335 = tpu.memref_slice %arg9[%dma_start3A_333, %dma_start3A_334] : memref<32x2048xf32, #tpu.memory_space<vmem>> -> memref<32x128xf32, #tpu.memory_space<vmem>>
      %dma_start3A_336 = arith.constant 0 : i32
      %dma_start3A_337 = tpu.memref_slice %arg4[%dma_start3A_336, %multiple_of3A_327] : memref<32x1000000xf32, #tpu.memory_space<hbm>> -> memref<32x128xf32, #tpu.memory_space<hbm>>
      tpu.enqueue_dma source(%dma_start3A_337 : memref<32x128xf32, #tpu.memory_space<hbm>>) target(%dma_start3A_335 : memref<32x128xf32, #tpu.memory_space<vmem>>) target_semaphore(%arg12 : memref<!tpu.dma_semaphore, #tpu.memory_space<semaphore_mem>>)
      %eq3A_338 = arith.constant 14 : i32
      %eq3A_339 = vector.broadcast %eq3A_338 : i32 to vector<16xi32>
      %eq3A_340 = arith.cmpi eq, %iota3A, %eq3A_339 : vector<16xi32>
      %jit3A_341 = arith.constant 0 : i32
      %broadcast_in_dim3A_342 = vector.broadcast %jit3A_341 : i32 to vector<16xi32>
      %select_n3A_343 = arith.select %eq3A_340, %get3A_23, %broadcast_in_dim3A_342 : vector<16xi1>, vector<16xi32>
      %reduce_sum3A_344 = arith.constant true
      %reduce_sum3A_345 = vector.broadcast %reduce_sum3A_344 : i1 to vector<16xi1>
      %reduce_sum3A_346 = tpu.scan <sum>, %select_n3A_343 masked %reduce_sum3A_345 : vector<16xi32>, vector<16xi1> -> vector<16xi32>
      %reduce_sum3A_347 = vector.extract %reduce_sum3A_346[15] : i32 from vector<16xi32>
      %and3A_348 = arith.constant -128 : i32
      %and3A_349 = arith.andi %reduce_sum3A_347, %and3A_348 : i32
      %multiple_of3A_350 = tpu.assume_multiple %and3A_349, 128 : i32
      %dma_start3A_351 = arith.constant 0 : i32
      %dma_start3A_352 = arith.constant 1792 : i32
      %dma_start3A_353 = tpu.memref_slice %arg9[%dma_start3A_351, %dma_start3A_352] : memref<32x2048xf32, #tpu.memory_space<vmem>> -> memref<32x128xf32, #tpu.memory_space<vmem>>
      %dma_start3A_354 = arith.constant 0 : i32
      %dma_start3A_355 = tpu.memref_slice %arg4[%dma_start3A_354, %multiple_of3A_350] : memref<32x1000000xf32, #tpu.memory_space<hbm>> -> memref<32x128xf32, #tpu.memory_space<hbm>>
      %dma_start3A_356 = arith.constant 0 : i32
      %dma_start3A_357 = arith.constant 1792 : i32
      %dma_start3A_358 = tpu.memref_slice %arg9[%dma_start3A_356, %dma_start3A_357] : memref<32x2048xf32, #tpu.memory_space<vmem>> -> memref<32x128xf32, #tpu.memory_space<vmem>>
      %dma_start3A_359 = arith.constant 0 : i32
      %dma_start3A_360 = tpu.memref_slice %arg4[%dma_start3A_359, %multiple_of3A_350] : memref<32x1000000xf32, #tpu.memory_space<hbm>> -> memref<32x128xf32, #tpu.memory_space<hbm>>
      tpu.enqueue_dma source(%dma_start3A_360 : memref<32x128xf32, #tpu.memory_space<hbm>>) target(%dma_start3A_358 : memref<32x128xf32, #tpu.memory_space<vmem>>) target_semaphore(%arg12 : memref<!tpu.dma_semaphore, #tpu.memory_space<semaphore_mem>>)
      %eq3A_361 = arith.constant 15 : i32
      %eq3A_362 = vector.broadcast %eq3A_361 : i32 to vector<16xi32>
      %eq3A_363 = arith.cmpi eq, %iota3A, %eq3A_362 : vector<16xi32>
      %jit3A_364 = arith.constant 0 : i32
      %broadcast_in_dim3A_365 = vector.broadcast %jit3A_364 : i32 to vector<16xi32>
      %select_n3A_366 = arith.select %eq3A_363, %get3A_23, %broadcast_in_dim3A_365 : vector<16xi1>, vector<16xi32>
      %reduce_sum3A_367 = arith.constant true
      %reduce_sum3A_368 = vector.broadcast %reduce_sum3A_367 : i1 to vector<16xi1>
      %reduce_sum3A_369 = tpu.scan <sum>, %select_n3A_366 masked %reduce_sum3A_368 : vector<16xi32>, vector<16xi1> -> vector<16xi32>
      %reduce_sum3A_370 = vector.extract %reduce_sum3A_369[15] : i32 from vector<16xi32>
      %and3A_371 = arith.constant -128 : i32
      %and3A_372 = arith.andi %reduce_sum3A_370, %and3A_371 : i32
      %multiple_of3A_373 = tpu.assume_multiple %and3A_372, 128 : i32
      %dma_start3A_374 = arith.constant 0 : i32
      %dma_start3A_375 = arith.constant 1920 : i32
      %dma_start3A_376 = tpu.memref_slice %arg9[%dma_start3A_374, %dma_start3A_375] : memref<32x2048xf32, #tpu.memory_space<vmem>> -> memref<32x128xf32, #tpu.memory_space<vmem>>
      %dma_start3A_377 = arith.constant 0 : i32
      %dma_start3A_378 = tpu.memref_slice %arg4[%dma_start3A_377, %multiple_of3A_373] : memref<32x1000000xf32, #tpu.memory_space<hbm>> -> memref<32x128xf32, #tpu.memory_space<hbm>>
      %dma_start3A_379 = arith.constant 0 : i32
      %dma_start3A_380 = arith.constant 1920 : i32
      %dma_start3A_381 = tpu.memref_slice %arg9[%dma_start3A_379, %dma_start3A_380] : memref<32x2048xf32, #tpu.memory_space<vmem>> -> memref<32x128xf32, #tpu.memory_space<vmem>>
      %dma_start3A_382 = arith.constant 0 : i32
      %dma_start3A_383 = tpu.memref_slice %arg4[%dma_start3A_382, %multiple_of3A_373] : memref<32x1000000xf32, #tpu.memory_space<hbm>> -> memref<32x128xf32, #tpu.memory_space<hbm>>
      tpu.enqueue_dma source(%dma_start3A_383 : memref<32x128xf32, #tpu.memory_space<hbm>>) target(%dma_start3A_381 : memref<32x128xf32, #tpu.memory_space<vmem>>) target_semaphore(%arg12 : memref<!tpu.dma_semaphore, #tpu.memory_space<semaphore_mem>>)
      %dma_wait3A = arith.constant 0 : i32
      %dma_wait3A_384 = arith.constant 0 : i32
      %dma_wait3A_385 = tpu.memref_slice %arg4[%dma_wait3A, %dma_wait3A_384] : memref<32x1000000xf32, #tpu.memory_space<hbm>> -> memref<32x2048xf32, #tpu.memory_space<hbm>>
      %dma_wait3A_386 = arith.constant 0 : i32
      %dma_wait3A_387 = arith.constant 0 : i32
      %dma_wait3A_388 = tpu.memref_slice %arg4[%dma_wait3A_386, %dma_wait3A_387] : memref<32x1000000xf32, #tpu.memory_space<hbm>> -> memref<32x2048xf32, #tpu.memory_space<hbm>>
      tpu.wait_dma2 semaphore(%arg12 : memref<!tpu.dma_semaphore, #tpu.memory_space<semaphore_mem>>) src(%dma_wait3A_388 : memref<32x2048xf32, #tpu.memory_space<hbm>>) dst(%arg9 : memref<32x2048xf32, #tpu.memory_space<vmem>>)
      %mul3A_389 = arith.constant 128 : i32
      %mul3A_390 = vector.broadcast %mul3A_389 : i32 to vector<16xi32>
      %mul3A_391 = arith.muli %iota3A, %mul3A_390 : vector<16xi32>
      %and3A_392 = arith.constant 127 : i32
      %and3A_393 = vector.broadcast %and3A_392 : i32 to vector<16xi32>
      %and3A_394 = arith.andi %get3A_23, %and3A_393 : vector<16xi32>
      %add3A_395 = arith.addi %mul3A_391, %and3A_394 : vector<16xi32>
      %broadcast_in_dim3A_396 = arith.constant 0 : i32
      %broadcast_in_dim3A_397 = vector.broadcast %broadcast_in_dim3A_396 : i32 to vector<16xi32>
      %gather3A = tpu.vector_load_idx %arg9[%broadcast_in_dim3A_397, %add3A_395] : memref<32x2048xf32, #tpu.memory_space<vmem>>[vector<16xi32>, vector<16xi32>], vector<16xf32>,
      %mul3A_398 = arith.constant 16 : i32
      %mul3A_399 = arith.muli %scan3A_17, %mul3A_398 : i32
      %swap3A = arith.constant 0 : i32
      %swap3A_400 = arith.index_cast %swap3A : i32 to index
      %swap3A_401 = arith.index_cast %mul3A_399 : i32 to index
      %swap3A_402 = tpu.vector_load %arg10[%swap3A_400, %swap3A_401] {strides = array<i32>} : memref<32x512xf32, #tpu.memory_space<vmem>>, vector<16xf32>,
      tpu.vector_store %arg10[%swap3A_400, %swap3A_401], %gather3A {strides = array<i32>} : memref<32x512xf32, #tpu.memory_space<vmem>>, vector<16xf32>,
      %broadcast_in_dim3A_403 = arith.constant 1 : i32
      %broadcast_in_dim3A_404 = vector.broadcast %broadcast_in_dim3A_403 : i32 to vector<16xi32>
      %gather3A_405 = tpu.vector_load_idx %arg9[%broadcast_in_dim3A_404, %add3A_395] : memref<32x2048xf32, #tpu.memory_space<vmem>>[vector<16xi32>, vector<16xi32>], vector<16xf32>,
      %mul3A_406 = arith.constant 16 : i32
      %mul3A_407 = arith.muli %scan3A_17, %mul3A_406 : i32
      %swap3A_408 = arith.constant 1 : i32
      %swap3A_409 = arith.index_cast %swap3A_408 : i32 to index
      %swap3A_410 = arith.index_cast %mul3A_407 : i32 to index
      %swap3A_411 = tpu.vector_load %arg10[%swap3A_409, %swap3A_410] {strides = array<i32>} : memref<32x512xf32, #tpu.memory_space<vmem>>, vector<16xf32>,
      tpu.vector_store %arg10[%swap3A_409, %swap3A_410], %gather3A_405 {strides = array<i32>} : memref<32x512xf32, #tpu.memory_space<vmem>>, vector<16xf32>,
      %broadcast_in_dim3A_412 = arith.constant 2 : i32
      %broadcast_in_dim3A_413 = vector.broadcast %broadcast_in_dim3A_412 : i32 to vector<16xi32>
      %gather3A_414 = tpu.vector_load_idx %arg9[%broadcast_in_dim3A_413, %add3A_395] : memref<32x2048xf32, #tpu.memory_space<vmem>>[vector<16xi32>, vector<16xi32>], vector<16xf32>,
      %mul3A_415 = arith.constant 16 : i32
      %mul3A_416 = arith.muli %scan3A_17, %mul3A_415 : i32
      %swap3A_417 = arith.constant 2 : i32
      %swap3A_418 = arith.index_cast %swap3A_417 : i32 to index
      %swap3A_419 = arith.index_cast %mul3A_416 : i32 to index
      %swap3A_420 = tpu.vector_load %arg10[%swap3A_418, %swap3A_419] {strides = array<i32>} : memref<32x512xf32, #tpu.memory_space<vmem>>, vector<16xf32>,
      tpu.vector_store %arg10[%swap3A_418, %swap3A_419], %gather3A_414 {strides = array<i32>} : memref<32x512xf32, #tpu.memory_space<vmem>>, vector<16xf32>,
      %broadcast_in_dim3A_421 = arith.constant 3 : i32
      %broadcast_in_dim3A_422 = vector.broadcast %broadcast_in_dim3A_421 : i32 to vector<16xi32>
      %gather3A_423 = tpu.vector_load_idx %arg9[%broadcast_in_dim3A_422, %add3A_395] : memref<32x2048xf32, #tpu.memory_space<vmem>>[vector<16xi32>, vector<16xi32>], vector<16xf32>,
      %mul3A_424 = arith.constant 16 : i32
      %mul3A_425 = arith.muli %scan3A_17, %mul3A_424 : i32
      %swap3A_426 = arith.constant 3 : i32
      %swap3A_427 = arith.index_cast %swap3A_426 : i32 to index
      %swap3A_428 = arith.index_cast %mul3A_425 : i32 to index
      %swap3A_429 = tpu.vector_load %arg10[%swap3A_427, %swap3A_428] {strides = array<i32>} : memref<32x512xf32, #tpu.memory_space<vmem>>, vector<16xf32>,
      tpu.vector_store %arg10[%swap3A_427, %swap3A_428], %gather3A_423 {strides = array<i32>} : memref<32x512xf32, #tpu.memory_space<vmem>>, vector<16xf32>,
      %broadcast_in_dim3A_430 = arith.constant 4 : i32
      %broadcast_in_dim3A_431 = vector.broadcast %broadcast_in_dim3A_430 : i32 to vector<16xi32>
      %gather3A_432 = tpu.vector_load_idx %arg9[%broadcast_in_dim3A_431, %add3A_395] : memref<32x2048xf32, #tpu.memory_space<vmem>>[vector<16xi32>, vector<16xi32>], vector<16xf32>,
      %mul3A_433 = arith.constant 16 : i32
      %mul3A_434 = arith.muli %scan3A_17, %mul3A_433 : i32
      %swap3A_435 = arith.constant 4 : i32
      %swap3A_436 = arith.index_cast %swap3A_435 : i32 to index
      %swap3A_437 = arith.index_cast %mul3A_434 : i32 to index
      %swap3A_438 = tpu.vector_load %arg10[%swap3A_436, %swap3A_437] {strides = array<i32>} : memref<32x512xf32, #tpu.memory_space<vmem>>, vector<16xf32>,
      tpu.vector_store %arg10[%swap3A_436, %swap3A_437], %gather3A_432 {strides = array<i32>} : memref<32x512xf32, #tpu.memory_space<vmem>>, vector<16xf32>,
      %broadcast_in_dim3A_439 = arith.constant 5 : i32
      %broadcast_in_dim3A_440 = vector.broadcast %broadcast_in_dim3A_439 : i32 to vector<16xi32>
      %gather3A_441 = tpu.vector_load_idx %arg9[%broadcast_in_dim3A_440, %add3A_395] : memref<32x2048xf32, #tpu.memory_space<vmem>>[vector<16xi32>, vector<16xi32>], vector<16xf32>,
      %mul3A_442 = arith.constant 16 : i32
      %mul3A_443 = arith.muli %scan3A_17, %mul3A_442 : i32
      %swap3A_444 = arith.constant 5 : i32
      %swap3A_445 = arith.index_cast %swap3A_444 : i32 to index
      %swap3A_446 = arith.index_cast %mul3A_443 : i32 to index
      %swap3A_447 = tpu.vector_load %arg10[%swap3A_445, %swap3A_446] {strides = array<i32>} : memref<32x512xf32, #tpu.memory_space<vmem>>, vector<16xf32>,
      tpu.vector_store %arg10[%swap3A_445, %swap3A_446], %gather3A_441 {strides = array<i32>} : memref<32x512xf32, #tpu.memory_space<vmem>>, vector<16xf32>,
      %broadcast_in_dim3A_448 = arith.constant 6 : i32
      %broadcast_in_dim3A_449 = vector.broadcast %broadcast_in_dim3A_448 : i32 to vector<16xi32>
      %gather3A_450 = tpu.vector_load_idx %arg9[%broadcast_in_dim3A_449, %add3A_395] : memref<32x2048xf32, #tpu.memory_space<vmem>>[vector<16xi32>, vector<16xi32>], vector<16xf32>,
      %mul3A_451 = arith.constant 16 : i32
      %mul3A_452 = arith.muli %scan3A_17, %mul3A_451 : i32
      %swap3A_453 = arith.constant 6 : i32
      %swap3A_454 = arith.index_cast %swap3A_453 : i32 to index
      %swap3A_455 = arith.index_cast %mul3A_452 : i32 to index
      %swap3A_456 = tpu.vector_load %arg10[%swap3A_454, %swap3A_455] {strides = array<i32>} : memref<32x512xf32, #tpu.memory_space<vmem>>, vector<16xf32>,
      tpu.vector_store %arg10[%swap3A_454, %swap3A_455], %gather3A_450 {strides = array<i32>} : memref<32x512xf32, #tpu.memory_space<vmem>>, vector<16xf32>,
      %broadcast_in_dim3A_457 = arith.constant 7 : i32
      %broadcast_in_dim3A_458 = vector.broadcast %broadcast_in_dim3A_457 : i32 to vector<16xi32>
      %gather3A_459 = tpu.vector_load_idx %arg9[%broadcast_in_dim3A_458, %add3A_395] : memref<32x2048xf32, #tpu.memory_space<vmem>>[vector<16xi32>, vector<16xi32>], vector<16xf32>,
      %mul3A_460 = arith.constant 16 : i32
      %mul3A_461 = arith.muli %scan3A_17, %mul3A_460 : i32
      %swap3A_462 = arith.constant 7 : i32
      %swap3A_463 = arith.index_cast %swap3A_462 : i32 to index
      %swap3A_464 = arith.index_cast %mul3A_461 : i32 to index
      %swap3A_465 = tpu.vector_load %arg10[%swap3A_463, %swap3A_464] {strides = array<i32>} : memref<32x512xf32, #tpu.memory_space<vmem>>, vector<16xf32>,
      tpu.vector_store %arg10[%swap3A_463, %swap3A_464], %gather3A_459 {strides = array<i32>} : memref<32x512xf32, #tpu.memory_space<vmem>>, vector<16xf32>,
      %broadcast_in_dim3A_466 = arith.constant 8 : i32
      %broadcast_in_dim3A_467 = vector.broadcast %broadcast_in_dim3A_466 : i32 to vector<16xi32>
      %gather3A_468 = tpu.vector_load_idx %arg9[%broadcast_in_dim3A_467, %add3A_395] : memref<32x2048xf32, #tpu.memory_space<vmem>>[vector<16xi32>, vector<16xi32>], vector<16xf32>,
      %mul3A_469 = arith.constant 16 : i32
      %mul3A_470 = arith.muli %scan3A_17, %mul3A_469 : i32
      %swap3A_471 = arith.constant 8 : i32
      %swap3A_472 = arith.index_cast %swap3A_471 : i32 to index
      %swap3A_473 = arith.index_cast %mul3A_470 : i32 to index
      %swap3A_474 = tpu.vector_load %arg10[%swap3A_472, %swap3A_473] {strides = array<i32>} : memref<32x512xf32, #tpu.memory_space<vmem>>, vector<16xf32>,
      tpu.vector_store %arg10[%swap3A_472, %swap3A_473], %gather3A_468 {strides = array<i32>} : memref<32x512xf32, #tpu.memory_space<vmem>>, vector<16xf32>,
      %broadcast_in_dim3A_475 = arith.constant 9 : i32
      %broadcast_in_dim3A_476 = vector.broadcast %broadcast_in_dim3A_475 : i32 to vector<16xi32>
      %gather3A_477 = tpu.vector_load_idx %arg9[%broadcast_in_dim3A_476, %add3A_395] : memref<32x2048xf32, #tpu.memory_space<vmem>>[vector<16xi32>, vector<16xi32>], vector<16xf32>,
      %mul3A_478 = arith.constant 16 : i32
      %mul3A_479 = arith.muli %scan3A_17, %mul3A_478 : i32
      %swap3A_480 = arith.constant 9 : i32
      %swap3A_481 = arith.index_cast %swap3A_480 : i32 to index
      %swap3A_482 = arith.index_cast %mul3A_479 : i32 to index
      %swap3A_483 = tpu.vector_load %arg10[%swap3A_481, %swap3A_482] {strides = array<i32>} : memref<32x512xf32, #tpu.memory_space<vmem>>, vector<16xf32>,
      tpu.vector_store %arg10[%swap3A_481, %swap3A_482], %gather3A_477 {strides = array<i32>} : memref<32x512xf32, #tpu.memory_space<vmem>>, vector<16xf32>,
      %broadcast_in_dim3A_484 = arith.constant 10 : i32
      %broadcast_in_dim3A_485 = vector.broadcast %broadcast_in_dim3A_484 : i32 to vector<16xi32>
      %gather3A_486 = tpu.vector_load_idx %arg9[%broadcast_in_dim3A_485, %add3A_395] : memref<32x2048xf32, #tpu.memory_space<vmem>>[vector<16xi32>, vector<16xi32>], vector<16xf32>,
      %mul3A_487 = arith.constant 16 : i32
      %mul3A_488 = arith.muli %scan3A_17, %mul3A_487 : i32
      %swap3A_489 = arith.constant 10 : i32
      %swap3A_490 = arith.index_cast %swap3A_489 : i32 to index
      %swap3A_491 = arith.index_cast %mul3A_488 : i32 to index
      %swap3A_492 = tpu.vector_load %arg10[%swap3A_490, %swap3A_491] {strides = array<i32>} : memref<32x512xf32, #tpu.memory_space<vmem>>, vector<16xf32>,
      tpu.vector_store %arg10[%swap3A_490, %swap3A_491], %gather3A_486 {strides = array<i32>} : memref<32x512xf32, #tpu.memory_space<vmem>>, vector<16xf32>,
      %broadcast_in_dim3A_493 = arith.constant 11 : i32
      %broadcast_in_dim3A_494 = vector.broadcast %broadcast_in_dim3A_493 : i32 to vector<16xi32>
      %gather3A_495 = tpu.vector_load_idx %arg9[%broadcast_in_dim3A_494, %add3A_395] : memref<32x2048xf32, #tpu.memory_space<vmem>>[vector<16xi32>, vector<16xi32>], vector<16xf32>,
      %mul3A_496 = arith.constant 16 : i32
      %mul3A_497 = arith.muli %scan3A_17, %mul3A_496 : i32
      %swap3A_498 = arith.constant 11 : i32
      %swap3A_499 = arith.index_cast %swap3A_498 : i32 to index
      %swap3A_500 = arith.index_cast %mul3A_497 : i32 to index
      %swap3A_501 = tpu.vector_load %arg10[%swap3A_499, %swap3A_500] {strides = array<i32>} : memref<32x512xf32, #tpu.memory_space<vmem>>, vector<16xf32>,
      tpu.vector_store %arg10[%swap3A_499, %swap3A_500], %gather3A_495 {strides = array<i32>} : memref<32x512xf32, #tpu.memory_space<vmem>>, vector<16xf32>,
      %broadcast_in_dim3A_502 = arith.constant 12 : i32
      %broadcast_in_dim3A_503 = vector.broadcast %broadcast_in_dim3A_502 : i32 to vector<16xi32>
      %gather3A_504 = tpu.vector_load_idx %arg9[%broadcast_in_dim3A_503, %add3A_395] : memref<32x2048xf32, #tpu.memory_space<vmem>>[vector<16xi32>, vector<16xi32>], vector<16xf32>,
      %mul3A_505 = arith.constant 16 : i32
      %mul3A_506 = arith.muli %scan3A_17, %mul3A_505 : i32
      %swap3A_507 = arith.constant 12 : i32
      %swap3A_508 = arith.index_cast %swap3A_507 : i32 to index
      %swap3A_509 = arith.index_cast %mul3A_506 : i32 to index
      %swap3A_510 = tpu.vector_load %arg10[%swap3A_508, %swap3A_509] {strides = array<i32>} : memref<32x512xf32, #tpu.memory_space<vmem>>, vector<16xf32>,
      tpu.vector_store %arg10[%swap3A_508, %swap3A_509], %gather3A_504 {strides = array<i32>} : memref<32x512xf32, #tpu.memory_space<vmem>>, vector<16xf32>,
      %broadcast_in_dim3A_511 = arith.constant 13 : i32
      %broadcast_in_dim3A_512 = vector.broadcast %broadcast_in_dim3A_511 : i32 to vector<16xi32>
      %gather3A_513 = tpu.vector_load_idx %arg9[%broadcast_in_dim3A_512, %add3A_395] : memref<32x2048xf32, #tpu.memory_space<vmem>>[vector<16xi32>, vector<16xi32>], vector<16xf32>,
      %mul3A_514 = arith.constant 16 : i32
      %mul3A_515 = arith.muli %scan3A_17, %mul3A_514 : i32
      %swap3A_516 = arith.constant 13 : i32
      %swap3A_517 = arith.index_cast %swap3A_516 : i32 to index
      %swap3A_518 = arith.index_cast %mul3A_515 : i32 to index
      %swap3A_519 = tpu.vector_load %arg10[%swap3A_517, %swap3A_518] {strides = array<i32>} : memref<32x512xf32, #tpu.memory_space<vmem>>, vector<16xf32>,
      tpu.vector_store %arg10[%swap3A_517, %swap3A_518], %gather3A_513 {strides = array<i32>} : memref<32x512xf32, #tpu.memory_space<vmem>>, vector<16xf32>,
      %broadcast_in_dim3A_520 = arith.constant 14 : i32
      %broadcast_in_dim3A_521 = vector.broadcast %broadcast_in_dim3A_520 : i32 to vector<16xi32>
      %gather3A_522 = tpu.vector_load_idx %arg9[%broadcast_in_dim3A_521, %add3A_395] : memref<32x2048xf32, #tpu.memory_space<vmem>>[vector<16xi32>, vector<16xi32>], vector<16xf32>,
      %mul3A_523 = arith.constant 16 : i32
      %mul3A_524 = arith.muli %scan3A_17, %mul3A_523 : i32
      %swap3A_525 = arith.constant 14 : i32
      %swap3A_526 = arith.index_cast %swap3A_525 : i32 to index
      %swap3A_527 = arith.index_cast %mul3A_524 : i32 to index
      %swap3A_528 = tpu.vector_load %arg10[%swap3A_526, %swap3A_527] {strides = array<i32>} : memref<32x512xf32, #tpu.memory_space<vmem>>, vector<16xf32>,
      tpu.vector_store %arg10[%swap3A_526, %swap3A_527], %gather3A_522 {strides = array<i32>} : memref<32x512xf32, #tpu.memory_space<vmem>>, vector<16xf32>,
      %broadcast_in_dim3A_529 = arith.constant 15 : i32
      %broadcast_in_dim3A_530 = vector.broadcast %broadcast_in_dim3A_529 : i32 to vector<16xi32>
      %gather3A_531 = tpu.vector_load_idx %arg9[%broadcast_in_dim3A_530, %add3A_395] : memref<32x2048xf32, #tpu.memory_space<vmem>>[vector<16xi32>, vector<16xi32>], vector<16xf32>,
      %mul3A_532 = arith.constant 16 : i32
      %mul3A_533 = arith.muli %scan3A_17, %mul3A_532 : i32
      %swap3A_534 = arith.constant 15 : i32
      %swap3A_535 = arith.index_cast %swap3A_534 : i32 to index
      %swap3A_536 = arith.index_cast %mul3A_533 : i32 to index
      %swap3A_537 = tpu.vector_load %arg10[%swap3A_535, %swap3A_536] {strides = array<i32>} : memref<32x512xf32, #tpu.memory_space<vmem>>, vector<16xf32>,
      tpu.vector_store %arg10[%swap3A_535, %swap3A_536], %gather3A_531 {strides = array<i32>} : memref<32x512xf32, #tpu.memory_space<vmem>>, vector<16xf32>,
      %broadcast_in_dim3A_538 = arith.constant 16 : i32
      %broadcast_in_dim3A_539 = vector.broadcast %broadcast_in_dim3A_538 : i32 to vector<16xi32>
      %gather3A_540 = tpu.vector_load_idx %arg9[%broadcast_in_dim3A_539, %add3A_395] : memref<32x2048xf32, #tpu.memory_space<vmem>>[vector<16xi32>, vector<16xi32>], vector<16xf32>,
      %mul3A_541 = arith.constant 16 : i32
      %mul3A_542 = arith.muli %scan3A_17, %mul3A_541 : i32
      %swap3A_543 = arith.constant 16 : i32
      %swap3A_544 = arith.index_cast %swap3A_543 : i32 to index
      %swap3A_545 = arith.index_cast %mul3A_542 : i32 to index
      %swap3A_546 = tpu.vector_load %arg10[%swap3A_544, %swap3A_545] {strides = array<i32>} : memref<32x512xf32, #tpu.memory_space<vmem>>, vector<16xf32>,
      tpu.vector_store %arg10[%swap3A_544, %swap3A_545], %gather3A_540 {strides = array<i32>} : memref<32x512xf32, #tpu.memory_space<vmem>>, vector<16xf32>,
      %broadcast_in_dim3A_547 = arith.constant 17 : i32
      %broadcast_in_dim3A_548 = vector.broadcast %broadcast_in_dim3A_547 : i32 to vector<16xi32>
      %gather3A_549 = tpu.vector_load_idx %arg9[%broadcast_in_dim3A_548, %add3A_395] : memref<32x2048xf32, #tpu.memory_space<vmem>>[vector<16xi32>, vector<16xi32>], vector<16xf32>,
      %mul3A_550 = arith.constant 16 : i32
      %mul3A_551 = arith.muli %scan3A_17, %mul3A_550 : i32
      %swap3A_552 = arith.constant 17 : i32
      %swap3A_553 = arith.index_cast %swap3A_552 : i32 to index
      %swap3A_554 = arith.index_cast %mul3A_551 : i32 to index
      %swap3A_555 = tpu.vector_load %arg10[%swap3A_553, %swap3A_554] {strides = array<i32>} : memref<32x512xf32, #tpu.memory_space<vmem>>, vector<16xf32>,
      tpu.vector_store %arg10[%swap3A_553, %swap3A_554], %gather3A_549 {strides = array<i32>} : memref<32x512xf32, #tpu.memory_space<vmem>>, vector<16xf32>,
      %broadcast_in_dim3A_556 = arith.constant 18 : i32
      %broadcast_in_dim3A_557 = vector.broadcast %broadcast_in_dim3A_556 : i32 to vector<16xi32>
      %gather3A_558 = tpu.vector_load_idx %arg9[%broadcast_in_dim3A_557, %add3A_395] : memref<32x2048xf32, #tpu.memory_space<vmem>>[vector<16xi32>, vector<16xi32>], vector<16xf32>,
      %mul3A_559 = arith.constant 16 : i32
      %mul3A_560 = arith.muli %scan3A_17, %mul3A_559 : i32
      %swap3A_561 = arith.constant 18 : i32
      %swap3A_562 = arith.index_cast %swap3A_561 : i32 to index
      %swap3A_563 = arith.index_cast %mul3A_560 : i32 to index
      %swap3A_564 = tpu.vector_load %arg10[%swap3A_562, %swap3A_563] {strides = array<i32>} : memref<32x512xf32, #tpu.memory_space<vmem>>, vector<16xf32>,
      tpu.vector_store %arg10[%swap3A_562, %swap3A_563], %gather3A_558 {strides = array<i32>} : memref<32x512xf32, #tpu.memory_space<vmem>>, vector<16xf32>,
      %broadcast_in_dim3A_565 = arith.constant 19 : i32
      %broadcast_in_dim3A_566 = vector.broadcast %broadcast_in_dim3A_565 : i32 to vector<16xi32>
      %gather3A_567 = tpu.vector_load_idx %arg9[%broadcast_in_dim3A_566, %add3A_395] : memref<32x2048xf32, #tpu.memory_space<vmem>>[vector<16xi32>, vector<16xi32>], vector<16xf32>,
      %mul3A_568 = arith.constant 16 : i32
      %mul3A_569 = arith.muli %scan3A_17, %mul3A_568 : i32
      %swap3A_570 = arith.constant 19 : i32
      %swap3A_571 = arith.index_cast %swap3A_570 : i32 to index
      %swap3A_572 = arith.index_cast %mul3A_569 : i32 to index
      %swap3A_573 = tpu.vector_load %arg10[%swap3A_571, %swap3A_572] {strides = array<i32>} : memref<32x512xf32, #tpu.memory_space<vmem>>, vector<16xf32>,
      tpu.vector_store %arg10[%swap3A_571, %swap3A_572], %gather3A_567 {strides = array<i32>} : memref<32x512xf32, #tpu.memory_space<vmem>>, vector<16xf32>,
      %broadcast_in_dim3A_574 = arith.constant 20 : i32
      %broadcast_in_dim3A_575 = vector.broadcast %broadcast_in_dim3A_574 : i32 to vector<16xi32>
      %gather3A_576 = tpu.vector_load_idx %arg9[%broadcast_in_dim3A_575, %add3A_395] : memref<32x2048xf32, #tpu.memory_space<vmem>>[vector<16xi32>, vector<16xi32>], vector<16xf32>,
      %mul3A_577 = arith.constant 16 : i32
      %mul3A_578 = arith.muli %scan3A_17, %mul3A_577 : i32
      %swap3A_579 = arith.constant 20 : i32
      %swap3A_580 = arith.index_cast %swap3A_579 : i32 to index
      %swap3A_581 = arith.index_cast %mul3A_578 : i32 to index
      %swap3A_582 = tpu.vector_load %arg10[%swap3A_580, %swap3A_581] {strides = array<i32>} : memref<32x512xf32, #tpu.memory_space<vmem>>, vector<16xf32>,
      tpu.vector_store %arg10[%swap3A_580, %swap3A_581], %gather3A_576 {strides = array<i32>} : memref<32x512xf32, #tpu.memory_space<vmem>>, vector<16xf32>,
      %broadcast_in_dim3A_583 = arith.constant 21 : i32
      %broadcast_in_dim3A_584 = vector.broadcast %broadcast_in_dim3A_583 : i32 to vector<16xi32>
      %gather3A_585 = tpu.vector_load_idx %arg9[%broadcast_in_dim3A_584, %add3A_395] : memref<32x2048xf32, #tpu.memory_space<vmem>>[vector<16xi32>, vector<16xi32>], vector<16xf32>,
      %mul3A_586 = arith.constant 16 : i32
      %mul3A_587 = arith.muli %scan3A_17, %mul3A_586 : i32
      %swap3A_588 = arith.constant 21 : i32
      %swap3A_589 = arith.index_cast %swap3A_588 : i32 to index
      %swap3A_590 = arith.index_cast %mul3A_587 : i32 to index
      %swap3A_591 = tpu.vector_load %arg10[%swap3A_589, %swap3A_590] {strides = array<i32>} : memref<32x512xf32, #tpu.memory_space<vmem>>, vector<16xf32>,
      tpu.vector_store %arg10[%swap3A_589, %swap3A_590], %gather3A_585 {strides = array<i32>} : memref<32x512xf32, #tpu.memory_space<vmem>>, vector<16xf32>,
      %broadcast_in_dim3A_592 = arith.constant 22 : i32
      %broadcast_in_dim3A_593 = vector.broadcast %broadcast_in_dim3A_592 : i32 to vector<16xi32>
      %gather3A_594 = tpu.vector_load_idx %arg9[%broadcast_in_dim3A_593, %add3A_395] : memref<32x2048xf32, #tpu.memory_space<vmem>>[vector<16xi32>, vector<16xi32>], vector<16xf32>,
      %mul3A_595 = arith.constant 16 : i32
      %mul3A_596 = arith.muli %scan3A_17, %mul3A_595 : i32
      %swap3A_597 = arith.constant 22 : i32
      %swap3A_598 = arith.index_cast %swap3A_597 : i32 to index
      %swap3A_599 = arith.index_cast %mul3A_596 : i32 to index
      %swap3A_600 = tpu.vector_load %arg10[%swap3A_598, %swap3A_599] {strides = array<i32>} : memref<32x512xf32, #tpu.memory_space<vmem>>, vector<16xf32>,
      tpu.vector_store %arg10[%swap3A_598, %swap3A_599], %gather3A_594 {strides = array<i32>} : memref<32x512xf32, #tpu.memory_space<vmem>>, vector<16xf32>,
      %broadcast_in_dim3A_601 = arith.constant 23 : i32
      %broadcast_in_dim3A_602 = vector.broadcast %broadcast_in_dim3A_601 : i32 to vector<16xi32>
      %gather3A_603 = tpu.vector_load_idx %arg9[%broadcast_in_dim3A_602, %add3A_395] : memref<32x2048xf32, #tpu.memory_space<vmem>>[vector<16xi32>, vector<16xi32>], vector<16xf32>,
      %mul3A_604 = arith.constant 16 : i32
      %mul3A_605 = arith.muli %scan3A_17, %mul3A_604 : i32
      %swap3A_606 = arith.constant 23 : i32
      %swap3A_607 = arith.index_cast %swap3A_606 : i32 to index
      %swap3A_608 = arith.index_cast %mul3A_605 : i32 to index
      %swap3A_609 = tpu.vector_load %arg10[%swap3A_607, %swap3A_608] {strides = array<i32>} : memref<32x512xf32, #tpu.memory_space<vmem>>, vector<16xf32>,
      tpu.vector_store %arg10[%swap3A_607, %swap3A_608], %gather3A_603 {strides = array<i32>} : memref<32x512xf32, #tpu.memory_space<vmem>>, vector<16xf32>,
      %broadcast_in_dim3A_610 = arith.constant 24 : i32
      %broadcast_in_dim3A_611 = vector.broadcast %broadcast_in_dim3A_610 : i32 to vector<16xi32>
      %gather3A_612 = tpu.vector_load_idx %arg9[%broadcast_in_dim3A_611, %add3A_395] : memref<32x2048xf32, #tpu.memory_space<vmem>>[vector<16xi32>, vector<16xi32>], vector<16xf32>,
      %mul3A_613 = arith.constant 16 : i32
      %mul3A_614 = arith.muli %scan3A_17, %mul3A_613 : i32
      %swap3A_615 = arith.constant 24 : i32
      %swap3A_616 = arith.index_cast %swap3A_615 : i32 to index
      %swap3A_617 = arith.index_cast %mul3A_614 : i32 to index
      %swap3A_618 = tpu.vector_load %arg10[%swap3A_616, %swap3A_617] {strides = array<i32>} : memref<32x512xf32, #tpu.memory_space<vmem>>, vector<16xf32>,
      tpu.vector_store %arg10[%swap3A_616, %swap3A_617], %gather3A_612 {strides = array<i32>} : memref<32x512xf32, #tpu.memory_space<vmem>>, vector<16xf32>,
      %broadcast_in_dim3A_619 = arith.constant 25 : i32
      %broadcast_in_dim3A_620 = vector.broadcast %broadcast_in_dim3A_619 : i32 to vector<16xi32>
      %gather3A_621 = tpu.vector_load_idx %arg9[%broadcast_in_dim3A_620, %add3A_395] : memref<32x2048xf32, #tpu.memory_space<vmem>>[vector<16xi32>, vector<16xi32>], vector<16xf32>,
      %mul3A_622 = arith.constant 16 : i32
      %mul3A_623 = arith.muli %scan3A_17, %mul3A_622 : i32
      %swap3A_624 = arith.constant 25 : i32
      %swap3A_625 = arith.index_cast %swap3A_624 : i32 to index
      %swap3A_626 = arith.index_cast %mul3A_623 : i32 to index
      %swap3A_627 = tpu.vector_load %arg10[%swap3A_625, %swap3A_626] {strides = array<i32>} : memref<32x512xf32, #tpu.memory_space<vmem>>, vector<16xf32>,
      tpu.vector_store %arg10[%swap3A_625, %swap3A_626], %gather3A_621 {strides = array<i32>} : memref<32x512xf32, #tpu.memory_space<vmem>>, vector<16xf32>,
      %broadcast_in_dim3A_628 = arith.constant 26 : i32
      %broadcast_in_dim3A_629 = vector.broadcast %broadcast_in_dim3A_628 : i32 to vector<16xi32>
      %gather3A_630 = tpu.vector_load_idx %arg9[%broadcast_in_dim3A_629, %add3A_395] : memref<32x2048xf32, #tpu.memory_space<vmem>>[vector<16xi32>, vector<16xi32>], vector<16xf32>,
      %mul3A_631 = arith.constant 16 : i32
      %mul3A_632 = arith.muli %scan3A_17, %mul3A_631 : i32
      %swap3A_633 = arith.constant 26 : i32
      %swap3A_634 = arith.index_cast %swap3A_633 : i32 to index
      %swap3A_635 = arith.index_cast %mul3A_632 : i32 to index
      %swap3A_636 = tpu.vector_load %arg10[%swap3A_634, %swap3A_635] {strides = array<i32>} : memref<32x512xf32, #tpu.memory_space<vmem>>, vector<16xf32>,
      tpu.vector_store %arg10[%swap3A_634, %swap3A_635], %gather3A_630 {strides = array<i32>} : memref<32x512xf32, #tpu.memory_space<vmem>>, vector<16xf32>,
      %broadcast_in_dim3A_637 = arith.constant 27 : i32
      %broadcast_in_dim3A_638 = vector.broadcast %broadcast_in_dim3A_637 : i32 to vector<16xi32>
      %gather3A_639 = tpu.vector_load_idx %arg9[%broadcast_in_dim3A_638, %add3A_395] : memref<32x2048xf32, #tpu.memory_space<vmem>>[vector<16xi32>, vector<16xi32>], vector<16xf32>,
      %mul3A_640 = arith.constant 16 : i32
      %mul3A_641 = arith.muli %scan3A_17, %mul3A_640 : i32
      %swap3A_642 = arith.constant 27 : i32
      %swap3A_643 = arith.index_cast %swap3A_642 : i32 to index
      %swap3A_644 = arith.index_cast %mul3A_641 : i32 to index
      %swap3A_645 = tpu.vector_load %arg10[%swap3A_643, %swap3A_644] {strides = array<i32>} : memref<32x512xf32, #tpu.memory_space<vmem>>, vector<16xf32>,
      tpu.vector_store %arg10[%swap3A_643, %swap3A_644], %gather3A_639 {strides = array<i32>} : memref<32x512xf32, #tpu.memory_space<vmem>>, vector<16xf32>,
      %broadcast_in_dim3A_646 = arith.constant 28 : i32
      %broadcast_in_dim3A_647 = vector.broadcast %broadcast_in_dim3A_646 : i32 to vector<16xi32>
      %gather3A_648 = tpu.vector_load_idx %arg9[%broadcast_in_dim3A_647, %add3A_395] : memref<32x2048xf32, #tpu.memory_space<vmem>>[vector<16xi32>, vector<16xi32>], vector<16xf32>,
      %mul3A_649 = arith.constant 16 : i32
      %mul3A_650 = arith.muli %scan3A_17, %mul3A_649 : i32
      %swap3A_651 = arith.constant 28 : i32
      %swap3A_652 = arith.index_cast %swap3A_651 : i32 to index
      %swap3A_653 = arith.index_cast %mul3A_650 : i32 to index
      %swap3A_654 = tpu.vector_load %arg10[%swap3A_652, %swap3A_653] {strides = array<i32>} : memref<32x512xf32, #tpu.memory_space<vmem>>, vector<16xf32>,
      tpu.vector_store %arg10[%swap3A_652, %swap3A_653], %gather3A_648 {strides = array<i32>} : memref<32x512xf32, #tpu.memory_space<vmem>>, vector<16xf32>,
      %broadcast_in_dim3A_655 = arith.constant 29 : i32
      %broadcast_in_dim3A_656 = vector.broadcast %broadcast_in_dim3A_655 : i32 to vector<16xi32>
      %gather3A_657 = tpu.vector_load_idx %arg9[%broadcast_in_dim3A_656, %add3A_395] : memref<32x2048xf32, #tpu.memory_space<vmem>>[vector<16xi32>, vector<16xi32>], vector<16xf32>,
      %mul3A_658 = arith.constant 16 : i32
      %mul3A_659 = arith.muli %scan3A_17, %mul3A_658 : i32
      %swap3A_660 = arith.constant 29 : i32
      %swap3A_661 = arith.index_cast %swap3A_660 : i32 to index
      %swap3A_662 = arith.index_cast %mul3A_659 : i32 to index
      %swap3A_663 = tpu.vector_load %arg10[%swap3A_661, %swap3A_662] {strides = array<i32>} : memref<32x512xf32, #tpu.memory_space<vmem>>, vector<16xf32>,
      tpu.vector_store %arg10[%swap3A_661, %swap3A_662], %gather3A_657 {strides = array<i32>} : memref<32x512xf32, #tpu.memory_space<vmem>>, vector<16xf32>,
      %broadcast_in_dim3A_664 = arith.constant 30 : i32
      %broadcast_in_dim3A_665 = vector.broadcast %broadcast_in_dim3A_664 : i32 to vector<16xi32>
      %gather3A_666 = tpu.vector_load_idx %arg9[%broadcast_in_dim3A_665, %add3A_395] : memref<32x2048xf32, #tpu.memory_space<vmem>>[vector<16xi32>, vector<16xi32>], vector<16xf32>,
      %mul3A_667 = arith.constant 16 : i32
      %mul3A_668 = arith.muli %scan3A_17, %mul3A_667 : i32
      %swap3A_669 = arith.constant 30 : i32
      %swap3A_670 = arith.index_cast %swap3A_669 : i32 to index
      %swap3A_671 = arith.index_cast %mul3A_668 : i32 to index
      %swap3A_672 = tpu.vector_load %arg10[%swap3A_670, %swap3A_671] {strides = array<i32>} : memref<32x512xf32, #tpu.memory_space<vmem>>, vector<16xf32>,
      tpu.vector_store %arg10[%swap3A_670, %swap3A_671], %gather3A_666 {strides = array<i32>} : memref<32x512xf32, #tpu.memory_space<vmem>>, vector<16xf32>,
      %broadcast_in_dim3A_673 = arith.constant 31 : i32
      %broadcast_in_dim3A_674 = vector.broadcast %broadcast_in_dim3A_673 : i32 to vector<16xi32>
      %gather3A_675 = tpu.vector_load_idx %arg9[%broadcast_in_dim3A_674, %add3A_395] : memref<32x2048xf32, #tpu.memory_space<vmem>>[vector<16xi32>, vector<16xi32>], vector<16xf32>,
      %mul3A_676 = arith.constant 16 : i32
      %mul3A_677 = arith.muli %scan3A_17, %mul3A_676 : i32
      %swap3A_678 = arith.constant 31 : i32
      %swap3A_679 = arith.index_cast %swap3A_678 : i32 to index
      %swap3A_680 = arith.index_cast %mul3A_677 : i32 to index
      %swap3A_681 = tpu.vector_load %arg10[%swap3A_679, %swap3A_680] {strides = array<i32>} : memref<32x512xf32, #tpu.memory_space<vmem>>, vector<16xf32>,
      tpu.vector_store %arg10[%swap3A_679, %swap3A_680], %gather3A_675 {strides = array<i32>} : memref<32x512xf32, #tpu.memory_space<vmem>>, vector<16xf32>,
      %scan3A_682 = arith.constant 0 : i32
      scf.yield %scan3A_682 : i32
    }
    %scan3A_9 = arith.constant 32 : i32
    %scan3A_10 = arith.constant 0 : i32
    %scan3A_11 = arith.constant 0 : i32
    %scan3A_12 = arith.constant 32 : i32
    %scan3A_13 = arith.addi %scan3A_11, %scan3A_12 : i32
    %scan3A_14 = arith.constant 1 : i32
    %scan3A_15 = scf.for %scan3A_17 = %scan3A_11 to %scan3A_13 step %scan3A_14 iter_args(%scan3A_18 = %scan3A_10) -> (i32)  : i32 {
      %mul3A_19 = arith.constant 16 : i32
      %mul3A_20 = arith.muli %scan3A_17, %mul3A_19 : i32
      %get3A = arith.constant 1 : i32
      %get3A_21 = arith.index_cast %get3A : i32 to index
      %get3A_22 = arith.index_cast %mul3A_20 : i32 to index
      %get3A_23 = tpu.vector_load %arg8[%get3A_21, %get3A_22] {strides = array<i32>} : memref<2x512xi32, #tpu.memory_space<vmem>>, vector<16xi32>,
      %eq3A = arith.constant 0 : i32
      %eq3A_24 = vector.broadcast %eq3A : i32 to vector<16xi32>
      %eq3A_25 = arith.cmpi eq, %iota3A, %eq3A_24 : vector<16xi32>
      %jit3A = arith.constant 0 : i32
      %broadcast_in_dim3A = vector.broadcast %jit3A : i32 to vector<16xi32>
      %select_n3A = arith.select %eq3A_25, %get3A_23, %broadcast_in_dim3A : vector<16xi1>, vector<16xi32>
      %reduce_sum3A = arith.constant true
      %reduce_sum3A_26 = vector.broadcast %reduce_sum3A : i1 to vector<16xi1>
      %reduce_sum3A_27 = tpu.scan <sum>, %select_n3A masked %reduce_sum3A_26 : vector<16xi32>, vector<16xi1> -> vector<16xi32>
      %reduce_sum3A_28 = vector.extract %reduce_sum3A_27[15] : i32 from vector<16xi32>
      %and3A = arith.constant -128 : i32
      %and3A_29 = arith.andi %reduce_sum3A_28, %and3A : i32
      %multiple_of3A = tpu.assume_multiple %and3A_29, 128 : i32
      %dma_start3A = arith.constant 0 : i32
      %dma_start3A_30 = arith.constant 0 : i32
      %dma_start3A_31 = tpu.memref_slice %arg9[%dma_start3A, %dma_start3A_30] : memref<32x2048xf32, #tpu.memory_space<vmem>> -> memref<32x128xf32, #tpu.memory_space<vmem>>
      %dma_start3A_32 = arith.constant 0 : i32
      %dma_start3A_33 = tpu.memref_slice %arg5[%dma_start3A_32, %multiple_of3A] : memref<32x1000000xf32, #tpu.memory_space<hbm>> -> memref<32x128xf32, #tpu.memory_space<hbm>>
      %dma_start3A_34 = arith.constant 0 : i32
      %dma_start3A_35 = arith.constant 0 : i32
      %dma_start3A_36 = tpu.memref_slice %arg9[%dma_start3A_34, %dma_start3A_35] : memref<32x2048xf32, #tpu.memory_space<vmem>> -> memref<32x128xf32, #tpu.memory_space<vmem>>
      %dma_start3A_37 = arith.constant 0 : i32
      %dma_start3A_38 = tpu.memref_slice %arg5[%dma_start3A_37, %multiple_of3A] : memref<32x1000000xf32, #tpu.memory_space<hbm>> -> memref<32x128xf32, #tpu.memory_space<hbm>>
      tpu.enqueue_dma source(%dma_start3A_38 : memref<32x128xf32, #tpu.memory_space<hbm>>) target(%dma_start3A_36 : memref<32x128xf32, #tpu.memory_space<vmem>>) target_semaphore(%arg12 : memref<!tpu.dma_semaphore, #tpu.memory_space<semaphore_mem>>)
      %eq3A_39 = arith.constant 1 : i32
      %eq3A_40 = vector.broadcast %eq3A_39 : i32 to vector<16xi32>
      %eq3A_41 = arith.cmpi eq, %iota3A, %eq3A_40 : vector<16xi32>
      %jit3A_42 = arith.constant 0 : i32
      %broadcast_in_dim3A_43 = vector.broadcast %jit3A_42 : i32 to vector<16xi32>
      %select_n3A_44 = arith.select %eq3A_41, %get3A_23, %broadcast_in_dim3A_43 : vector<16xi1>, vector<16xi32>
      %reduce_sum3A_45 = arith.constant true
      %reduce_sum3A_46 = vector.broadcast %reduce_sum3A_45 : i1 to vector<16xi1>
      %reduce_sum3A_47 = tpu.scan <sum>, %select_n3A_44 masked %reduce_sum3A_46 : vector<16xi32>, vector<16xi1> -> vector<16xi32>
      %reduce_sum3A_48 = vector.extract %reduce_sum3A_47[15] : i32 from vector<16xi32>
      %and3A_49 = arith.constant -128 : i32
      %and3A_50 = arith.andi %reduce_sum3A_48, %and3A_49 : i32
      %multiple_of3A_51 = tpu.assume_multiple %and3A_50, 128 : i32
      %dma_start3A_52 = arith.constant 0 : i32
      %dma_start3A_53 = arith.constant 128 : i32
      %dma_start3A_54 = tpu.memref_slice %arg9[%dma_start3A_52, %dma_start3A_53] : memref<32x2048xf32, #tpu.memory_space<vmem>> -> memref<32x128xf32, #tpu.memory_space<vmem>>
      %dma_start3A_55 = arith.constant 0 : i32
      %dma_start3A_56 = tpu.memref_slice %arg5[%dma_start3A_55, %multiple_of3A_51] : memref<32x1000000xf32, #tpu.memory_space<hbm>> -> memref<32x128xf32, #tpu.memory_space<hbm>>
      %dma_start3A_57 = arith.constant 0 : i32
      %dma_start3A_58 = arith.constant 128 : i32
      %dma_start3A_59 = tpu.memref_slice %arg9[%dma_start3A_57, %dma_start3A_58] : memref<32x2048xf32, #tpu.memory_space<vmem>> -> memref<32x128xf32, #tpu.memory_space<vmem>>
      %dma_start3A_60 = arith.constant 0 : i32
      %dma_start3A_61 = tpu.memref_slice %arg5[%dma_start3A_60, %multiple_of3A_51] : memref<32x1000000xf32, #tpu.memory_space<hbm>> -> memref<32x128xf32, #tpu.memory_space<hbm>>
      tpu.enqueue_dma source(%dma_start3A_61 : memref<32x128xf32, #tpu.memory_space<hbm>>) target(%dma_start3A_59 : memref<32x128xf32, #tpu.memory_space<vmem>>) target_semaphore(%arg12 : memref<!tpu.dma_semaphore, #tpu.memory_space<semaphore_mem>>)
      %eq3A_62 = arith.constant 2 : i32
      %eq3A_63 = vector.broadcast %eq3A_62 : i32 to vector<16xi32>
      %eq3A_64 = arith.cmpi eq, %iota3A, %eq3A_63 : vector<16xi32>
      %jit3A_65 = arith.constant 0 : i32
      %broadcast_in_dim3A_66 = vector.broadcast %jit3A_65 : i32 to vector<16xi32>
      %select_n3A_67 = arith.select %eq3A_64, %get3A_23, %broadcast_in_dim3A_66 : vector<16xi1>, vector<16xi32>
      %reduce_sum3A_68 = arith.constant true
      %reduce_sum3A_69 = vector.broadcast %reduce_sum3A_68 : i1 to vector<16xi1>
      %reduce_sum3A_70 = tpu.scan <sum>, %select_n3A_67 masked %reduce_sum3A_69 : vector<16xi32>, vector<16xi1> -> vector<16xi32>
      %reduce_sum3A_71 = vector.extract %reduce_sum3A_70[15] : i32 from vector<16xi32>
      %and3A_72 = arith.constant -128 : i32
      %and3A_73 = arith.andi %reduce_sum3A_71, %and3A_72 : i32
      %multiple_of3A_74 = tpu.assume_multiple %and3A_73, 128 : i32
      %dma_start3A_75 = arith.constant 0 : i32
      %dma_start3A_76 = arith.constant 256 : i32
      %dma_start3A_77 = tpu.memref_slice %arg9[%dma_start3A_75, %dma_start3A_76] : memref<32x2048xf32, #tpu.memory_space<vmem>> -> memref<32x128xf32, #tpu.memory_space<vmem>>
      %dma_start3A_78 = arith.constant 0 : i32
      %dma_start3A_79 = tpu.memref_slice %arg5[%dma_start3A_78, %multiple_of3A_74] : memref<32x1000000xf32, #tpu.memory_space<hbm>> -> memref<32x128xf32, #tpu.memory_space<hbm>>
      %dma_start3A_80 = arith.constant 0 : i32
      %dma_start3A_81 = arith.constant 256 : i32
      %dma_start3A_82 = tpu.memref_slice %arg9[%dma_start3A_80, %dma_start3A_81] : memref<32x2048xf32, #tpu.memory_space<vmem>> -> memref<32x128xf32, #tpu.memory_space<vmem>>
      %dma_start3A_83 = arith.constant 0 : i32
      %dma_start3A_84 = tpu.memref_slice %arg5[%dma_start3A_83, %multiple_of3A_74] : memref<32x1000000xf32, #tpu.memory_space<hbm>> -> memref<32x128xf32, #tpu.memory_space<hbm>>
      tpu.enqueue_dma source(%dma_start3A_84 : memref<32x128xf32, #tpu.memory_space<hbm>>) target(%dma_start3A_82 : memref<32x128xf32, #tpu.memory_space<vmem>>) target_semaphore(%arg12 : memref<!tpu.dma_semaphore, #tpu.memory_space<semaphore_mem>>)
      %eq3A_85 = arith.constant 3 : i32
      %eq3A_86 = vector.broadcast %eq3A_85 : i32 to vector<16xi32>
      %eq3A_87 = arith.cmpi eq, %iota3A, %eq3A_86 : vector<16xi32>
      %jit3A_88 = arith.constant 0 : i32
      %broadcast_in_dim3A_89 = vector.broadcast %jit3A_88 : i32 to vector<16xi32>
      %select_n3A_90 = arith.select %eq3A_87, %get3A_23, %broadcast_in_dim3A_89 : vector<16xi1>, vector<16xi32>
      %reduce_sum3A_91 = arith.constant true
      %reduce_sum3A_92 = vector.broadcast %reduce_sum3A_91 : i1 to vector<16xi1>
      %reduce_sum3A_93 = tpu.scan <sum>, %select_n3A_90 masked %reduce_sum3A_92 : vector<16xi32>, vector<16xi1> -> vector<16xi32>
      %reduce_sum3A_94 = vector.extract %reduce_sum3A_93[15] : i32 from vector<16xi32>
      %and3A_95 = arith.constant -128 : i32
      %and3A_96 = arith.andi %reduce_sum3A_94, %and3A_95 : i32
      %multiple_of3A_97 = tpu.assume_multiple %and3A_96, 128 : i32
      %dma_start3A_98 = arith.constant 0 : i32
      %dma_start3A_99 = arith.constant 384 : i32
      %dma_start3A_100 = tpu.memref_slice %arg9[%dma_start3A_98, %dma_start3A_99] : memref<32x2048xf32, #tpu.memory_space<vmem>> -> memref<32x128xf32, #tpu.memory_space<vmem>>
      %dma_start3A_101 = arith.constant 0 : i32
      %dma_start3A_102 = tpu.memref_slice %arg5[%dma_start3A_101, %multiple_of3A_97] : memref<32x1000000xf32, #tpu.memory_space<hbm>> -> memref<32x128xf32, #tpu.memory_space<hbm>>
      %dma_start3A_103 = arith.constant 0 : i32
      %dma_start3A_104 = arith.constant 384 : i32
      %dma_start3A_105 = tpu.memref_slice %arg9[%dma_start3A_103, %dma_start3A_104] : memref<32x2048xf32, #tpu.memory_space<vmem>> -> memref<32x128xf32, #tpu.memory_space<vmem>>
      %dma_start3A_106 = arith.constant 0 : i32
      %dma_start3A_107 = tpu.memref_slice %arg5[%dma_start3A_106, %multiple_of3A_97] : memref<32x1000000xf32, #tpu.memory_space<hbm>> -> memref<32x128xf32, #tpu.memory_space<hbm>>
      tpu.enqueue_dma source(%dma_start3A_107 : memref<32x128xf32, #tpu.memory_space<hbm>>) target(%dma_start3A_105 : memref<32x128xf32, #tpu.memory_space<vmem>>) target_semaphore(%arg12 : memref<!tpu.dma_semaphore, #tpu.memory_space<semaphore_mem>>)
      %eq3A_108 = arith.constant 4 : i32
      %eq3A_109 = vector.broadcast %eq3A_108 : i32 to vector<16xi32>
      %eq3A_110 = arith.cmpi eq, %iota3A, %eq3A_109 : vector<16xi32>
      %jit3A_111 = arith.constant 0 : i32
      %broadcast_in_dim3A_112 = vector.broadcast %jit3A_111 : i32 to vector<16xi32>
      %select_n3A_113 = arith.select %eq3A_110, %get3A_23, %broadcast_in_dim3A_112 : vector<16xi1>, vector<16xi32>
      %reduce_sum3A_114 = arith.constant true
      %reduce_sum3A_115 = vector.broadcast %reduce_sum3A_114 : i1 to vector<16xi1>
      %reduce_sum3A_116 = tpu.scan <sum>, %select_n3A_113 masked %reduce_sum3A_115 : vector<16xi32>, vector<16xi1> -> vector<16xi32>
      %reduce_sum3A_117 = vector.extract %reduce_sum3A_116[15] : i32 from vector<16xi32>
      %and3A_118 = arith.constant -128 : i32
      %and3A_119 = arith.andi %reduce_sum3A_117, %and3A_118 : i32
      %multiple_of3A_120 = tpu.assume_multiple %and3A_119, 128 : i32
      %dma_start3A_121 = arith.constant 0 : i32
      %dma_start3A_122 = arith.constant 512 : i32
      %dma_start3A_123 = tpu.memref_slice %arg9[%dma_start3A_121, %dma_start3A_122] : memref<32x2048xf32, #tpu.memory_space<vmem>> -> memref<32x128xf32, #tpu.memory_space<vmem>>
      %dma_start3A_124 = arith.constant 0 : i32
      %dma_start3A_125 = tpu.memref_slice %arg5[%dma_start3A_124, %multiple_of3A_120] : memref<32x1000000xf32, #tpu.memory_space<hbm>> -> memref<32x128xf32, #tpu.memory_space<hbm>>
      %dma_start3A_126 = arith.constant 0 : i32
      %dma_start3A_127 = arith.constant 512 : i32
      %dma_start3A_128 = tpu.memref_slice %arg9[%dma_start3A_126, %dma_start3A_127] : memref<32x2048xf32, #tpu.memory_space<vmem>> -> memref<32x128xf32, #tpu.memory_space<vmem>>
      %dma_start3A_129 = arith.constant 0 : i32
      %dma_start3A_130 = tpu.memref_slice %arg5[%dma_start3A_129, %multiple_of3A_120] : memref<32x1000000xf32, #tpu.memory_space<hbm>> -> memref<32x128xf32, #tpu.memory_space<hbm>>
      tpu.enqueue_dma source(%dma_start3A_130 : memref<32x128xf32, #tpu.memory_space<hbm>>) target(%dma_start3A_128 : memref<32x128xf32, #tpu.memory_space<vmem>>) target_semaphore(%arg12 : memref<!tpu.dma_semaphore, #tpu.memory_space<semaphore_mem>>)
      %eq3A_131 = arith.constant 5 : i32
      %eq3A_132 = vector.broadcast %eq3A_131 : i32 to vector<16xi32>
      %eq3A_133 = arith.cmpi eq, %iota3A, %eq3A_132 : vector<16xi32>
      %jit3A_134 = arith.constant 0 : i32
      %broadcast_in_dim3A_135 = vector.broadcast %jit3A_134 : i32 to vector<16xi32>
      %select_n3A_136 = arith.select %eq3A_133, %get3A_23, %broadcast_in_dim3A_135 : vector<16xi1>, vector<16xi32>
      %reduce_sum3A_137 = arith.constant true
      %reduce_sum3A_138 = vector.broadcast %reduce_sum3A_137 : i1 to vector<16xi1>
      %reduce_sum3A_139 = tpu.scan <sum>, %select_n3A_136 masked %reduce_sum3A_138 : vector<16xi32>, vector<16xi1> -> vector<16xi32>
      %reduce_sum3A_140 = vector.extract %reduce_sum3A_139[15] : i32 from vector<16xi32>
      %and3A_141 = arith.constant -128 : i32
      %and3A_142 = arith.andi %reduce_sum3A_140, %and3A_141 : i32
      %multiple_of3A_143 = tpu.assume_multiple %and3A_142, 128 : i32
      %dma_start3A_144 = arith.constant 0 : i32
      %dma_start3A_145 = arith.constant 640 : i32
      %dma_start3A_146 = tpu.memref_slice %arg9[%dma_start3A_144, %dma_start3A_145] : memref<32x2048xf32, #tpu.memory_space<vmem>> -> memref<32x128xf32, #tpu.memory_space<vmem>>
      %dma_start3A_147 = arith.constant 0 : i32
      %dma_start3A_148 = tpu.memref_slice %arg5[%dma_start3A_147, %multiple_of3A_143] : memref<32x1000000xf32, #tpu.memory_space<hbm>> -> memref<32x128xf32, #tpu.memory_space<hbm>>
      %dma_start3A_149 = arith.constant 0 : i32
      %dma_start3A_150 = arith.constant 640 : i32
      %dma_start3A_151 = tpu.memref_slice %arg9[%dma_start3A_149, %dma_start3A_150] : memref<32x2048xf32, #tpu.memory_space<vmem>> -> memref<32x128xf32, #tpu.memory_space<vmem>>
      %dma_start3A_152 = arith.constant 0 : i32
      %dma_start3A_153 = tpu.memref_slice %arg5[%dma_start3A_152, %multiple_of3A_143] : memref<32x1000000xf32, #tpu.memory_space<hbm>> -> memref<32x128xf32, #tpu.memory_space<hbm>>
      tpu.enqueue_dma source(%dma_start3A_153 : memref<32x128xf32, #tpu.memory_space<hbm>>) target(%dma_start3A_151 : memref<32x128xf32, #tpu.memory_space<vmem>>) target_semaphore(%arg12 : memref<!tpu.dma_semaphore, #tpu.memory_space<semaphore_mem>>)
      %eq3A_154 = arith.constant 6 : i32
      %eq3A_155 = vector.broadcast %eq3A_154 : i32 to vector<16xi32>
      %eq3A_156 = arith.cmpi eq, %iota3A, %eq3A_155 : vector<16xi32>
      %jit3A_157 = arith.constant 0 : i32
      %broadcast_in_dim3A_158 = vector.broadcast %jit3A_157 : i32 to vector<16xi32>
      %select_n3A_159 = arith.select %eq3A_156, %get3A_23, %broadcast_in_dim3A_158 : vector<16xi1>, vector<16xi32>
      %reduce_sum3A_160 = arith.constant true
      %reduce_sum3A_161 = vector.broadcast %reduce_sum3A_160 : i1 to vector<16xi1>
      %reduce_sum3A_162 = tpu.scan <sum>, %select_n3A_159 masked %reduce_sum3A_161 : vector<16xi32>, vector<16xi1> -> vector<16xi32>
      %reduce_sum3A_163 = vector.extract %reduce_sum3A_162[15] : i32 from vector<16xi32>
      %and3A_164 = arith.constant -128 : i32
      %and3A_165 = arith.andi %reduce_sum3A_163, %and3A_164 : i32
      %multiple_of3A_166 = tpu.assume_multiple %and3A_165, 128 : i32
      %dma_start3A_167 = arith.constant 0 : i32
      %dma_start3A_168 = arith.constant 768 : i32
      %dma_start3A_169 = tpu.memref_slice %arg9[%dma_start3A_167, %dma_start3A_168] : memref<32x2048xf32, #tpu.memory_space<vmem>> -> memref<32x128xf32, #tpu.memory_space<vmem>>
      %dma_start3A_170 = arith.constant 0 : i32
      %dma_start3A_171 = tpu.memref_slice %arg5[%dma_start3A_170, %multiple_of3A_166] : memref<32x1000000xf32, #tpu.memory_space<hbm>> -> memref<32x128xf32, #tpu.memory_space<hbm>>
      %dma_start3A_172 = arith.constant 0 : i32
      %dma_start3A_173 = arith.constant 768 : i32
      %dma_start3A_174 = tpu.memref_slice %arg9[%dma_start3A_172, %dma_start3A_173] : memref<32x2048xf32, #tpu.memory_space<vmem>> -> memref<32x128xf32, #tpu.memory_space<vmem>>
      %dma_start3A_175 = arith.constant 0 : i32
      %dma_start3A_176 = tpu.memref_slice %arg5[%dma_start3A_175, %multiple_of3A_166] : memref<32x1000000xf32, #tpu.memory_space<hbm>> -> memref<32x128xf32, #tpu.memory_space<hbm>>
      tpu.enqueue_dma source(%dma_start3A_176 : memref<32x128xf32, #tpu.memory_space<hbm>>) target(%dma_start3A_174 : memref<32x128xf32, #tpu.memory_space<vmem>>) target_semaphore(%arg12 : memref<!tpu.dma_semaphore, #tpu.memory_space<semaphore_mem>>)
      %eq3A_177 = arith.constant 7 : i32
      %eq3A_178 = vector.broadcast %eq3A_177 : i32 to vector<16xi32>
      %eq3A_179 = arith.cmpi eq, %iota3A, %eq3A_178 : vector<16xi32>
      %jit3A_180 = arith.constant 0 : i32
      %broadcast_in_dim3A_181 = vector.broadcast %jit3A_180 : i32 to vector<16xi32>
      %select_n3A_182 = arith.select %eq3A_179, %get3A_23, %broadcast_in_dim3A_181 : vector<16xi1>, vector<16xi32>
      %reduce_sum3A_183 = arith.constant true
      %reduce_sum3A_184 = vector.broadcast %reduce_sum3A_183 : i1 to vector<16xi1>
      %reduce_sum3A_185 = tpu.scan <sum>, %select_n3A_182 masked %reduce_sum3A_184 : vector<16xi32>, vector<16xi1> -> vector<16xi32>
      %reduce_sum3A_186 = vector.extract %reduce_sum3A_185[15] : i32 from vector<16xi32>
      %and3A_187 = arith.constant -128 : i32
      %and3A_188 = arith.andi %reduce_sum3A_186, %and3A_187 : i32
      %multiple_of3A_189 = tpu.assume_multiple %and3A_188, 128 : i32
      %dma_start3A_190 = arith.constant 0 : i32
      %dma_start3A_191 = arith.constant 896 : i32
      %dma_start3A_192 = tpu.memref_slice %arg9[%dma_start3A_190, %dma_start3A_191] : memref<32x2048xf32, #tpu.memory_space<vmem>> -> memref<32x128xf32, #tpu.memory_space<vmem>>
      %dma_start3A_193 = arith.constant 0 : i32
      %dma_start3A_194 = tpu.memref_slice %arg5[%dma_start3A_193, %multiple_of3A_189] : memref<32x1000000xf32, #tpu.memory_space<hbm>> -> memref<32x128xf32, #tpu.memory_space<hbm>>
      %dma_start3A_195 = arith.constant 0 : i32
      %dma_start3A_196 = arith.constant 896 : i32
      %dma_start3A_197 = tpu.memref_slice %arg9[%dma_start3A_195, %dma_start3A_196] : memref<32x2048xf32, #tpu.memory_space<vmem>> -> memref<32x128xf32, #tpu.memory_space<vmem>>
      %dma_start3A_198 = arith.constant 0 : i32
      %dma_start3A_199 = tpu.memref_slice %arg5[%dma_start3A_198, %multiple_of3A_189] : memref<32x1000000xf32, #tpu.memory_space<hbm>> -> memref<32x128xf32, #tpu.memory_space<hbm>>
      tpu.enqueue_dma source(%dma_start3A_199 : memref<32x128xf32, #tpu.memory_space<hbm>>) target(%dma_start3A_197 : memref<32x128xf32, #tpu.memory_space<vmem>>) target_semaphore(%arg12 : memref<!tpu.dma_semaphore, #tpu.memory_space<semaphore_mem>>)
      %eq3A_200 = arith.constant 8 : i32
      %eq3A_201 = vector.broadcast %eq3A_200 : i32 to vector<16xi32>
      %eq3A_202 = arith.cmpi eq, %iota3A, %eq3A_201 : vector<16xi32>
      %jit3A_203 = arith.constant 0 : i32
      %broadcast_in_dim3A_204 = vector.broadcast %jit3A_203 : i32 to vector<16xi32>
      %select_n3A_205 = arith.select %eq3A_202, %get3A_23, %broadcast_in_dim3A_204 : vector<16xi1>, vector<16xi32>
      %reduce_sum3A_206 = arith.constant true
      %reduce_sum3A_207 = vector.broadcast %reduce_sum3A_206 : i1 to vector<16xi1>
      %reduce_sum3A_208 = tpu.scan <sum>, %select_n3A_205 masked %reduce_sum3A_207 : vector<16xi32>, vector<16xi1> -> vector<16xi32>
      %reduce_sum3A_209 = vector.extract %reduce_sum3A_208[15] : i32 from vector<16xi32>
      %and3A_210 = arith.constant -128 : i32
      %and3A_211 = arith.andi %reduce_sum3A_209, %and3A_210 : i32
      %multiple_of3A_212 = tpu.assume_multiple %and3A_211, 128 : i32
      %dma_start3A_213 = arith.constant 0 : i32
      %dma_start3A_214 = arith.constant 1024 : i32
      %dma_start3A_215 = tpu.memref_slice %arg9[%dma_start3A_213, %dma_start3A_214] : memref<32x2048xf32, #tpu.memory_space<vmem>> -> memref<32x128xf32, #tpu.memory_space<vmem>>
      %dma_start3A_216 = arith.constant 0 : i32
      %dma_start3A_217 = tpu.memref_slice %arg5[%dma_start3A_216, %multiple_of3A_212] : memref<32x1000000xf32, #tpu.memory_space<hbm>> -> memref<32x128xf32, #tpu.memory_space<hbm>>
      %dma_start3A_218 = arith.constant 0 : i32
      %dma_start3A_219 = arith.constant 1024 : i32
      %dma_start3A_220 = tpu.memref_slice %arg9[%dma_start3A_218, %dma_start3A_219] : memref<32x2048xf32, #tpu.memory_space<vmem>> -> memref<32x128xf32, #tpu.memory_space<vmem>>
      %dma_start3A_221 = arith.constant 0 : i32
      %dma_start3A_222 = tpu.memref_slice %arg5[%dma_start3A_221, %multiple_of3A_212] : memref<32x1000000xf32, #tpu.memory_space<hbm>> -> memref<32x128xf32, #tpu.memory_space<hbm>>
      tpu.enqueue_dma source(%dma_start3A_222 : memref<32x128xf32, #tpu.memory_space<hbm>>) target(%dma_start3A_220 : memref<32x128xf32, #tpu.memory_space<vmem>>) target_semaphore(%arg12 : memref<!tpu.dma_semaphore, #tpu.memory_space<semaphore_mem>>)
      %eq3A_223 = arith.constant 9 : i32
      %eq3A_224 = vector.broadcast %eq3A_223 : i32 to vector<16xi32>
      %eq3A_225 = arith.cmpi eq, %iota3A, %eq3A_224 : vector<16xi32>
      %jit3A_226 = arith.constant 0 : i32
      %broadcast_in_dim3A_227 = vector.broadcast %jit3A_226 : i32 to vector<16xi32>
      %select_n3A_228 = arith.select %eq3A_225, %get3A_23, %broadcast_in_dim3A_227 : vector<16xi1>, vector<16xi32>
      %reduce_sum3A_229 = arith.constant true
      %reduce_sum3A_230 = vector.broadcast %reduce_sum3A_229 : i1 to vector<16xi1>
      %reduce_sum3A_231 = tpu.scan <sum>, %select_n3A_228 masked %reduce_sum3A_230 : vector<16xi32>, vector<16xi1> -> vector<16xi32>
      %reduce_sum3A_232 = vector.extract %reduce_sum3A_231[15] : i32 from vector<16xi32>
      %and3A_233 = arith.constant -128 : i32
      %and3A_234 = arith.andi %reduce_sum3A_232, %and3A_233 : i32
      %multiple_of3A_235 = tpu.assume_multiple %and3A_234, 128 : i32
      %dma_start3A_236 = arith.constant 0 : i32
      %dma_start3A_237 = arith.constant 1152 : i32
      %dma_start3A_238 = tpu.memref_slice %arg9[%dma_start3A_236, %dma_start3A_237] : memref<32x2048xf32, #tpu.memory_space<vmem>> -> memref<32x128xf32, #tpu.memory_space<vmem>>
      %dma_start3A_239 = arith.constant 0 : i32
      %dma_start3A_240 = tpu.memref_slice %arg5[%dma_start3A_239, %multiple_of3A_235] : memref<32x1000000xf32, #tpu.memory_space<hbm>> -> memref<32x128xf32, #tpu.memory_space<hbm>>
      %dma_start3A_241 = arith.constant 0 : i32
      %dma_start3A_242 = arith.constant 1152 : i32
      %dma_start3A_243 = tpu.memref_slice %arg9[%dma_start3A_241, %dma_start3A_242] : memref<32x2048xf32, #tpu.memory_space<vmem>> -> memref<32x128xf32, #tpu.memory_space<vmem>>
      %dma_start3A_244 = arith.constant 0 : i32
      %dma_start3A_245 = tpu.memref_slice %arg5[%dma_start3A_244, %multiple_of3A_235] : memref<32x1000000xf32, #tpu.memory_space<hbm>> -> memref<32x128xf32, #tpu.memory_space<hbm>>
      tpu.enqueue_dma source(%dma_start3A_245 : memref<32x128xf32, #tpu.memory_space<hbm>>) target(%dma_start3A_243 : memref<32x128xf32, #tpu.memory_space<vmem>>) target_semaphore(%arg12 : memref<!tpu.dma_semaphore, #tpu.memory_space<semaphore_mem>>)
      %eq3A_246 = arith.constant 10 : i32
      %eq3A_247 = vector.broadcast %eq3A_246 : i32 to vector<16xi32>
      %eq3A_248 = arith.cmpi eq, %iota3A, %eq3A_247 : vector<16xi32>
      %jit3A_249 = arith.constant 0 : i32
      %broadcast_in_dim3A_250 = vector.broadcast %jit3A_249 : i32 to vector<16xi32>
      %select_n3A_251 = arith.select %eq3A_248, %get3A_23, %broadcast_in_dim3A_250 : vector<16xi1>, vector<16xi32>
      %reduce_sum3A_252 = arith.constant true
      %reduce_sum3A_253 = vector.broadcast %reduce_sum3A_252 : i1 to vector<16xi1>
      %reduce_sum3A_254 = tpu.scan <sum>, %select_n3A_251 masked %reduce_sum3A_253 : vector<16xi32>, vector<16xi1> -> vector<16xi32>
      %reduce_sum3A_255 = vector.extract %reduce_sum3A_254[15] : i32 from vector<16xi32>
      %and3A_256 = arith.constant -128 : i32
      %and3A_257 = arith.andi %reduce_sum3A_255, %and3A_256 : i32
      %multiple_of3A_258 = tpu.assume_multiple %and3A_257, 128 : i32
      %dma_start3A_259 = arith.constant 0 : i32
      %dma_start3A_260 = arith.constant 1280 : i32
      %dma_start3A_261 = tpu.memref_slice %arg9[%dma_start3A_259, %dma_start3A_260] : memref<32x2048xf32, #tpu.memory_space<vmem>> -> memref<32x128xf32, #tpu.memory_space<vmem>>
      %dma_start3A_262 = arith.constant 0 : i32
      %dma_start3A_263 = tpu.memref_slice %arg5[%dma_start3A_262, %multiple_of3A_258] : memref<32x1000000xf32, #tpu.memory_space<hbm>> -> memref<32x128xf32, #tpu.memory_space<hbm>>
      %dma_start3A_264 = arith.constant 0 : i32
      %dma_start3A_265 = arith.constant 1280 : i32
      %dma_start3A_266 = tpu.memref_slice %arg9[%dma_start3A_264, %dma_start3A_265] : memref<32x2048xf32, #tpu.memory_space<vmem>> -> memref<32x128xf32, #tpu.memory_space<vmem>>
      %dma_start3A_267 = arith.constant 0 : i32
      %dma_start3A_268 = tpu.memref_slice %arg5[%dma_start3A_267, %multiple_of3A_258] : memref<32x1000000xf32, #tpu.memory_space<hbm>> -> memref<32x128xf32, #tpu.memory_space<hbm>>
      tpu.enqueue_dma source(%dma_start3A_268 : memref<32x128xf32, #tpu.memory_space<hbm>>) target(%dma_start3A_266 : memref<32x128xf32, #tpu.memory_space<vmem>>) target_semaphore(%arg12 : memref<!tpu.dma_semaphore, #tpu.memory_space<semaphore_mem>>)
      %eq3A_269 = arith.constant 11 : i32
      %eq3A_270 = vector.broadcast %eq3A_269 : i32 to vector<16xi32>
      %eq3A_271 = arith.cmpi eq, %iota3A, %eq3A_270 : vector<16xi32>
      %jit3A_272 = arith.constant 0 : i32
      %broadcast_in_dim3A_273 = vector.broadcast %jit3A_272 : i32 to vector<16xi32>
      %select_n3A_274 = arith.select %eq3A_271, %get3A_23, %broadcast_in_dim3A_273 : vector<16xi1>, vector<16xi32>
      %reduce_sum3A_275 = arith.constant true
      %reduce_sum3A_276 = vector.broadcast %reduce_sum3A_275 : i1 to vector<16xi1>
      %reduce_sum3A_277 = tpu.scan <sum>, %select_n3A_274 masked %reduce_sum3A_276 : vector<16xi32>, vector<16xi1> -> vector<16xi32>
      %reduce_sum3A_278 = vector.extract %reduce_sum3A_277[15] : i32 from vector<16xi32>
      %and3A_279 = arith.constant -128 : i32
      %and3A_280 = arith.andi %reduce_sum3A_278, %and3A_279 : i32
      %multiple_of3A_281 = tpu.assume_multiple %and3A_280, 128 : i32
      %dma_start3A_282 = arith.constant 0 : i32
      %dma_start3A_283 = arith.constant 1408 : i32
      %dma_start3A_284 = tpu.memref_slice %arg9[%dma_start3A_282, %dma_start3A_283] : memref<32x2048xf32, #tpu.memory_space<vmem>> -> memref<32x128xf32, #tpu.memory_space<vmem>>
      %dma_start3A_285 = arith.constant 0 : i32
      %dma_start3A_286 = tpu.memref_slice %arg5[%dma_start3A_285, %multiple_of3A_281] : memref<32x1000000xf32, #tpu.memory_space<hbm>> -> memref<32x128xf32, #tpu.memory_space<hbm>>
      %dma_start3A_287 = arith.constant 0 : i32
      %dma_start3A_288 = arith.constant 1408 : i32
      %dma_start3A_289 = tpu.memref_slice %arg9[%dma_start3A_287, %dma_start3A_288] : memref<32x2048xf32, #tpu.memory_space<vmem>> -> memref<32x128xf32, #tpu.memory_space<vmem>>
      %dma_start3A_290 = arith.constant 0 : i32
      %dma_start3A_291 = tpu.memref_slice %arg5[%dma_start3A_290, %multiple_of3A_281] : memref<32x1000000xf32, #tpu.memory_space<hbm>> -> memref<32x128xf32, #tpu.memory_space<hbm>>
      tpu.enqueue_dma source(%dma_start3A_291 : memref<32x128xf32, #tpu.memory_space<hbm>>) target(%dma_start3A_289 : memref<32x128xf32, #tpu.memory_space<vmem>>) target_semaphore(%arg12 : memref<!tpu.dma_semaphore, #tpu.memory_space<semaphore_mem>>)
      %eq3A_292 = arith.constant 12 : i32
      %eq3A_293 = vector.broadcast %eq3A_292 : i32 to vector<16xi32>
      %eq3A_294 = arith.cmpi eq, %iota3A, %eq3A_293 : vector<16xi32>
      %jit3A_295 = arith.constant 0 : i32
      %broadcast_in_dim3A_296 = vector.broadcast %jit3A_295 : i32 to vector<16xi32>
      %select_n3A_297 = arith.select %eq3A_294, %get3A_23, %broadcast_in_dim3A_296 : vector<16xi1>, vector<16xi32>
      %reduce_sum3A_298 = arith.constant true
      %reduce_sum3A_299 = vector.broadcast %reduce_sum3A_298 : i1 to vector<16xi1>
      %reduce_sum3A_300 = tpu.scan <sum>, %select_n3A_297 masked %reduce_sum3A_299 : vector<16xi32>, vector<16xi1> -> vector<16xi32>
      %reduce_sum3A_301 = vector.extract %reduce_sum3A_300[15] : i32 from vector<16xi32>
      %and3A_302 = arith.constant -128 : i32
      %and3A_303 = arith.andi %reduce_sum3A_301, %and3A_302 : i32
      %multiple_of3A_304 = tpu.assume_multiple %and3A_303, 128 : i32
      %dma_start3A_305 = arith.constant 0 : i32
      %dma_start3A_306 = arith.constant 1536 : i32
      %dma_start3A_307 = tpu.memref_slice %arg9[%dma_start3A_305, %dma_start3A_306] : memref<32x2048xf32, #tpu.memory_space<vmem>> -> memref<32x128xf32, #tpu.memory_space<vmem>>
      %dma_start3A_308 = arith.constant 0 : i32
      %dma_start3A_309 = tpu.memref_slice %arg5[%dma_start3A_308, %multiple_of3A_304] : memref<32x1000000xf32, #tpu.memory_space<hbm>> -> memref<32x128xf32, #tpu.memory_space<hbm>>
      %dma_start3A_310 = arith.constant 0 : i32
      %dma_start3A_311 = arith.constant 1536 : i32
      %dma_start3A_312 = tpu.memref_slice %arg9[%dma_start3A_310, %dma_start3A_311] : memref<32x2048xf32, #tpu.memory_space<vmem>> -> memref<32x128xf32, #tpu.memory_space<vmem>>
      %dma_start3A_313 = arith.constant 0 : i32
      %dma_start3A_314 = tpu.memref_slice %arg5[%dma_start3A_313, %multiple_of3A_304] : memref<32x1000000xf32, #tpu.memory_space<hbm>> -> memref<32x128xf32, #tpu.memory_space<hbm>>
      tpu.enqueue_dma source(%dma_start3A_314 : memref<32x128xf32, #tpu.memory_space<hbm>>) target(%dma_start3A_312 : memref<32x128xf32, #tpu.memory_space<vmem>>) target_semaphore(%arg12 : memref<!tpu.dma_semaphore, #tpu.memory_space<semaphore_mem>>)
      %eq3A_315 = arith.constant 13 : i32
      %eq3A_316 = vector.broadcast %eq3A_315 : i32 to vector<16xi32>
      %eq3A_317 = arith.cmpi eq, %iota3A, %eq3A_316 : vector<16xi32>
      %jit3A_318 = arith.constant 0 : i32
      %broadcast_in_dim3A_319 = vector.broadcast %jit3A_318 : i32 to vector<16xi32>
      %select_n3A_320 = arith.select %eq3A_317, %get3A_23, %broadcast_in_dim3A_319 : vector<16xi1>, vector<16xi32>
      %reduce_sum3A_321 = arith.constant true
      %reduce_sum3A_322 = vector.broadcast %reduce_sum3A_321 : i1 to vector<16xi1>
      %reduce_sum3A_323 = tpu.scan <sum>, %select_n3A_320 masked %reduce_sum3A_322 : vector<16xi32>, vector<16xi1> -> vector<16xi32>
      %reduce_sum3A_324 = vector.extract %reduce_sum3A_323[15] : i32 from vector<16xi32>
      %and3A_325 = arith.constant -128 : i32
      %and3A_326 = arith.andi %reduce_sum3A_324, %and3A_325 : i32
      %multiple_of3A_327 = tpu.assume_multiple %and3A_326, 128 : i32
      %dma_start3A_328 = arith.constant 0 : i32
      %dma_start3A_329 = arith.constant 1664 : i32
      %dma_start3A_330 = tpu.memref_slice %arg9[%dma_start3A_328, %dma_start3A_329] : memref<32x2048xf32, #tpu.memory_space<vmem>> -> memref<32x128xf32, #tpu.memory_space<vmem>>
      %dma_start3A_331 = arith.constant 0 : i32
      %dma_start3A_332 = tpu.memref_slice %arg5[%dma_start3A_331, %multiple_of3A_327] : memref<32x1000000xf32, #tpu.memory_space<hbm>> -> memref<32x128xf32, #tpu.memory_space<hbm>>
      %dma_start3A_333 = arith.constant 0 : i32
      %dma_start3A_334 = arith.constant 1664 : i32
      %dma_start3A_335 = tpu.memref_slice %arg9[%dma_start3A_333, %dma_start3A_334] : memref<32x2048xf32, #tpu.memory_space<vmem>> -> memref<32x128xf32, #tpu.memory_space<vmem>>
      %dma_start3A_336 = arith.constant 0 : i32
      %dma_start3A_337 = tpu.memref_slice %arg5[%dma_start3A_336, %multiple_of3A_327] : memref<32x1000000xf32, #tpu.memory_space<hbm>> -> memref<32x128xf32, #tpu.memory_space<hbm>>
      tpu.enqueue_dma source(%dma_start3A_337 : memref<32x128xf32, #tpu.memory_space<hbm>>) target(%dma_start3A_335 : memref<32x128xf32, #tpu.memory_space<vmem>>) target_semaphore(%arg12 : memref<!tpu.dma_semaphore, #tpu.memory_space<semaphore_mem>>)
      %eq3A_338 = arith.constant 14 : i32
      %eq3A_339 = vector.broadcast %eq3A_338 : i32 to vector<16xi32>
      %eq3A_340 = arith.cmpi eq, %iota3A, %eq3A_339 : vector<16xi32>
      %jit3A_341 = arith.constant 0 : i32
      %broadcast_in_dim3A_342 = vector.broadcast %jit3A_341 : i32 to vector<16xi32>
      %select_n3A_343 = arith.select %eq3A_340, %get3A_23, %broadcast_in_dim3A_342 : vector<16xi1>, vector<16xi32>
      %reduce_sum3A_344 = arith.constant true
      %reduce_sum3A_345 = vector.broadcast %reduce_sum3A_344 : i1 to vector<16xi1>
      %reduce_sum3A_346 = tpu.scan <sum>, %select_n3A_343 masked %reduce_sum3A_345 : vector<16xi32>, vector<16xi1> -> vector<16xi32>
      %reduce_sum3A_347 = vector.extract %reduce_sum3A_346[15] : i32 from vector<16xi32>
      %and3A_348 = arith.constant -128 : i32
      %and3A_349 = arith.andi %reduce_sum3A_347, %and3A_348 : i32
      %multiple_of3A_350 = tpu.assume_multiple %and3A_349, 128 : i32
      %dma_start3A_351 = arith.constant 0 : i32
      %dma_start3A_352 = arith.constant 1792 : i32
      %dma_start3A_353 = tpu.memref_slice %arg9[%dma_start3A_351, %dma_start3A_352] : memref<32x2048xf32, #tpu.memory_space<vmem>> -> memref<32x128xf32, #tpu.memory_space<vmem>>
      %dma_start3A_354 = arith.constant 0 : i32
      %dma_start3A_355 = tpu.memref_slice %arg5[%dma_start3A_354, %multiple_of3A_350] : memref<32x1000000xf32, #tpu.memory_space<hbm>> -> memref<32x128xf32, #tpu.memory_space<hbm>>
      %dma_start3A_356 = arith.constant 0 : i32
      %dma_start3A_357 = arith.constant 1792 : i32
      %dma_start3A_358 = tpu.memref_slice %arg9[%dma_start3A_356, %dma_start3A_357] : memref<32x2048xf32, #tpu.memory_space<vmem>> -> memref<32x128xf32, #tpu.memory_space<vmem>>
      %dma_start3A_359 = arith.constant 0 : i32
      %dma_start3A_360 = tpu.memref_slice %arg5[%dma_start3A_359, %multiple_of3A_350] : memref<32x1000000xf32, #tpu.memory_space<hbm>> -> memref<32x128xf32, #tpu.memory_space<hbm>>
      tpu.enqueue_dma source(%dma_start3A_360 : memref<32x128xf32, #tpu.memory_space<hbm>>) target(%dma_start3A_358 : memref<32x128xf32, #tpu.memory_space<vmem>>) target_semaphore(%arg12 : memref<!tpu.dma_semaphore, #tpu.memory_space<semaphore_mem>>)
      %eq3A_361 = arith.constant 15 : i32
      %eq3A_362 = vector.broadcast %eq3A_361 : i32 to vector<16xi32>
      %eq3A_363 = arith.cmpi eq, %iota3A, %eq3A_362 : vector<16xi32>
      %jit3A_364 = arith.constant 0 : i32
      %broadcast_in_dim3A_365 = vector.broadcast %jit3A_364 : i32 to vector<16xi32>
      %select_n3A_366 = arith.select %eq3A_363, %get3A_23, %broadcast_in_dim3A_365 : vector<16xi1>, vector<16xi32>
      %reduce_sum3A_367 = arith.constant true
      %reduce_sum3A_368 = vector.broadcast %reduce_sum3A_367 : i1 to vector<16xi1>
      %reduce_sum3A_369 = tpu.scan <sum>, %select_n3A_366 masked %reduce_sum3A_368 : vector<16xi32>, vector<16xi1> -> vector<16xi32>
      %reduce_sum3A_370 = vector.extract %reduce_sum3A_369[15] : i32 from vector<16xi32>
      %and3A_371 = arith.constant -128 : i32
      %and3A_372 = arith.andi %reduce_sum3A_370, %and3A_371 : i32
      %multiple_of3A_373 = tpu.assume_multiple %and3A_372, 128 : i32
      %dma_start3A_374 = arith.constant 0 : i32
      %dma_start3A_375 = arith.constant 1920 : i32
      %dma_start3A_376 = tpu.memref_slice %arg9[%dma_start3A_374, %dma_start3A_375] : memref<32x2048xf32, #tpu.memory_space<vmem>> -> memref<32x128xf32, #tpu.memory_space<vmem>>
      %dma_start3A_377 = arith.constant 0 : i32
      %dma_start3A_378 = tpu.memref_slice %arg5[%dma_start3A_377, %multiple_of3A_373] : memref<32x1000000xf32, #tpu.memory_space<hbm>> -> memref<32x128xf32, #tpu.memory_space<hbm>>
      %dma_start3A_379 = arith.constant 0 : i32
      %dma_start3A_380 = arith.constant 1920 : i32
      %dma_start3A_381 = tpu.memref_slice %arg9[%dma_start3A_379, %dma_start3A_380] : memref<32x2048xf32, #tpu.memory_space<vmem>> -> memref<32x128xf32, #tpu.memory_space<vmem>>
      %dma_start3A_382 = arith.constant 0 : i32
      %dma_start3A_383 = tpu.memref_slice %arg5[%dma_start3A_382, %multiple_of3A_373] : memref<32x1000000xf32, #tpu.memory_space<hbm>> -> memref<32x128xf32, #tpu.memory_space<hbm>>
      tpu.enqueue_dma source(%dma_start3A_383 : memref<32x128xf32, #tpu.memory_space<hbm>>) target(%dma_start3A_381 : memref<32x128xf32, #tpu.memory_space<vmem>>) target_semaphore(%arg12 : memref<!tpu.dma_semaphore, #tpu.memory_space<semaphore_mem>>)
      %dma_wait3A = arith.constant 0 : i32
      %dma_wait3A_384 = arith.constant 0 : i32
      %dma_wait3A_385 = tpu.memref_slice %arg5[%dma_wait3A, %dma_wait3A_384] : memref<32x1000000xf32, #tpu.memory_space<hbm>> -> memref<32x2048xf32, #tpu.memory_space<hbm>>
      %dma_wait3A_386 = arith.constant 0 : i32
      %dma_wait3A_387 = arith.constant 0 : i32
      %dma_wait3A_388 = tpu.memref_slice %arg5[%dma_wait3A_386, %dma_wait3A_387] : memref<32x1000000xf32, #tpu.memory_space<hbm>> -> memref<32x2048xf32, #tpu.memory_space<hbm>>
      tpu.wait_dma2 semaphore(%arg12 : memref<!tpu.dma_semaphore, #tpu.memory_space<semaphore_mem>>) src(%dma_wait3A_388 : memref<32x2048xf32, #tpu.memory_space<hbm>>) dst(%arg9 : memref<32x2048xf32, #tpu.memory_space<vmem>>)
      %mul3A_389 = arith.constant 128 : i32
      %mul3A_390 = vector.broadcast %mul3A_389 : i32 to vector<16xi32>
      %mul3A_391 = arith.muli %iota3A, %mul3A_390 : vector<16xi32>
      %and3A_392 = arith.constant 127 : i32
      %and3A_393 = vector.broadcast %and3A_392 : i32 to vector<16xi32>
      %and3A_394 = arith.andi %get3A_23, %and3A_393 : vector<16xi32>
      %add3A_395 = arith.addi %mul3A_391, %and3A_394 : vector<16xi32>
      %broadcast_in_dim3A_396 = arith.constant 0 : i32
      %broadcast_in_dim3A_397 = vector.broadcast %broadcast_in_dim3A_396 : i32 to vector<16xi32>
      %gather3A = tpu.vector_load_idx %arg9[%broadcast_in_dim3A_397, %add3A_395] : memref<32x2048xf32, #tpu.memory_space<vmem>>[vector<16xi32>, vector<16xi32>], vector<16xf32>,
      %mul3A_398 = arith.constant 16 : i32
      %mul3A_399 = arith.muli %scan3A_17, %mul3A_398 : i32
      %swap3A = arith.constant 0 : i32
      %swap3A_400 = arith.index_cast %swap3A : i32 to index
      %swap3A_401 = arith.index_cast %mul3A_399 : i32 to index
      %swap3A_402 = tpu.vector_load %arg11[%swap3A_400, %swap3A_401] {strides = array<i32>} : memref<32x512xf32, #tpu.memory_space<vmem>>, vector<16xf32>,
      tpu.vector_store %arg11[%swap3A_400, %swap3A_401], %gather3A {strides = array<i32>} : memref<32x512xf32, #tpu.memory_space<vmem>>, vector<16xf32>,
      %broadcast_in_dim3A_403 = arith.constant 1 : i32
      %broadcast_in_dim3A_404 = vector.broadcast %broadcast_in_dim3A_403 : i32 to vector<16xi32>
      %gather3A_405 = tpu.vector_load_idx %arg9[%broadcast_in_dim3A_404, %add3A_395] : memref<32x2048xf32, #tpu.memory_space<vmem>>[vector<16xi32>, vector<16xi32>], vector<16xf32>,
      %mul3A_406 = arith.constant 16 : i32
      %mul3A_407 = arith.muli %scan3A_17, %mul3A_406 : i32
      %swap3A_408 = arith.constant 1 : i32
      %swap3A_409 = arith.index_cast %swap3A_408 : i32 to index
      %swap3A_410 = arith.index_cast %mul3A_407 : i32 to index
      %swap3A_411 = tpu.vector_load %arg11[%swap3A_409, %swap3A_410] {strides = array<i32>} : memref<32x512xf32, #tpu.memory_space<vmem>>, vector<16xf32>,
      tpu.vector_store %arg11[%swap3A_409, %swap3A_410], %gather3A_405 {strides = array<i32>} : memref<32x512xf32, #tpu.memory_space<vmem>>, vector<16xf32>,
      %broadcast_in_dim3A_412 = arith.constant 2 : i32
      %broadcast_in_dim3A_413 = vector.broadcast %broadcast_in_dim3A_412 : i32 to vector<16xi32>
      %gather3A_414 = tpu.vector_load_idx %arg9[%broadcast_in_dim3A_413, %add3A_395] : memref<32x2048xf32, #tpu.memory_space<vmem>>[vector<16xi32>, vector<16xi32>], vector<16xf32>,
      %mul3A_415 = arith.constant 16 : i32
      %mul3A_416 = arith.muli %scan3A_17, %mul3A_415 : i32
      %swap3A_417 = arith.constant 2 : i32
      %swap3A_418 = arith.index_cast %swap3A_417 : i32 to index
      %swap3A_419 = arith.index_cast %mul3A_416 : i32 to index
      %swap3A_420 = tpu.vector_load %arg11[%swap3A_418, %swap3A_419] {strides = array<i32>} : memref<32x512xf32, #tpu.memory_space<vmem>>, vector<16xf32>,
      tpu.vector_store %arg11[%swap3A_418, %swap3A_419], %gather3A_414 {strides = array<i32>} : memref<32x512xf32, #tpu.memory_space<vmem>>, vector<16xf32>,
      %broadcast_in_dim3A_421 = arith.constant 3 : i32
      %broadcast_in_dim3A_422 = vector.broadcast %broadcast_in_dim3A_421 : i32 to vector<16xi32>
      %gather3A_423 = tpu.vector_load_idx %arg9[%broadcast_in_dim3A_422, %add3A_395] : memref<32x2048xf32, #tpu.memory_space<vmem>>[vector<16xi32>, vector<16xi32>], vector<16xf32>,
      %mul3A_424 = arith.constant 16 : i32
      %mul3A_425 = arith.muli %scan3A_17, %mul3A_424 : i32
      %swap3A_426 = arith.constant 3 : i32
      %swap3A_427 = arith.index_cast %swap3A_426 : i32 to index
      %swap3A_428 = arith.index_cast %mul3A_425 : i32 to index
      %swap3A_429 = tpu.vector_load %arg11[%swap3A_427, %swap3A_428] {strides = array<i32>} : memref<32x512xf32, #tpu.memory_space<vmem>>, vector<16xf32>,
      tpu.vector_store %arg11[%swap3A_427, %swap3A_428], %gather3A_423 {strides = array<i32>} : memref<32x512xf32, #tpu.memory_space<vmem>>, vector<16xf32>,
      %broadcast_in_dim3A_430 = arith.constant 4 : i32
      %broadcast_in_dim3A_431 = vector.broadcast %broadcast_in_dim3A_430 : i32 to vector<16xi32>
      %gather3A_432 = tpu.vector_load_idx %arg9[%broadcast_in_dim3A_431, %add3A_395] : memref<32x2048xf32, #tpu.memory_space<vmem>>[vector<16xi32>, vector<16xi32>], vector<16xf32>,
      %mul3A_433 = arith.constant 16 : i32
      %mul3A_434 = arith.muli %scan3A_17, %mul3A_433 : i32
      %swap3A_435 = arith.constant 4 : i32
      %swap3A_436 = arith.index_cast %swap3A_435 : i32 to index
      %swap3A_437 = arith.index_cast %mul3A_434 : i32 to index
      %swap3A_438 = tpu.vector_load %arg11[%swap3A_436, %swap3A_437] {strides = array<i32>} : memref<32x512xf32, #tpu.memory_space<vmem>>, vector<16xf32>,
      tpu.vector_store %arg11[%swap3A_436, %swap3A_437], %gather3A_432 {strides = array<i32>} : memref<32x512xf32, #tpu.memory_space<vmem>>, vector<16xf32>,
      %broadcast_in_dim3A_439 = arith.constant 5 : i32
      %broadcast_in_dim3A_440 = vector.broadcast %broadcast_in_dim3A_439 : i32 to vector<16xi32>
      %gather3A_441 = tpu.vector_load_idx %arg9[%broadcast_in_dim3A_440, %add3A_395] : memref<32x2048xf32, #tpu.memory_space<vmem>>[vector<16xi32>, vector<16xi32>], vector<16xf32>,
      %mul3A_442 = arith.constant 16 : i32
      %mul3A_443 = arith.muli %scan3A_17, %mul3A_442 : i32
      %swap3A_444 = arith.constant 5 : i32
      %swap3A_445 = arith.index_cast %swap3A_444 : i32 to index
      %swap3A_446 = arith.index_cast %mul3A_443 : i32 to index
      %swap3A_447 = tpu.vector_load %arg11[%swap3A_445, %swap3A_446] {strides = array<i32>} : memref<32x512xf32, #tpu.memory_space<vmem>>, vector<16xf32>,
      tpu.vector_store %arg11[%swap3A_445, %swap3A_446], %gather3A_441 {strides = array<i32>} : memref<32x512xf32, #tpu.memory_space<vmem>>, vector<16xf32>,
      %broadcast_in_dim3A_448 = arith.constant 6 : i32
      %broadcast_in_dim3A_449 = vector.broadcast %broadcast_in_dim3A_448 : i32 to vector<16xi32>
      %gather3A_450 = tpu.vector_load_idx %arg9[%broadcast_in_dim3A_449, %add3A_395] : memref<32x2048xf32, #tpu.memory_space<vmem>>[vector<16xi32>, vector<16xi32>], vector<16xf32>,
      %mul3A_451 = arith.constant 16 : i32
      %mul3A_452 = arith.muli %scan3A_17, %mul3A_451 : i32
      %swap3A_453 = arith.constant 6 : i32
      %swap3A_454 = arith.index_cast %swap3A_453 : i32 to index
      %swap3A_455 = arith.index_cast %mul3A_452 : i32 to index
      %swap3A_456 = tpu.vector_load %arg11[%swap3A_454, %swap3A_455] {strides = array<i32>} : memref<32x512xf32, #tpu.memory_space<vmem>>, vector<16xf32>,
      tpu.vector_store %arg11[%swap3A_454, %swap3A_455], %gather3A_450 {strides = array<i32>} : memref<32x512xf32, #tpu.memory_space<vmem>>, vector<16xf32>,
      %broadcast_in_dim3A_457 = arith.constant 7 : i32
      %broadcast_in_dim3A_458 = vector.broadcast %broadcast_in_dim3A_457 : i32 to vector<16xi32>
      %gather3A_459 = tpu.vector_load_idx %arg9[%broadcast_in_dim3A_458, %add3A_395] : memref<32x2048xf32, #tpu.memory_space<vmem>>[vector<16xi32>, vector<16xi32>], vector<16xf32>,
      %mul3A_460 = arith.constant 16 : i32
      %mul3A_461 = arith.muli %scan3A_17, %mul3A_460 : i32
      %swap3A_462 = arith.constant 7 : i32
      %swap3A_463 = arith.index_cast %swap3A_462 : i32 to index
      %swap3A_464 = arith.index_cast %mul3A_461 : i32 to index
      %swap3A_465 = tpu.vector_load %arg11[%swap3A_463, %swap3A_464] {strides = array<i32>} : memref<32x512xf32, #tpu.memory_space<vmem>>, vector<16xf32>,
      tpu.vector_store %arg11[%swap3A_463, %swap3A_464], %gather3A_459 {strides = array<i32>} : memref<32x512xf32, #tpu.memory_space<vmem>>, vector<16xf32>,
      %broadcast_in_dim3A_466 = arith.constant 8 : i32
      %broadcast_in_dim3A_467 = vector.broadcast %broadcast_in_dim3A_466 : i32 to vector<16xi32>
      %gather3A_468 = tpu.vector_load_idx %arg9[%broadcast_in_dim3A_467, %add3A_395] : memref<32x2048xf32, #tpu.memory_space<vmem>>[vector<16xi32>, vector<16xi32>], vector<16xf32>,
      %mul3A_469 = arith.constant 16 : i32
      %mul3A_470 = arith.muli %scan3A_17, %mul3A_469 : i32
      %swap3A_471 = arith.constant 8 : i32
      %swap3A_472 = arith.index_cast %swap3A_471 : i32 to index
      %swap3A_473 = arith.index_cast %mul3A_470 : i32 to index
      %swap3A_474 = tpu.vector_load %arg11[%swap3A_472, %swap3A_473] {strides = array<i32>} : memref<32x512xf32, #tpu.memory_space<vmem>>, vector<16xf32>,
      tpu.vector_store %arg11[%swap3A_472, %swap3A_473], %gather3A_468 {strides = array<i32>} : memref<32x512xf32, #tpu.memory_space<vmem>>, vector<16xf32>,
      %broadcast_in_dim3A_475 = arith.constant 9 : i32
      %broadcast_in_dim3A_476 = vector.broadcast %broadcast_in_dim3A_475 : i32 to vector<16xi32>
      %gather3A_477 = tpu.vector_load_idx %arg9[%broadcast_in_dim3A_476, %add3A_395] : memref<32x2048xf32, #tpu.memory_space<vmem>>[vector<16xi32>, vector<16xi32>], vector<16xf32>,
      %mul3A_478 = arith.constant 16 : i32
      %mul3A_479 = arith.muli %scan3A_17, %mul3A_478 : i32
      %swap3A_480 = arith.constant 9 : i32
      %swap3A_481 = arith.index_cast %swap3A_480 : i32 to index
      %swap3A_482 = arith.index_cast %mul3A_479 : i32 to index
      %swap3A_483 = tpu.vector_load %arg11[%swap3A_481, %swap3A_482] {strides = array<i32>} : memref<32x512xf32, #tpu.memory_space<vmem>>, vector<16xf32>,
      tpu.vector_store %arg11[%swap3A_481, %swap3A_482], %gather3A_477 {strides = array<i32>} : memref<32x512xf32, #tpu.memory_space<vmem>>, vector<16xf32>,
      %broadcast_in_dim3A_484 = arith.constant 10 : i32
      %broadcast_in_dim3A_485 = vector.broadcast %broadcast_in_dim3A_484 : i32 to vector<16xi32>
      %gather3A_486 = tpu.vector_load_idx %arg9[%broadcast_in_dim3A_485, %add3A_395] : memref<32x2048xf32, #tpu.memory_space<vmem>>[vector<16xi32>, vector<16xi32>], vector<16xf32>,
      %mul3A_487 = arith.constant 16 : i32
      %mul3A_488 = arith.muli %scan3A_17, %mul3A_487 : i32
      %swap3A_489 = arith.constant 10 : i32
      %swap3A_490 = arith.index_cast %swap3A_489 : i32 to index
      %swap3A_491 = arith.index_cast %mul3A_488 : i32 to index
      %swap3A_492 = tpu.vector_load %arg11[%swap3A_490, %swap3A_491] {strides = array<i32>} : memref<32x512xf32, #tpu.memory_space<vmem>>, vector<16xf32>,
      tpu.vector_store %arg11[%swap3A_490, %swap3A_491], %gather3A_486 {strides = array<i32>} : memref<32x512xf32, #tpu.memory_space<vmem>>, vector<16xf32>,
      %broadcast_in_dim3A_493 = arith.constant 11 : i32
      %broadcast_in_dim3A_494 = vector.broadcast %broadcast_in_dim3A_493 : i32 to vector<16xi32>
      %gather3A_495 = tpu.vector_load_idx %arg9[%broadcast_in_dim3A_494, %add3A_395] : memref<32x2048xf32, #tpu.memory_space<vmem>>[vector<16xi32>, vector<16xi32>], vector<16xf32>,
      %mul3A_496 = arith.constant 16 : i32
      %mul3A_497 = arith.muli %scan3A_17, %mul3A_496 : i32
      %swap3A_498 = arith.constant 11 : i32
      %swap3A_499 = arith.index_cast %swap3A_498 : i32 to index
      %swap3A_500 = arith.index_cast %mul3A_497 : i32 to index
      %swap3A_501 = tpu.vector_load %arg11[%swap3A_499, %swap3A_500] {strides = array<i32>} : memref<32x512xf32, #tpu.memory_space<vmem>>, vector<16xf32>,
      tpu.vector_store %arg11[%swap3A_499, %swap3A_500], %gather3A_495 {strides = array<i32>} : memref<32x512xf32, #tpu.memory_space<vmem>>, vector<16xf32>,
      %broadcast_in_dim3A_502 = arith.constant 12 : i32
      %broadcast_in_dim3A_503 = vector.broadcast %broadcast_in_dim3A_502 : i32 to vector<16xi32>
      %gather3A_504 = tpu.vector_load_idx %arg9[%broadcast_in_dim3A_503, %add3A_395] : memref<32x2048xf32, #tpu.memory_space<vmem>>[vector<16xi32>, vector<16xi32>], vector<16xf32>,
      %mul3A_505 = arith.constant 16 : i32
      %mul3A_506 = arith.muli %scan3A_17, %mul3A_505 : i32
      %swap3A_507 = arith.constant 12 : i32
      %swap3A_508 = arith.index_cast %swap3A_507 : i32 to index
      %swap3A_509 = arith.index_cast %mul3A_506 : i32 to index
      %swap3A_510 = tpu.vector_load %arg11[%swap3A_508, %swap3A_509] {strides = array<i32>} : memref<32x512xf32, #tpu.memory_space<vmem>>, vector<16xf32>,
      tpu.vector_store %arg11[%swap3A_508, %swap3A_509], %gather3A_504 {strides = array<i32>} : memref<32x512xf32, #tpu.memory_space<vmem>>, vector<16xf32>,
      %broadcast_in_dim3A_511 = arith.constant 13 : i32
      %broadcast_in_dim3A_512 = vector.broadcast %broadcast_in_dim3A_511 : i32 to vector<16xi32>
      %gather3A_513 = tpu.vector_load_idx %arg9[%broadcast_in_dim3A_512, %add3A_395] : memref<32x2048xf32, #tpu.memory_space<vmem>>[vector<16xi32>, vector<16xi32>], vector<16xf32>,
      %mul3A_514 = arith.constant 16 : i32
      %mul3A_515 = arith.muli %scan3A_17, %mul3A_514 : i32
      %swap3A_516 = arith.constant 13 : i32
      %swap3A_517 = arith.index_cast %swap3A_516 : i32 to index
      %swap3A_518 = arith.index_cast %mul3A_515 : i32 to index
      %swap3A_519 = tpu.vector_load %arg11[%swap3A_517, %swap3A_518] {strides = array<i32>} : memref<32x512xf32, #tpu.memory_space<vmem>>, vector<16xf32>,
      tpu.vector_store %arg11[%swap3A_517, %swap3A_518], %gather3A_513 {strides = array<i32>} : memref<32x512xf32, #tpu.memory_space<vmem>>, vector<16xf32>,
      %broadcast_in_dim3A_520 = arith.constant 14 : i32
      %broadcast_in_dim3A_521 = vector.broadcast %broadcast_in_dim3A_520 : i32 to vector<16xi32>
      %gather3A_522 = tpu.vector_load_idx %arg9[%broadcast_in_dim3A_521, %add3A_395] : memref<32x2048xf32, #tpu.memory_space<vmem>>[vector<16xi32>, vector<16xi32>], vector<16xf32>,
      %mul3A_523 = arith.constant 16 : i32
      %mul3A_524 = arith.muli %scan3A_17, %mul3A_523 : i32
      %swap3A_525 = arith.constant 14 : i32
      %swap3A_526 = arith.index_cast %swap3A_525 : i32 to index
      %swap3A_527 = arith.index_cast %mul3A_524 : i32 to index
      %swap3A_528 = tpu.vector_load %arg11[%swap3A_526, %swap3A_527] {strides = array<i32>} : memref<32x512xf32, #tpu.memory_space<vmem>>, vector<16xf32>,
      tpu.vector_store %arg11[%swap3A_526, %swap3A_527], %gather3A_522 {strides = array<i32>} : memref<32x512xf32, #tpu.memory_space<vmem>>, vector<16xf32>,
      %broadcast_in_dim3A_529 = arith.constant 15 : i32
      %broadcast_in_dim3A_530 = vector.broadcast %broadcast_in_dim3A_529 : i32 to vector<16xi32>
      %gather3A_531 = tpu.vector_load_idx %arg9[%broadcast_in_dim3A_530, %add3A_395] : memref<32x2048xf32, #tpu.memory_space<vmem>>[vector<16xi32>, vector<16xi32>], vector<16xf32>,
      %mul3A_532 = arith.constant 16 : i32
      %mul3A_533 = arith.muli %scan3A_17, %mul3A_532 : i32
      %swap3A_534 = arith.constant 15 : i32
      %swap3A_535 = arith.index_cast %swap3A_534 : i32 to index
      %swap3A_536 = arith.index_cast %mul3A_533 : i32 to index
      %swap3A_537 = tpu.vector_load %arg11[%swap3A_535, %swap3A_536] {strides = array<i32>} : memref<32x512xf32, #tpu.memory_space<vmem>>, vector<16xf32>,
      tpu.vector_store %arg11[%swap3A_535, %swap3A_536], %gather3A_531 {strides = array<i32>} : memref<32x512xf32, #tpu.memory_space<vmem>>, vector<16xf32>,
      %broadcast_in_dim3A_538 = arith.constant 16 : i32
      %broadcast_in_dim3A_539 = vector.broadcast %broadcast_in_dim3A_538 : i32 to vector<16xi32>
      %gather3A_540 = tpu.vector_load_idx %arg9[%broadcast_in_dim3A_539, %add3A_395] : memref<32x2048xf32, #tpu.memory_space<vmem>>[vector<16xi32>, vector<16xi32>], vector<16xf32>,
      %mul3A_541 = arith.constant 16 : i32
      %mul3A_542 = arith.muli %scan3A_17, %mul3A_541 : i32
      %swap3A_543 = arith.constant 16 : i32
      %swap3A_544 = arith.index_cast %swap3A_543 : i32 to index
      %swap3A_545 = arith.index_cast %mul3A_542 : i32 to index
      %swap3A_546 = tpu.vector_load %arg11[%swap3A_544, %swap3A_545] {strides = array<i32>} : memref<32x512xf32, #tpu.memory_space<vmem>>, vector<16xf32>,
      tpu.vector_store %arg11[%swap3A_544, %swap3A_545], %gather3A_540 {strides = array<i32>} : memref<32x512xf32, #tpu.memory_space<vmem>>, vector<16xf32>,
      %broadcast_in_dim3A_547 = arith.constant 17 : i32
      %broadcast_in_dim3A_548 = vector.broadcast %broadcast_in_dim3A_547 : i32 to vector<16xi32>
      %gather3A_549 = tpu.vector_load_idx %arg9[%broadcast_in_dim3A_548, %add3A_395] : memref<32x2048xf32, #tpu.memory_space<vmem>>[vector<16xi32>, vector<16xi32>], vector<16xf32>,
      %mul3A_550 = arith.constant 16 : i32
      %mul3A_551 = arith.muli %scan3A_17, %mul3A_550 : i32
      %swap3A_552 = arith.constant 17 : i32
      %swap3A_553 = arith.index_cast %swap3A_552 : i32 to index
      %swap3A_554 = arith.index_cast %mul3A_551 : i32 to index
      %swap3A_555 = tpu.vector_load %arg11[%swap3A_553, %swap3A_554] {strides = array<i32>} : memref<32x512xf32, #tpu.memory_space<vmem>>, vector<16xf32>,
      tpu.vector_store %arg11[%swap3A_553, %swap3A_554], %gather3A_549 {strides = array<i32>} : memref<32x512xf32, #tpu.memory_space<vmem>>, vector<16xf32>,
      %broadcast_in_dim3A_556 = arith.constant 18 : i32
      %broadcast_in_dim3A_557 = vector.broadcast %broadcast_in_dim3A_556 : i32 to vector<16xi32>
      %gather3A_558 = tpu.vector_load_idx %arg9[%broadcast_in_dim3A_557, %add3A_395] : memref<32x2048xf32, #tpu.memory_space<vmem>>[vector<16xi32>, vector<16xi32>], vector<16xf32>,
      %mul3A_559 = arith.constant 16 : i32
      %mul3A_560 = arith.muli %scan3A_17, %mul3A_559 : i32
      %swap3A_561 = arith.constant 18 : i32
      %swap3A_562 = arith.index_cast %swap3A_561 : i32 to index
      %swap3A_563 = arith.index_cast %mul3A_560 : i32 to index
      %swap3A_564 = tpu.vector_load %arg11[%swap3A_562, %swap3A_563] {strides = array<i32>} : memref<32x512xf32, #tpu.memory_space<vmem>>, vector<16xf32>,
      tpu.vector_store %arg11[%swap3A_562, %swap3A_563], %gather3A_558 {strides = array<i32>} : memref<32x512xf32, #tpu.memory_space<vmem>>, vector<16xf32>,
      %broadcast_in_dim3A_565 = arith.constant 19 : i32
      %broadcast_in_dim3A_566 = vector.broadcast %broadcast_in_dim3A_565 : i32 to vector<16xi32>
      %gather3A_567 = tpu.vector_load_idx %arg9[%broadcast_in_dim3A_566, %add3A_395] : memref<32x2048xf32, #tpu.memory_space<vmem>>[vector<16xi32>, vector<16xi32>], vector<16xf32>,
      %mul3A_568 = arith.constant 16 : i32
      %mul3A_569 = arith.muli %scan3A_17, %mul3A_568 : i32
      %swap3A_570 = arith.constant 19 : i32
      %swap3A_571 = arith.index_cast %swap3A_570 : i32 to index
      %swap3A_572 = arith.index_cast %mul3A_569 : i32 to index
      %swap3A_573 = tpu.vector_load %arg11[%swap3A_571, %swap3A_572] {strides = array<i32>} : memref<32x512xf32, #tpu.memory_space<vmem>>, vector<16xf32>,
      tpu.vector_store %arg11[%swap3A_571, %swap3A_572], %gather3A_567 {strides = array<i32>} : memref<32x512xf32, #tpu.memory_space<vmem>>, vector<16xf32>,
      %broadcast_in_dim3A_574 = arith.constant 20 : i32
      %broadcast_in_dim3A_575 = vector.broadcast %broadcast_in_dim3A_574 : i32 to vector<16xi32>
      %gather3A_576 = tpu.vector_load_idx %arg9[%broadcast_in_dim3A_575, %add3A_395] : memref<32x2048xf32, #tpu.memory_space<vmem>>[vector<16xi32>, vector<16xi32>], vector<16xf32>,
      %mul3A_577 = arith.constant 16 : i32
      %mul3A_578 = arith.muli %scan3A_17, %mul3A_577 : i32
      %swap3A_579 = arith.constant 20 : i32
      %swap3A_580 = arith.index_cast %swap3A_579 : i32 to index
      %swap3A_581 = arith.index_cast %mul3A_578 : i32 to index
      %swap3A_582 = tpu.vector_load %arg11[%swap3A_580, %swap3A_581] {strides = array<i32>} : memref<32x512xf32, #tpu.memory_space<vmem>>, vector<16xf32>,
      tpu.vector_store %arg11[%swap3A_580, %swap3A_581], %gather3A_576 {strides = array<i32>} : memref<32x512xf32, #tpu.memory_space<vmem>>, vector<16xf32>,
      %broadcast_in_dim3A_583 = arith.constant 21 : i32
      %broadcast_in_dim3A_584 = vector.broadcast %broadcast_in_dim3A_583 : i32 to vector<16xi32>
      %gather3A_585 = tpu.vector_load_idx %arg9[%broadcast_in_dim3A_584, %add3A_395] : memref<32x2048xf32, #tpu.memory_space<vmem>>[vector<16xi32>, vector<16xi32>], vector<16xf32>,
      %mul3A_586 = arith.constant 16 : i32
      %mul3A_587 = arith.muli %scan3A_17, %mul3A_586 : i32
      %swap3A_588 = arith.constant 21 : i32
      %swap3A_589 = arith.index_cast %swap3A_588 : i32 to index
      %swap3A_590 = arith.index_cast %mul3A_587 : i32 to index
      %swap3A_591 = tpu.vector_load %arg11[%swap3A_589, %swap3A_590] {strides = array<i32>} : memref<32x512xf32, #tpu.memory_space<vmem>>, vector<16xf32>,
      tpu.vector_store %arg11[%swap3A_589, %swap3A_590], %gather3A_585 {strides = array<i32>} : memref<32x512xf32, #tpu.memory_space<vmem>>, vector<16xf32>,
      %broadcast_in_dim3A_592 = arith.constant 22 : i32
      %broadcast_in_dim3A_593 = vector.broadcast %broadcast_in_dim3A_592 : i32 to vector<16xi32>
      %gather3A_594 = tpu.vector_load_idx %arg9[%broadcast_in_dim3A_593, %add3A_395] : memref<32x2048xf32, #tpu.memory_space<vmem>>[vector<16xi32>, vector<16xi32>], vector<16xf32>,
      %mul3A_595 = arith.constant 16 : i32
      %mul3A_596 = arith.muli %scan3A_17, %mul3A_595 : i32
      %swap3A_597 = arith.constant 22 : i32
      %swap3A_598 = arith.index_cast %swap3A_597 : i32 to index
      %swap3A_599 = arith.index_cast %mul3A_596 : i32 to index
      %swap3A_600 = tpu.vector_load %arg11[%swap3A_598, %swap3A_599] {strides = array<i32>} : memref<32x512xf32, #tpu.memory_space<vmem>>, vector<16xf32>,
      tpu.vector_store %arg11[%swap3A_598, %swap3A_599], %gather3A_594 {strides = array<i32>} : memref<32x512xf32, #tpu.memory_space<vmem>>, vector<16xf32>,
      %broadcast_in_dim3A_601 = arith.constant 23 : i32
      %broadcast_in_dim3A_602 = vector.broadcast %broadcast_in_dim3A_601 : i32 to vector<16xi32>
      %gather3A_603 = tpu.vector_load_idx %arg9[%broadcast_in_dim3A_602, %add3A_395] : memref<32x2048xf32, #tpu.memory_space<vmem>>[vector<16xi32>, vector<16xi32>], vector<16xf32>,
      %mul3A_604 = arith.constant 16 : i32
      %mul3A_605 = arith.muli %scan3A_17, %mul3A_604 : i32
      %swap3A_606 = arith.constant 23 : i32
      %swap3A_607 = arith.index_cast %swap3A_606 : i32 to index
      %swap3A_608 = arith.index_cast %mul3A_605 : i32 to index
      %swap3A_609 = tpu.vector_load %arg11[%swap3A_607, %swap3A_608] {strides = array<i32>} : memref<32x512xf32, #tpu.memory_space<vmem>>, vector<16xf32>,
      tpu.vector_store %arg11[%swap3A_607, %swap3A_608], %gather3A_603 {strides = array<i32>} : memref<32x512xf32, #tpu.memory_space<vmem>>, vector<16xf32>,
      %broadcast_in_dim3A_610 = arith.constant 24 : i32
      %broadcast_in_dim3A_611 = vector.broadcast %broadcast_in_dim3A_610 : i32 to vector<16xi32>
      %gather3A_612 = tpu.vector_load_idx %arg9[%broadcast_in_dim3A_611, %add3A_395] : memref<32x2048xf32, #tpu.memory_space<vmem>>[vector<16xi32>, vector<16xi32>], vector<16xf32>,
      %mul3A_613 = arith.constant 16 : i32
      %mul3A_614 = arith.muli %scan3A_17, %mul3A_613 : i32
      %swap3A_615 = arith.constant 24 : i32
      %swap3A_616 = arith.index_cast %swap3A_615 : i32 to index
      %swap3A_617 = arith.index_cast %mul3A_614 : i32 to index
      %swap3A_618 = tpu.vector_load %arg11[%swap3A_616, %swap3A_617] {strides = array<i32>} : memref<32x512xf32, #tpu.memory_space<vmem>>, vector<16xf32>,
      tpu.vector_store %arg11[%swap3A_616, %swap3A_617], %gather3A_612 {strides = array<i32>} : memref<32x512xf32, #tpu.memory_space<vmem>>, vector<16xf32>,
      %broadcast_in_dim3A_619 = arith.constant 25 : i32
      %broadcast_in_dim3A_620 = vector.broadcast %broadcast_in_dim3A_619 : i32 to vector<16xi32>
      %gather3A_621 = tpu.vector_load_idx %arg9[%broadcast_in_dim3A_620, %add3A_395] : memref<32x2048xf32, #tpu.memory_space<vmem>>[vector<16xi32>, vector<16xi32>], vector<16xf32>,
      %mul3A_622 = arith.constant 16 : i32
      %mul3A_623 = arith.muli %scan3A_17, %mul3A_622 : i32
      %swap3A_624 = arith.constant 25 : i32
      %swap3A_625 = arith.index_cast %swap3A_624 : i32 to index
      %swap3A_626 = arith.index_cast %mul3A_623 : i32 to index
      %swap3A_627 = tpu.vector_load %arg11[%swap3A_625, %swap3A_626] {strides = array<i32>} : memref<32x512xf32, #tpu.memory_space<vmem>>, vector<16xf32>,
      tpu.vector_store %arg11[%swap3A_625, %swap3A_626], %gather3A_621 {strides = array<i32>} : memref<32x512xf32, #tpu.memory_space<vmem>>, vector<16xf32>,
      %broadcast_in_dim3A_628 = arith.constant 26 : i32
      %broadcast_in_dim3A_629 = vector.broadcast %broadcast_in_dim3A_628 : i32 to vector<16xi32>
      %gather3A_630 = tpu.vector_load_idx %arg9[%broadcast_in_dim3A_629, %add3A_395] : memref<32x2048xf32, #tpu.memory_space<vmem>>[vector<16xi32>, vector<16xi32>], vector<16xf32>,
      %mul3A_631 = arith.constant 16 : i32
      %mul3A_632 = arith.muli %scan3A_17, %mul3A_631 : i32
      %swap3A_633 = arith.constant 26 : i32
      %swap3A_634 = arith.index_cast %swap3A_633 : i32 to index
      %swap3A_635 = arith.index_cast %mul3A_632 : i32 to index
      %swap3A_636 = tpu.vector_load %arg11[%swap3A_634, %swap3A_635] {strides = array<i32>} : memref<32x512xf32, #tpu.memory_space<vmem>>, vector<16xf32>,
      tpu.vector_store %arg11[%swap3A_634, %swap3A_635], %gather3A_630 {strides = array<i32>} : memref<32x512xf32, #tpu.memory_space<vmem>>, vector<16xf32>,
      %broadcast_in_dim3A_637 = arith.constant 27 : i32
      %broadcast_in_dim3A_638 = vector.broadcast %broadcast_in_dim3A_637 : i32 to vector<16xi32>
      %gather3A_639 = tpu.vector_load_idx %arg9[%broadcast_in_dim3A_638, %add3A_395] : memref<32x2048xf32, #tpu.memory_space<vmem>>[vector<16xi32>, vector<16xi32>], vector<16xf32>,
      %mul3A_640 = arith.constant 16 : i32
      %mul3A_641 = arith.muli %scan3A_17, %mul3A_640 : i32
      %swap3A_642 = arith.constant 27 : i32
      %swap3A_643 = arith.index_cast %swap3A_642 : i32 to index
      %swap3A_644 = arith.index_cast %mul3A_641 : i32 to index
      %swap3A_645 = tpu.vector_load %arg11[%swap3A_643, %swap3A_644] {strides = array<i32>} : memref<32x512xf32, #tpu.memory_space<vmem>>, vector<16xf32>,
      tpu.vector_store %arg11[%swap3A_643, %swap3A_644], %gather3A_639 {strides = array<i32>} : memref<32x512xf32, #tpu.memory_space<vmem>>, vector<16xf32>,
      %broadcast_in_dim3A_646 = arith.constant 28 : i32
      %broadcast_in_dim3A_647 = vector.broadcast %broadcast_in_dim3A_646 : i32 to vector<16xi32>
      %gather3A_648 = tpu.vector_load_idx %arg9[%broadcast_in_dim3A_647, %add3A_395] : memref<32x2048xf32, #tpu.memory_space<vmem>>[vector<16xi32>, vector<16xi32>], vector<16xf32>,
      %mul3A_649 = arith.constant 16 : i32
      %mul3A_650 = arith.muli %scan3A_17, %mul3A_649 : i32
      %swap3A_651 = arith.constant 28 : i32
      %swap3A_652 = arith.index_cast %swap3A_651 : i32 to index
      %swap3A_653 = arith.index_cast %mul3A_650 : i32 to index
      %swap3A_654 = tpu.vector_load %arg11[%swap3A_652, %swap3A_653] {strides = array<i32>} : memref<32x512xf32, #tpu.memory_space<vmem>>, vector<16xf32>,
      tpu.vector_store %arg11[%swap3A_652, %swap3A_653], %gather3A_648 {strides = array<i32>} : memref<32x512xf32, #tpu.memory_space<vmem>>, vector<16xf32>,
      %broadcast_in_dim3A_655 = arith.constant 29 : i32
      %broadcast_in_dim3A_656 = vector.broadcast %broadcast_in_dim3A_655 : i32 to vector<16xi32>
      %gather3A_657 = tpu.vector_load_idx %arg9[%broadcast_in_dim3A_656, %add3A_395] : memref<32x2048xf32, #tpu.memory_space<vmem>>[vector<16xi32>, vector<16xi32>], vector<16xf32>,
      %mul3A_658 = arith.constant 16 : i32
      %mul3A_659 = arith.muli %scan3A_17, %mul3A_658 : i32
      %swap3A_660 = arith.constant 29 : i32
      %swap3A_661 = arith.index_cast %swap3A_660 : i32 to index
      %swap3A_662 = arith.index_cast %mul3A_659 : i32 to index
      %swap3A_663 = tpu.vector_load %arg11[%swap3A_661, %swap3A_662] {strides = array<i32>} : memref<32x512xf32, #tpu.memory_space<vmem>>, vector<16xf32>,
      tpu.vector_store %arg11[%swap3A_661, %swap3A_662], %gather3A_657 {strides = array<i32>} : memref<32x512xf32, #tpu.memory_space<vmem>>, vector<16xf32>,
      %broadcast_in_dim3A_664 = arith.constant 30 : i32
      %broadcast_in_dim3A_665 = vector.broadcast %broadcast_in_dim3A_664 : i32 to vector<16xi32>
      %gather3A_666 = tpu.vector_load_idx %arg9[%broadcast_in_dim3A_665, %add3A_395] : memref<32x2048xf32, #tpu.memory_space<vmem>>[vector<16xi32>, vector<16xi32>], vector<16xf32>,
      %mul3A_667 = arith.constant 16 : i32
      %mul3A_668 = arith.muli %scan3A_17, %mul3A_667 : i32
      %swap3A_669 = arith.constant 30 : i32
      %swap3A_670 = arith.index_cast %swap3A_669 : i32 to index
      %swap3A_671 = arith.index_cast %mul3A_668 : i32 to index
      %swap3A_672 = tpu.vector_load %arg11[%swap3A_670, %swap3A_671] {strides = array<i32>} : memref<32x512xf32, #tpu.memory_space<vmem>>, vector<16xf32>,
      tpu.vector_store %arg11[%swap3A_670, %swap3A_671], %gather3A_666 {strides = array<i32>} : memref<32x512xf32, #tpu.memory_space<vmem>>, vector<16xf32>,
      %broadcast_in_dim3A_673 = arith.constant 31 : i32
      %broadcast_in_dim3A_674 = vector.broadcast %broadcast_in_dim3A_673 : i32 to vector<16xi32>
      %gather3A_675 = tpu.vector_load_idx %arg9[%broadcast_in_dim3A_674, %add3A_395] : memref<32x2048xf32, #tpu.memory_space<vmem>>[vector<16xi32>, vector<16xi32>], vector<16xf32>,
      %mul3A_676 = arith.constant 16 : i32
      %mul3A_677 = arith.muli %scan3A_17, %mul3A_676 : i32
      %swap3A_678 = arith.constant 31 : i32
      %swap3A_679 = arith.index_cast %swap3A_678 : i32 to index
      %swap3A_680 = arith.index_cast %mul3A_677 : i32 to index
      %swap3A_681 = tpu.vector_load %arg11[%swap3A_679, %swap3A_680] {strides = array<i32>} : memref<32x512xf32, #tpu.memory_space<vmem>>, vector<16xf32>,
      tpu.vector_store %arg11[%swap3A_679, %swap3A_680], %gather3A_675 {strides = array<i32>} : memref<32x512xf32, #tpu.memory_space<vmem>>, vector<16xf32>,
      %scan3A_682 = arith.constant 0 : i32
      scf.yield %scan3A_682 : i32
    }
    %scan3A_16 = arith.constant 32 : i32
    "tpu.region"() ({
      %run_scoped3A_17 = tpu.sem_alloc : memref<!tpu.dma_semaphore, #tpu.memory_space<semaphore_mem>>
      %dma_start3A = arith.constant 0 : i32
      %dma_start3A_18 = tpu.memref_slice %arg6[%dma_start3A, %mul3A_2] : memref<32x16384xf32, #tpu.memory_space<hbm>> -> memref<32x512xf32, #tpu.memory_space<hbm>>
      %dma_start3A_19 = arith.constant 0 : i32
      %dma_start3A_20 = tpu.memref_slice %arg6[%dma_start3A_19, %mul3A_2] : memref<32x16384xf32, #tpu.memory_space<hbm>> -> memref<32x512xf32, #tpu.memory_space<hbm>>
      tpu.enqueue_dma source(%arg10 : memref<32x512xf32, #tpu.memory_space<vmem>>) target(%dma_start3A_20 : memref<32x512xf32, #tpu.memory_space<hbm>>) target_semaphore(%run_scoped3A_17 : memref<!tpu.dma_semaphore, #tpu.memory_space<semaphore_mem>>)
      %dma_wait3A = arith.constant 0 : i32
      %dma_wait3A_21 = tpu.memref_slice %arg6[%dma_wait3A, %mul3A_2] : memref<32x16384xf32, #tpu.memory_space<hbm>> -> memref<32x512xf32, #tpu.memory_space<hbm>>
      %dma_wait3A_22 = arith.constant 0 : i32
      %dma_wait3A_23 = tpu.memref_slice %arg6[%dma_wait3A_22, %mul3A_2] : memref<32x16384xf32, #tpu.memory_space<hbm>> -> memref<32x512xf32, #tpu.memory_space<hbm>>
      tpu.wait_dma2 semaphore(%run_scoped3A_17 : memref<!tpu.dma_semaphore, #tpu.memory_space<semaphore_mem>>) src(%arg10 : memref<32x512xf32, #tpu.memory_space<vmem>>) dst(%dma_wait3A_23 : memref<32x512xf32, #tpu.memory_space<hbm>>)
      tpu.yield
    }) : () -> ()
    "tpu.region"() ({
      %run_scoped3A_17 = tpu.sem_alloc : memref<!tpu.dma_semaphore, #tpu.memory_space<semaphore_mem>>
      %dma_start3A = arith.constant 0 : i32
      %dma_start3A_18 = tpu.memref_slice %arg7[%dma_start3A, %mul3A_2] : memref<32x16384xf32, #tpu.memory_space<hbm>> -> memref<32x512xf32, #tpu.memory_space<hbm>>
      %dma_start3A_19 = arith.constant 0 : i32
      %dma_start3A_20 = tpu.memref_slice %arg7[%dma_start3A_19, %mul3A_2] : memref<32x16384xf32, #tpu.memory_space<hbm>> -> memref<32x512xf32, #tpu.memory_space<hbm>>
      tpu.enqueue_dma source(%arg11 : memref<32x512xf32, #tpu.memory_space<vmem>>) target(%dma_start3A_20 : memref<32x512xf32, #tpu.memory_space<hbm>>) target_semaphore(%run_scoped3A_17 : memref<!tpu.dma_semaphore, #tpu.memory_space<semaphore_mem>>)
      %dma_wait3A = arith.constant 0 : i32
      %dma_wait3A_21 = tpu.memref_slice %arg7[%dma_wait3A, %mul3A_2] : memref<32x16384xf32, #tpu.memory_space<hbm>> -> memref<32x512xf32, #tpu.memory_space<hbm>>
      %dma_wait3A_22 = arith.constant 0 : i32
      %dma_wait3A_23 = tpu.memref_slice %arg7[%dma_wait3A_22, %mul3A_2] : memref<32x16384xf32, #tpu.memory_space<hbm>> -> memref<32x512xf32, #tpu.memory_space<hbm>>
      tpu.wait_dma2 semaphore(%run_scoped3A_17 : memref<!tpu.dma_semaphore, #tpu.memory_space<semaphore_mem>>) src(%arg11 : memref<32x512xf32, #tpu.memory_space<vmem>>) dst(%dma_wait3A_23 : memref<32x512xf32, #tpu.memory_space<hbm>>)
      tpu.yield
    }) : () -> ()
    return
  }
}

module attributes {stable_mosaic.version = 14 : i64} {
  func.func @_mlp_body(%arg0: i32, %arg1: memref<32x2048xf32, #tpu.memory_space<vmem>>, %arg2: memref<32x2048xf32, #tpu.memory_space<vmem>>, %arg3: memref<64x32xf32, #tpu.memory_space<vmem>>, %arg4: memref<64x32xf32, #tpu.memory_space<vmem>>, %arg5: memref<64x1xf32, #tpu.memory_space<vmem>>, %arg6: memref<32x64xf32, #tpu.memory_space<vmem>>, %arg7: memref<32x1xf32, #tpu.memory_space<vmem>>, %arg8: memref<1x32xf32, #tpu.memory_space<vmem>>, %arg9: memref<1x1xf32, #tpu.memory_space<vmem>>, %arg10: memref<1x2048xf32, #tpu.memory_space<vmem>>) attributes {dimension_semantics = [#tpu.dimension_semantics<arbitrary>], iteration_bounds = array<i64: 8>, scalar_prefetch = 0 : i64, scratch_operands = 0 : i64, tpu.core_type = #tpu.core_type<tc>, window_params = [{transform_indices = @transform_0, window_bounds = array<i64: 32, 2048>}, {transform_indices = @transform_1, window_bounds = array<i64: 32, 2048>}, {pipeline_mode = #tpu.pipeline_mode<synchronous>, transform_indices = @transform_2, window_bounds = array<i64: 64, 32>}, {pipeline_mode = #tpu.pipeline_mode<synchronous>, transform_indices = @transform_3, window_bounds = array<i64: 64, 32>}, {pipeline_mode = #tpu.pipeline_mode<synchronous>, transform_indices = @transform_4, window_bounds = array<i64: 64, 1>}, {pipeline_mode = #tpu.pipeline_mode<synchronous>, transform_indices = @transform_5, window_bounds = array<i64: 32, 64>}, {pipeline_mode = #tpu.pipeline_mode<synchronous>, transform_indices = @transform_6, window_bounds = array<i64: 32, 1>}, {pipeline_mode = #tpu.pipeline_mode<synchronous>, transform_indices = @transform_7, window_bounds = array<i64: 1, 32>}, {pipeline_mode = #tpu.pipeline_mode<synchronous>, transform_indices = @transform_8, window_bounds = array<i64: 1, 1>}, {transform_indices = @transform_9, window_bounds = array<i64: 1, 2048>}]} {
    %get3A = arith.constant 0 : index
    %get3A_0 = arith.constant 0 : index
    %get3A_1 = vector.load %arg3[%get3A, %get3A_0] : memref<64x32xf32, #tpu.memory_space<vmem>>, vector<64x32xf32>
    %get3A_2 = arith.constant 0 : index
    %get3A_3 = arith.constant 0 : index
    %get3A_4 = vector.load %arg1[%get3A_2, %get3A_3] : memref<32x2048xf32, #tpu.memory_space<vmem>>, vector<32x2048xf32>
    %dot_general3A = arith.constant dense<0.000000e+00> : vector<64x2048xf32>
    %dot_general3A_5 = tpu.matmul %get3A_1, %get3A_4, %dot_general3A {dimension_numbers = #tpu.dot_dimension_numbers<[1], [0], [0], [1], [0, 0, 1, 1], [], []>, transpose_lhs_hint = false} : vector<64x32xf32>, vector<32x2048xf32>, vector<64x2048xf32> -> vector<64x2048xf32>
    %get3A_6 = arith.constant 0 : index
    %get3A_7 = arith.constant 0 : index
    %get3A_8 = vector.load %arg4[%get3A_6, %get3A_7] : memref<64x32xf32, #tpu.memory_space<vmem>>, vector<64x32xf32>
    %get3A_9 = arith.constant 0 : index
    %get3A_10 = arith.constant 0 : index
    %get3A_11 = vector.load %arg2[%get3A_9, %get3A_10] : memref<32x2048xf32, #tpu.memory_space<vmem>>, vector<32x2048xf32>
    %dot_general3A_12 = arith.constant dense<0.000000e+00> : vector<64x2048xf32>
    %dot_general3A_13 = tpu.matmul %get3A_8, %get3A_11, %dot_general3A_12 {dimension_numbers = #tpu.dot_dimension_numbers<[1], [0], [0], [1], [0, 0, 1, 1], [], []>, transpose_lhs_hint = false} : vector<64x32xf32>, vector<32x2048xf32>, vector<64x2048xf32> -> vector<64x2048xf32>
    %add3A = arith.addf %dot_general3A_5, %dot_general3A_13 : vector<64x2048xf32>
    %get3A_14 = arith.constant 0 : index
    %get3A_15 = arith.constant 0 : index
    %get3A_16 = vector.load %arg5[%get3A_14, %get3A_15] : memref<64x1xf32, #tpu.memory_space<vmem>>, vector<64x1xf32>
    %add3A_17 = vector.broadcast %get3A_16 : vector<64x1xf32> to vector<64x2048xf32>
    %add3A_18 = arith.addf %add3A, %add3A_17 : vector<64x2048xf32>
    %max3A = arith.constant 0.000000e+00 : f32
    %max3A_19 = vector.broadcast %max3A : f32 to vector<64x2048xf32>
    %max3A_20 = arith.maximumf %add3A_18, %max3A_19 : vector<64x2048xf32>
    %get3A_21 = arith.constant 0 : index
    %get3A_22 = arith.constant 0 : index
    %get3A_23 = vector.load %arg6[%get3A_21, %get3A_22] : memref<32x64xf32, #tpu.memory_space<vmem>>, vector<32x64xf32>
    %dot_general3A_24 = arith.constant dense<0.000000e+00> : vector<32x2048xf32>
    %dot_general3A_25 = tpu.matmul %get3A_23, %max3A_20, %dot_general3A_24 {dimension_numbers = #tpu.dot_dimension_numbers<[1], [0], [0], [1], [0, 0, 1, 1], [], []>, transpose_lhs_hint = false} : vector<32x64xf32>, vector<64x2048xf32>, vector<32x2048xf32> -> vector<32x2048xf32>
    %get3A_26 = arith.constant 0 : index
    %get3A_27 = arith.constant 0 : index
    %get3A_28 = vector.load %arg7[%get3A_26, %get3A_27] : memref<32x1xf32, #tpu.memory_space<vmem>>, vector<32x1xf32>
    %add3A_29 = vector.broadcast %get3A_28 : vector<32x1xf32> to vector<32x2048xf32>
    %add3A_30 = arith.addf %dot_general3A_25, %add3A_29 : vector<32x2048xf32>
    %max3A_31 = arith.constant 0.000000e+00 : f32
    %max3A_32 = vector.broadcast %max3A_31 : f32 to vector<32x2048xf32>
    %max3A_33 = arith.maximumf %add3A_30, %max3A_32 : vector<32x2048xf32>
    %get3A_34 = arith.constant 0 : index
    %get3A_35 = arith.constant 0 : index
    %get3A_36 = vector.load %arg8[%get3A_34, %get3A_35] : memref<1x32xf32, #tpu.memory_space<vmem>>, vector<1x32xf32>
    %dot_general3A_37 = arith.constant dense<0.000000e+00> : vector<1x2048xf32>
    %dot_general3A_38 = tpu.matmul %get3A_36, %max3A_33, %dot_general3A_37 {dimension_numbers = #tpu.dot_dimension_numbers<[1], [0], [0], [1], [0, 0, 1, 1], [], []>, transpose_lhs_hint = false} : vector<1x32xf32>, vector<32x2048xf32>, vector<1x2048xf32> -> vector<1x2048xf32>
    %get3A_39 = arith.constant 0 : index
    %get3A_40 = arith.constant 0 : index
    %get3A_41 = vector.load %arg9[%get3A_39, %get3A_40] : memref<1x1xf32, #tpu.memory_space<vmem>>, vector<1x1xf32>
    %add3A_42 = vector.broadcast %get3A_41 : vector<1x1xf32> to vector<1x2048xf32>
    %add3A_43 = arith.addf %dot_general3A_38, %add3A_42 : vector<1x2048xf32>
    %swap3A = arith.constant 0 : index
    %swap3A_44 = arith.constant 0 : index
    %swap3A_45 = vector.load %arg10[%swap3A, %swap3A_44] : memref<1x2048xf32, #tpu.memory_space<vmem>>, vector<1x2048xf32>
    tpu.vector_store %arg10[%swap3A, %swap3A_44], %add3A_43 {strides = array<i32>} : memref<1x2048xf32, #tpu.memory_space<vmem>>, vector<1x2048xf32>,
    return
  }
  func.func @transform_0(%arg0: i32) -> (i32, i32) {
    %c0_i32 = arith.constant 0 : i32
    %c0_i32_0 = arith.constant 0 : i32
    return %c0_i32, %arg0 : i32, i32
  }
  func.func @transform_1(%arg0: i32) -> (i32, i32) {
    %c0_i32 = arith.constant 0 : i32
    %c0_i32_0 = arith.constant 0 : i32
    return %c0_i32, %arg0 : i32, i32
  }
  func.func @transform_2(%arg0: i32) -> (i32, i32) {
    %c0_i32 = arith.constant 0 : i32
    %c0_i32_0 = arith.constant 0 : i32
    %c0_i32_1 = arith.constant 0 : i32
    return %c0_i32, %c0_i32_0 : i32, i32
  }
  func.func @transform_3(%arg0: i32) -> (i32, i32) {
    %c0_i32 = arith.constant 0 : i32
    %c0_i32_0 = arith.constant 0 : i32
    %c0_i32_1 = arith.constant 0 : i32
    return %c0_i32, %c0_i32_0 : i32, i32
  }
  func.func @transform_4(%arg0: i32) -> (i32, i32) {
    %c0_i32 = arith.constant 0 : i32
    %c0_i32_0 = arith.constant 0 : i32
    %c0_i32_1 = arith.constant 0 : i32
    return %c0_i32, %c0_i32_0 : i32, i32
  }
  func.func @transform_5(%arg0: i32) -> (i32, i32) {
    %c0_i32 = arith.constant 0 : i32
    %c0_i32_0 = arith.constant 0 : i32
    %c0_i32_1 = arith.constant 0 : i32
    return %c0_i32, %c0_i32_0 : i32, i32
  }
  func.func @transform_6(%arg0: i32) -> (i32, i32) {
    %c0_i32 = arith.constant 0 : i32
    %c0_i32_0 = arith.constant 0 : i32
    %c0_i32_1 = arith.constant 0 : i32
    return %c0_i32, %c0_i32_0 : i32, i32
  }
  func.func @transform_7(%arg0: i32) -> (i32, i32) {
    %c0_i32 = arith.constant 0 : i32
    %c0_i32_0 = arith.constant 0 : i32
    %c0_i32_1 = arith.constant 0 : i32
    return %c0_i32, %c0_i32_0 : i32, i32
  }
  func.func @transform_8(%arg0: i32) -> (i32, i32) {
    %c0_i32 = arith.constant 0 : i32
    %c0_i32_0 = arith.constant 0 : i32
    %c0_i32_1 = arith.constant 0 : i32
    return %c0_i32, %c0_i32_0 : i32, i32
  }
  func.func @transform_9(%arg0: i32) -> (i32, i32) {
    %c0_i32 = arith.constant 0 : i32
    %c0_i32_0 = arith.constant 0 : i32
    return %c0_i32, %arg0 : i32, i32
  }
}

</mosaic_0001>

<sc_bundles>
// kernel: kernel.4.cloned.1.call-start
scs
__scs_entry_jumppad:
0x0: {  	(pc) =	sbr.rel $0x88, $3  }
0x1: {  	(tag) =	ssettag $0x0;
	lr =	simm.s32 $0x1  }
0x2: {  	[smem:$0x3F97] =	sst lr;
	_ =	strace $0xD0000000  }
0x3: {  	_ = 	snop  }
0x4: {  	_ = 	snop  }
0x5: {  	_ = 	snop  }
0x6: {  	_ = 	snop  }
0x7: {  	_ = 	snop  }
__scs_overlays_trampoline_lowered:
0x8: {  	[smem:$0x3FA6] =	sst s0  }
0x9: {  	[smem:$0x3FA7] =	sst s1  }
0xa: {  	[smem:$0x3FA8] =	sst s2  }
0xb: {  	[smem:$0x3FA9] =	sst s3  }
0xc: {  	[smem:$0x3FAA] =	sst s4  }
0xd: {  	[smem:$0x3FAB] =	sst s5  }
0xe: {  	[smem:$0x3FAC] =	sst s6  }
0xf: {  	[smem:$0x3FAD] =	sst s7  }
0x10: {  	[smem:$0x3FAE] =	sst s8  }
0x11: {  	[smem:$0x3FAF] =	sst s9;
	s0 =	simm.s32 @!p0 $0x0  }
0x12: {  	s1 =	sld [smem:$0x3F95];
	s0 =	simm.s32 @p0 $0x1  }
0x13: {  	[smem:$0x3FB0] =	sst s0;
	s0 =	simm.s32 @!p1 $0x0  }
0x14: {  	s2 =	sld [smem:$0x3F94];
	s0 =	simm.s32 @p1 $0x1  }
0x15: {  	[smem:$0x3FB1] =	sst s0;
	s0 =	simm.s32 @!p2 $0x0  }
0x16: {  	s3 =	sld [smem:$0x3FDB];
	s0 =	simm.s32 @p2 $0x1  }
0x17: {  	s4 =	simm.s32 $0x1BF5;
	[smem:$0x3FB3] =	sst s0  }
0x18: {  	s0 =	sld [smem:$0x3F96];
	_ =	swait.ge [sflag:s4], $0x0  }
0x19: {  	s7 =	sld [smem:$0x3F97]  }
0x1a: {  	s8 =	sadd.s32 $0xFFFFE003, lr  }
0x1b: {  	s9 =	sadd.s32 $0xFFFFFEF7, lr;
	s5 =	simm.s32 $0xFFFFFFFF;
	p2 =	slt.u32 s8, $0xFFFFF086  }
0x1c: {  	p1 =	slt.u32 s9, $0xF7A;
	s5 =	simm.s32 @!p2 $0x0  }
0x1d: {  	s5 =	simm.s32 @p1 $0x1;
	p0 =	seq.s32 s7, s2  }
0x1e: {  	s7 =	smul.u32 @!p0 $0xF7A, s2;
	p2 =	seq.s32 @!p0 s5, $0x0  }
0x1f: {  	s9 =	smul.u32 $0xF7A, s1;
	s8 =	simm.s32 @!p0 $0x1BF5;
	p2 =	por !p2, p0  }
0x20: {  	[sflag:s8] =	ssyncset.s32 @!p0 $0xFFFFF086;
	s6 =	sadd.s32 @!p0 s3, s7;
	s7 =	simm.s32 @!p0 $0x108  }
0x21: {  	s3 =	sadd.s32 s3, s9;
	s6 =	sadd.s32 @!p0 $0x88, s6;
	s7 =	simm.s32 @p2 $0x1082  }
0x22: {  	[simem:s7], [sflag:s8] =	dma.local @!p0 [hbm:s6], $0xF7A  }
0x23: {  	s9 =	sor.u32 $0xD0000000, s2;
	s6 =	simm.s32 $0x108;
	_ =	swait.ge @!p0 [sflag:s8], $0x0  }
0x24: {  	s3 =	sadd.s32 $0x88, s3;
	s6 =	simm.s32 @!p1 $0x1082;
	[sflag:s4] =	ssyncset.s32 $0xFFFFF086  }
0x25: {  	[simem:s6], [sflag:s4] =	dma.local [hbm:s3], $0xF7A  }
0x26: {  	[smem:$0x3F97] =	sst s1;
	(tag) =	ssettag s2;
	_ =	strace s9  }
0x27: {  	s1 =	sld [smem:$0x3FA7]  }
0x28: {  	s2 =	sld [smem:$0x3FA8]  }
0x29: {  	s4 =	sld [smem:$0x3FAA]  }
0x2a: {  	p0 =	seq.s32 s5, $0x0;
	s5 =	sld [smem:$0x3FAB]  }
0x2b: {  	s6 =	sld [smem:$0x3FAC]  }
0x2c: {  	s7 =	sld [smem:$0x3FAD]  }
0x2d: {  	s3 =	simm.s32 $0x108;
	s8 =	sld [smem:$0x3FAE]  }
0x2e: {  	s3 =	simm.s32 @!p0 $0x1082;
	s9 =	sld [smem:$0x3FAF]  }
0x2f: {  	lr =	sadd.s32 s0, s3;
	s0 =	sld [smem:$0x3FA6]  }
0x30: {  	s3 =	sld [smem:$0x3FA9]  }
0x31: {  	[smem:$0x3FB2] =	sst s10  }
0x32: {  	s10 =	sld [smem:$0x3FB0];
	_ =	sdelay $0x3  }
0x33: {  	p0 =	seq.s32 s10, $0x1;
	s10 =	sld [smem:$0x3FB2];
	_ =	sdelay $0x3  }
0x34: {  	[smem:$0x3FB2] =	sst s10  }
0x35: {  	s10 =	sld [smem:$0x3FB1];
	_ =	sdelay $0x3  }
0x36: {  	p1 =	seq.s32 s10, $0x1;
	s10 =	sld [smem:$0x3FB2];
	_ =	sdelay $0x3  }
0x37: {  	[smem:$0x3FB2] =	sst s10  }
0x38: {  	s10 =	sld [smem:$0x3FB3]  }
0x39: {  	_ = 	snop;
	(pc) =	sbr.ind lr, $3  }
0x3a: {  	_ = 	snop  }
0x3b: {  	_ = 	snop  }
0x3c: {  	p2 =	seq.s32 s10, $0x1;
	s10 =	sld [smem:$0x3FB2]  }
0x3d: {  	_ =	shalt  }
0x3e: {  	_ =	shalt  }
0x3f: {  	_ =	shalt  }
0x40: {  	_ =	shalt  }
0x41: {  	_ =	shalt  }
0x42: {  	_ =	shalt  }
0x43: {  	_ =	shalt  }
0x44: {  	_ =	shalt  }
0x45: {  	_ =	shalt  }
0x46: {  	_ =	shalt  }
0x47: {  	_ =	shalt  }
0x48: {  	_ =	shalt  }
0x49: {  	_ =	shalt  }
0x4a: {  	_ =	shalt  }
0x4b: {  	_ =	shalt  }
0x4c: {  	_ =	shalt  }
0x4d: {  	_ =	shalt  }
0x4e: {  	_ =	shalt  }
0x4f: {  	_ =	shalt  }
0x50: {  	_ =	shalt  }
0x51: {  	_ =	shalt  }
0x52: {  	_ =	shalt  }
0x53: {  	_ =	shalt  }
0x54: {  	_ =	shalt  }
0x55: {  	_ =	shalt  }
0x56: {  	_ =	shalt  }
0x57: {  	_ =	shalt  }
0x58: {  	_ =	shalt  }
0x59: {  	_ =	shalt  }
0x5a: {  	_ =	shalt  }
0x5b: {  	_ =	shalt  }
0x5c: {  	_ =	shalt  }
0x5d: {  	_ =	shalt  }
0x5e: {  	_ =	shalt  }
0x5f: {  	_ =	shalt  }
0x60: {  	_ =	shalt  }
0x61: {  	_ =	shalt  }
0x62: {  	_ =	shalt  }
0x63: {  	_ =	shalt  }
0x64: {  	_ =	shalt  }
0x65: {  	_ =	shalt  }
0x66: {  	_ =	shalt  }
0x67: {  	_ =	shalt  }
0x68: {  	_ =	shalt  }
0x69: {  	_ =	shalt  }
0x6a: {  	_ =	shalt  }
0x6b: {  	_ =	shalt  }
0x6c: {  	_ =	shalt  }
0x6d: {  	_ =	shalt  }
0x6e: {  	_ =	shalt  }
0x6f: {  	_ =	shalt  }
0x70: {  	_ =	shalt  }
0x71: {  	_ =	shalt  }
0x72: {  	_ =	shalt  }
0x73: {  	_ =	shalt  }
0x74: {  	_ =	shalt  }
0x75: {  	_ =	shalt  }
0x76: {  	_ =	shalt  }
0x77: {  	_ =	shalt  }
0x78: {  	_ =	shalt  }
0x79: {  	_ =	shalt  }
0x7a: {  	_ =	shalt  }
0x7b: {  	_ =	shalt  }
0x7c: {  	_ =	shalt  }
0x7d: {  	_ =	shalt  }
0x7e: {  	_ =	shalt  }
0x7f: {  	_ =	shalt  }
0x80: {  	_ =	shalt  }
0x81: {  	_ =	shalt  }
0x82: {  	_ =	shalt  }
0x83: {  	_ =	shalt  }
0x84: {  	_ =	shalt  }
0x85: {  	_ =	shalt  }
0x86: {  	_ =	shalt  }
0x87: {  	_ =	shalt  }
.Lfunc_end0:
.L_simem_size_0:
called_computation_lowered:
.L_overlay_start_0:
0x88: {  	s2 =	sld [smem:$0x3FD9]  }
0x89: {  	s3 =	sld [smem:$0x3FFE];
	_ =	sdelay $0x1  }
0x8a: {  	s1 =	srdreg.scid  }
0x8b: {  	s0 =	sand.u32 $0x1, s1  }
0x8c: {  	s17 =	sshll.u32 s0, $0xA;
	s2 =	sadd.s32 s3, s2  }
0x8d: {  	s2 =	sadd.s32 s2, s17  }
0x8e: {  	[smem:$0x3FBE] =	sst s2  }
0x8f: {  	_ = 	snop  }
0x90: {  	s2 =	sld [smem:$0x3FC9]  }
0x91: {  	s18 =	sld [smem:$0x3FC8]  }
0x92: {  	s4 =	sld [smem:$0x3FC7]  }
0x93: {  	s5 =	sld [smem:$0x3FC6];
	(tm) =	ssettm $0x1  }
0x94: {  	s6 =	sld [smem:$0x3FFB];
	_ =	sdelay $0x3  }
0x95: {  	_ =	strace s6  }
0x96: {  	s6 =	sld [smem:$0x3FFC];
	_ =	sdelay $0x3  }
0x97: {  	_ =	strace s6  }
0x98: {  	s6 =	sld [smem:$0x3FFD];
	_ =	sdelay $0x3  }
0x99: {  	_ =	strace s6  }
0x9a: {  	_ =	strace $0x8FFFFFFF  }
0x9b: {  	s19 =	sld [smem:$0x3FDB];
	_ =	sdelay $0x1  }
0x9c: {  	s7 =	simm.s32 $_scs_section_size  }
0x9d: {  	s8 =	simm.s32 $_size__tile_overlayer_lowered;
	s9 =	simm.s32 $_tile_overlayer_lowered  }
0x9e: {  	s22 =	simm.s32 $0x1BFF;
	s21 =	sshll.u32 s9, $0x1;
	s6 =	sadd.s32 s7, s19  }
0x9f: {  	s10 =	simm.s32 $0x0;
	s20 =	sshll.u32 s8, $0x1;
	s8 =	sadd.s32 s21, s6  }
0xa0: {  	[timem:s10], [sflag:s22] =	dma.local [hbm:s8], s20  }
0xa1: {  	_ =	swait.ge [sflag:s22], s20  }
0xa2: {  	s7 =	ssub.s32 $0x0, s20;
	[sflag:s22] =	ssyncset.done $0x0  }
0xa3: {  	[sflag:s22] =	ssyncadd.s32 s7;
	_ =	sdelay $0x1  }
0xa4: {  	s23 =	simm.s32 $0x1B8B  }
0xa5: {  	_ =	swait.ge [sflag:s23], $0x1  }
0xa6: {  	[sflag:s23] =	ssyncset.done $0x0  }
0xa7: {  	s25 =	simm.s32 $0x1B8E;
	s24 =	sld [smem:$0x3FFE];
	[sflag:s23] =	ssyncadd.s32 $0xFFFFFFFF  }
0xa8: {  	s26 =	simm.s32 $execute0_lowered;
	[smem:$0x3FD2] =	sst s25  }
0xa9: {  	s8 =	sshll.u32 s26, $0x1;
	_ =	strace $0x80000046;
	[dreg:$0x1] =	wrdreg $0xFFFFFFFF  }
0xaa: {  	s28 =	simm.s32 $_size_execute0_lowered;
	s6 =	sadd.s32 s6, s8;
	[dreg:$0x0] =	wrdreg $0x0  }
0xab: {  	s8 =	sshll.u32 s28, $0x1;
	[dreg:$0x2] =	wrdreg s6  }
0xac: {  	[dreg:$0x3] =	wrdreg s8  }
0xad: {  	[dreg:$0x4] =	wrdreg $0xC0  }
0xae: {  	_ =	task [dreg:s10], $0x5FFFF  }
0xaf: {  	[dreg:$0x1] =	wrdreg $0xFFFFFFFF  }
0xb0: {  	[dreg:$0x0] =	wrdreg $0x60  }
0xb1: {  	[dreg:$0x2] =	wrdreg s2  }
0xb2: {  	[dreg:$0x3] =	wrdreg s18  }
0xb3: {  	[dreg:$0x4] =	wrdreg s4  }
0xb4: {  	[dreg:$0x5] =	wrdreg s5  }
0xb5: {  	[dreg:$0x6] =	wrdreg s24  }
0xb6: {  	[dreg:$0x7] =	wrdreg $0x9  }
0xb7: {  	_ =	task.clear_ibuf [dreg:s10], $0x8FFFF;
	_ =	strace $0x90000046  }
0xb8: {  	s29 =	simm.s32 $0x9;
	_ =	strace $0x80000048  }
0xb9: {  	_ =	swait.ge [sflag:s29], $0x1  }
0xba: {  	[sflag:s29] =	ssyncadd.s32 $0xFFFFFFFF  }
0xbb: {  	_ =	strace $0x90000048  }
0xbc: {  	_ =	sfence  }
0xbd: {  	s30 =	sld [smem:$0x0];
	_ =	sdelay $0x2  }
0xbe: {  	s31 =	sshll.u32 s1, $0xD;
	s1 =	sshrl.u32 s1, $0x2  }
0xbf: {  	s3 =	sand.u32 $0x4000, s31;
	s1 =	sadd.s32 s1, s30  }
0xc0: {  	s0 =	sor.u32 s3, s0;
	s1 =	sshll.u32 s1, $0x11  }
0xc1: {  	s0 =	sor.u32 s1, s0  }
0xc2: {  	s0 =	sadd.s32 $0x8F2B, s0  }
0xc3: {  	[sflag:s0] =	ssyncadd.remote.s32 $0x1  }
0xc4: {  	_ =	sfence.sel $0xFFFF  }
0xc5: {  	[dreg:$0x0] =	wrdreg $0xFFFFFFFF;
	(pc) =	sbr.abs _section_cstart, $3  }
0xc6: {  	[dreg:$0x1] =	wrdreg $0xFFFFFFFF  }
0xc7: {  	_ =	task.clear_ibuf [dreg:s10], $0x2FFFF;
	_ =	strace $0x9FFFFFFF  }
0xc8: {  	(tm) =	ssettm $0x7FFFFFFF  }
0xc9: {  	_ =	shalt  }
tec
execute0_lowered:
.L_overlay_start_1:
0x0: {  	(tag) =	ssettag $0x1  }
0x1: {  	s0 =	rddreg [dreg:$0x0]  }
0x2: {  	s2 =	rddreg [dreg:$0x1]  }
0x3: {  	s1 =	rddreg [dreg:$0x2]  }
0x4: {  	s3 =	rddreg [dreg:$0x3];
	s4 =	srdreg.scid;
	vm0 =	vmmov $0x1  }
0x5: {  	s5 =	rddreg [dreg:$0x4];
	s7 =	stileid.u32;
	vm1 =	vcmask $0x308;
	vm2 =	vcmask $0x70C;
	vm3 =	vcmask $0xB10;
	s6 =	sand.u32 $0x1, s4  }
0x6: {  	vm4 =	vcmask $0xF14;
	vm5 =	vcmask $0x1318;
	vm6 =	vcmask $0x171C;
	s4 =	simm.s32 $0x0;
	s7 =	sshll.u32 s7, $0xA;
	s8 =	sshll.u32 s6, $0x9  }
0x7: {  	vm7 =	vcmask $0x1B20;
	vm8 =	vcmask $0x1F24;
	v0 =	vlaneseq.u32;
	s14 =	simm.s32 $0x1;
	[smem:$0x7FF] =	sst s4;
	s7 =	sor.u32 s8, s7  }
0x8: {  	vm9 =	vcmask $0x2328;
	vm10 =	vcmask $0x272C;
	v0 =	vmul.u32 $0x400, v0;
	s6 =	ssub.s32 $0x2, s6;
	_ =	strace $0x80000047;
	s5 =	sadd.s32 s7, s5  }
0x9: {  	vm11 =	vcmask $0x2B30;
	vm12 =	vcmask $0x2F34;
	vm13 =	vcmask $0x3338;
	s24 =	sshrl.u32 s6, $0x1;
	s9 =	sshrl.u32 s7, $0x3;
	s7 =	sadd.s32 $0x1800, s5  }
0xa: {  	vm14 =	vcmask $0x373C;
	vm15 =	vmmov $0x7fff;
	v1 =	vor.u32 $0x80, v0;
	s6 =	ssub.s32 s6, s24;
	s5 =	sadd.s32 $0x11800, s5;
	[dreg:$0x8] =	wrdreg s7  }
0xb: {  	s13 =	simm.s32 $0xF800;
	v2 =	vor.u32 $0x100, v0;
	v3 =	vor.u32 $0x180, v0;
	v4 =	vor.u32 $0x200, v0;
	s25 =	smax.u32 s6, $0x1;
	[dreg:$0x9] =	wrdreg s5  }
0xc: {  	s10 =	simm.s32 $0x3C00;
	v5 =	vor.u32 $0x280, v0;
	v6 =	vor.u32 $0x300, v0;
	v7 =	vor.u32 $0x380, v0;
	s0 =	sadd.s32 s0, s9;
	[dreg:$0xa] =	wrdreg s25  }
0xd: {  	s11 =	simm.s32 $0x7C00;
	v8 =	vor.u32 $0x4000, v0;
	v9 =	vor.u32 $0x4080, v0;
	v10 =	vor.u32 $0x4100, v0;
	s2 =	sadd.s32 s2, s9;
	[dreg:$0x6] =	wrdreg s0  }
0xe: {  	s12 =	simm.s32 $0xFC00;
	v11 =	vor.u32 $0x4180, v0;
	v12 =	vor.u32 $0x4200, v0;
	v13 =	vor.u32 $0x4280, v0;
	s26 =	sadd.s32 $0x10, s0;
	[dreg:$0x7] =	wrdreg s2  }
0xf: {  	s18 =	simm.s32 $0x4000;
	v14 =	vor.u32 $0x4300, v0;
	v15 =	vor.u32 $0x4380, v0;
	v16 =	vor.u32 $0x8000, v0;
	s28 =	sadd.s32 $0x20, s0;
	[dreg:$0xb] =	wrdreg s26  }
0x10: {  	s20 =	simm.s32 $0x8000;
	v17 =	vor.u32 $0x8080, v0;
	v18 =	vor.u32 $0x8100, v0;
	v19 =	vor.u32 $0x8180, v0;
	s0 =	sadd.s32 $0x30, s0;
	[dreg:$0xc] =	wrdreg s28  }
0x11: {  	s22 =	simm.s32 $0xC000;
	v20 =	vor.u32 $0x8200, v0;
	v21 =	vor.u32 $0x8280, v0;
	v22 =	vor.u32 $0x8300, v0;
	s29 =	sadd.s32 $0x10, s2;
	[dreg:$0xd] =	wrdreg s0  }
0x12: {  	v23 =	vor.u32 $0x8380, v0;
	v24 =	vor.u32 $0xC000, v0;
	v25 =	vor.u32 $0xC080, v0;
	s24 =	simm.s32 $0x400;
	s30 =	sadd.s32 $0x20, s2;
	[dreg:$0xe] =	wrdreg s29  }
0x13: {  	v26 =	vor.u32 $0xC100, v0;
	v27 =	vor.u32 $0xC180, v0;
	v28 =	vor.u32 $0xC200, v0;
	s9 =	simm.s32 $0x2;
	s31 =	sadd.s32 $0x30, s2;
	[dreg:$0xf] =	wrdreg s30  }
0x14: {  	v29 =	vor.u32 $0xC280, v0;
	v30 =	vor.u32 $0xC300, v0;
	v31 =	vor.u32 $0xC380, v0;
	[dreg:$0x10] =	wrdreg s31;
	s0 =	simm.s32 $0x0;
	s26 =	simm.s32 $0xBC00  }
.LBB2_1:
0x15: {  	[dreg:$0x11] =	wrdreg s0  }
0x16: {  	s7 =	rddreg [dreg:$0x6]  }
0x17: {  	[tilespmem:s4], [sflag:$0x2] =	stream.linear.gather [hbm4b:s7+s4], $0x80, $0x38;
	[tilespmem:$0x18400] =	vst v63  }
0x18: {  	s6 =	rddreg [dreg:$0xb];
	s8 =	simm.s32 $0x100  }
0x19: {  	[tilespmem:s8], [sflag:$0x2] =	stream.linear.gather [hbm4b:s6+s4], $0x80, $0x38;
	[tilespmem:$0x18400] =	vst v63  }
0x1a: {  	s15 =	simm.s32 $0x200;
	s8 =	rddreg [dreg:$0xc]  }
0x1b: {  	[tilespmem:s15], [sflag:$0x2] =	stream.linear.gather [hbm4b:s8+s4], $0x80, $0x38;
	[tilespmem:$0x18400] =	vst v63  }
0x1c: {  	s16 =	rddreg [dreg:$0xd];
	s17 =	simm.s32 $0x300  }
0x1d: {  	[tilespmem:s17], [sflag:$0x2] =	stream.linear.gather [hbm4b:s16+s4], $0x80, $0x38;
	[tilespmem:$0x18400] =	vst v63  }
0x1e: {  	_ =	swait.ge [sflag:s9], $0x200  }
0x1f: {  	[sflag:s9] =	ssyncset.done $0x0  }
0x20: {  	s21 =	simm.s32 $0x80;
	s19 =	rddreg [dreg:$0x7];
	[sflag:s9] =	ssyncadd.s32 $0xFFFFFE00  }
0x21: {  	[tilespmem:s21], [sflag:$0x2] =	stream.linear.gather [hbm4b:s19+s4], $0x80, $0x38;
	[tilespmem:$0x18400] =	vst v63  }
0x22: {  	s25 =	simm.s32 $0x180;
	s23 =	rddreg [dreg:$0xe]  }
0x23: {  	[tilespmem:s25], [sflag:$0x2] =	stream.linear.gather [hbm4b:s23+s4], $0x80, $0x38;
	[tilespmem:$0x18400] =	vst v63  }
0x24: {  	s29 =	simm.s32 $0x280;
	s28 =	rddreg [dreg:$0xf]  }
0x25: {  	[tilespmem:s29], [sflag:$0x2] =	stream.linear.gather [hbm4b:s28+s4], $0x80, $0x38;
	[tilespmem:$0x18400] =	vst v63  }
0x26: {  	s31 =	simm.s32 $0x380;
	s30 =	rddreg [dreg:$0x10]  }
0x27: {  	[tilespmem:s31], [sflag:$0x2] =	stream.linear.gather [hbm4b:s30+s4], $0x80, $0x38;
	[tilespmem:$0x18400] =	vst v63  }
0x28: {  	_ =	swait.ge [sflag:s9], $0x200  }
0x29: {  	s2 =	simm.s32 $0xB800;
	s5 =	simm.s32 $0x10000;
	[sflag:s9] =	ssyncset.done $0x0  }
0x2a: {  	s19 =	simm.s32 $0x0;
	s21 =	simm.s32 $0x0;
	[sflag:s9] =	ssyncadd.s32 $0xFFFFFE00  }
.LBB2_2:
0x2b: {  	s23 =	sand.u32 $0xC00, s21  }
0x2c: {  	s7 =	sand.u32 $0x70, s19;
	s15 =	sshrl.u32 s23, $0x2  }
0x2d: {  	s15 =	sor.u32 s7, s15  }
0x2e: {  	v32 =	vld [tilespmem:s15+$0x0];
	_ =	sdelay $0x4  }
0x2f: {  	v33 =	vnsel vm0, $0x0, v32  }
0x30: {  	(xrf0) =	vadd.scan.msk.s32 $0xffff, v33;
	_ =	sdelay $0x5  }
0x31: {  	v33, _, _ =	vpop (xrf0)  }
0x32: {  	v47 =	vsel vm1, $0x0, v32;
	(v2sf) =	vpush v33, $0xF  }
0x33: {  	(xrf0) =	vadd.scan.msk.s32 $0xffff, v47;
	_ =	sdelay $0x5  }
0x34: {  	v33, _, _ =	vpop (xrf0)  }
0x35: {  	(v2sf) =	vpush v33, $0xF  }
0x36: {  	v48 =	vsel vm2, $0x0, v32  }
0x37: {  	(xrf0) =	vadd.scan.msk.s32 $0xffff, v48;
	_ =	sdelay $0x4  }
0x38: {  	s17 =	spop (v2sf)  }
0x39: {  	v33, _, _ =	vpop (xrf0);
	s15 =	sand.u32 $0xFFFFF80, s17  }
0x3a: {  	(v2sf) =	vpush v33, $0xF;
	s8 =	sadd.s32 s1, s15;
	s15 =	simm.s32 $0x0  }
0x3b: {  	v49 =	vsel vm3, $0x0, v32;
	[tilespmem:s24], [sflag:$0x1] =	stream.linear.gather [hbm4b:s8+s15], $0x400, $0x38;
	[tilespmem:$0x18400] =	vst v63  }
0x3c: {  	s6 =	simm.s32 $0x4400;
	(xrf0) =	vadd.scan.msk.s32 $0xffff, v49;
	s9 =	sadd.s32 $0xF4280, s8  }
0x3d: {  	[tilespmem:s6], [sflag:$0x1] =	stream.linear.gather [hbm4b:s9+s15], $0x400, $0x38;
	[tilespmem:$0x18400] =	vst v63  }
0x3e: {  	s25 =	sadd.s32 $0x1E8500, s8;
	s6 =	simm.s32 $0x8400  }
0x3f: {  	[tilespmem:s6], [sflag:$0x1] =	stream.linear.gather [hbm4b:s25+s15], $0x400, $0x38;
	[tilespmem:$0x18400] =	vst v63  }
0x40: {  	s0 =	simm.s32 $0xC400;
	s8 =	sadd.s32 $0x2DC780, s8;
	s9 =	spop (v2sf)  }
0x41: {  	[tilespmem:s0], [sflag:$0x1] =	stream.linear.gather [hbm4b:s8+s15], $0x400, $0x38;
	[tilespmem:$0x18400] =	vst v63  }
0x42: {  	v33, _, _ =	vpop (xrf0);
	s8 =	sand.u32 $0xFFFFF80, s9  }
0x43: {  	s16 =	simm.s32 $0x800;
	(v2sf) =	vpush v33, $0xF;
	s8 =	sadd.s32 s1, s8  }
0x44: {  	v50 =	vsel vm4, $0x0, v32;
	[tilespmem:s16], [sflag:$0x1] =	stream.linear.gather [hbm4b:s8+s15], $0x400, $0x38;
	[tilespmem:$0x18400] =	vst v63  }
0x45: {  	(xrf0) =	vadd.scan.msk.s32 $0xffff, v50;
	s17 =	sadd.s32 $0xF4280, s8;
	s16 =	simm.s32 $0x4800  }
0x46: {  	[tilespmem:s16], [sflag:$0x1] =	stream.linear.gather [hbm4b:s17+s15], $0x400, $0x38;
	[tilespmem:$0x18400] =	vst v63  }
0x47: {  	s25 =	sadd.s32 $0x1E8500, s8;
	s16 =	simm.s32 $0x8800  }
0x48: {  	[tilespmem:s16], [sflag:$0x1] =	stream.linear.gather [hbm4b:s25+s15], $0x400, $0x38;
	[tilespmem:$0x18400] =	vst v63  }
0x49: {  	s0 =	simm.s32 $0xC800;
	s8 =	sadd.s32 $0x2DC780, s8;
	s17 =	spop (v2sf)  }
0x4a: {  	[tilespmem:s0], [sflag:$0x1] =	stream.linear.gather [hbm4b:s8+s15], $0x400, $0x38;
	[tilespmem:$0x18400] =	vst v63  }
0x4b: {  	v33, _, _ =	vpop (xrf0);
	s8 =	sand.u32 $0xFFFFF80, s17  }
0x4c: {  	s25 =	simm.s32 $0xC00;
	(v2sf) =	vpush v33, $0xF;
	s8 =	sadd.s32 s1, s8  }
0x4d: {  	v51 =	vsel vm5, $0x0, v32;
	[tilespmem:s25], [sflag:$0x1] =	stream.linear.gather [hbm4b:s8+s15], $0x400, $0x38;
	[tilespmem:$0x18400] =	vst v63  }
0x4e: {  	(xrf0) =	vadd.scan.msk.s32 $0xffff, v51;
	s17 =	simm.s32 $0x4C00;
	s0 =	sadd.s32 $0xF4280, s8  }
0x4f: {  	[tilespmem:s17], [sflag:$0x1] =	stream.linear.gather [hbm4b:s0+s15], $0x400, $0x38;
	[tilespmem:$0x18400] =	vst v63  }
0x50: {  	s25 =	sadd.s32 $0x1E8500, s8;
	s17 =	simm.s32 $0x8C00  }
0x51: {  	[tilespmem:s17], [sflag:$0x1] =	stream.linear.gather [hbm4b:s25+s15], $0x400, $0x38;
	[tilespmem:$0x18400] =	vst v63  }
0x52: {  	s8 =	sadd.s32 $0x2DC780, s8;
	s0 =	simm.s32 $0xCC00;
	s9 =	spop (v2sf)  }
0x53: {  	[tilespmem:s0], [sflag:$0x1] =	stream.linear.gather [hbm4b:s8+s15], $0x400, $0x38;
	[tilespmem:$0x18400] =	vst v63  }
0x54: {  	v33, _, _ =	vpop (xrf0);
	s8 =	sand.u32 $0xFFFFF80, s9  }
0x55: {  	(v2sf) =	vpush v33, $0xF;
	s25 =	simm.s32 $0x1000;
	s8 =	sadd.s32 s1, s8  }
0x56: {  	v52 =	vsel vm6, $0x0, v32;
	[tilespmem:s25], [sflag:$0x1] =	stream.linear.gather [hbm4b:s8+s15], $0x400, $0x38;
	[tilespmem:$0x18400] =	vst v63  }
0x57: {  	(xrf0) =	vadd.scan.msk.s32 $0xffff, v52;
	s0 =	sadd.s32 $0xF4280, s8;
	s25 =	simm.s32 $0x5000  }
0x58: {  	[tilespmem:s25], [sflag:$0x1] =	stream.linear.gather [hbm4b:s0+s15], $0x400, $0x38;
	[tilespmem:$0x18400] =	vst v63  }
0x59: {  	s25 =	simm.s32 $0x9000;
	s0 =	sadd.s32 $0x1E8500, s8  }
0x5a: {  	[tilespmem:s25], [sflag:$0x1] =	stream.linear.gather [hbm4b:s0+s15], $0x400, $0x38;
	[tilespmem:$0x18400] =	vst v63  }
0x5b: {  	s8 =	sadd.s32 $0x2DC780, s8;
	s9 =	spop (v2sf);
	s0 =	simm.s32 $0xD000  }
0x5c: {  	[tilespmem:s0], [sflag:$0x1] =	stream.linear.gather [hbm4b:s8+s15], $0x400, $0x38;
	[tilespmem:$0x18400] =	vst v63  }
0x5d: {  	v33, _, _ =	vpop (xrf0);
	s8 =	sand.u32 $0xFFFFF80, s9  }
0x5e: {  	(v2sf) =	vpush v33, $0xF;
	s0 =	simm.s32 $0x1400;
	s8 =	sadd.s32 s1, s8  }
0x5f: {  	v53 =	vsel vm7, $0x0, v32;
	[tilespmem:s0], [sflag:$0x1] =	stream.linear.gather [hbm4b:s8+s15], $0x400, $0x38;
	[tilespmem:$0x18400] =	vst v63  }
0x60: {  	s28 =	simm.s32 $0x5400;
	(xrf0) =	vadd.scan.msk.s32 $0xffff, v53;
	s0 =	sadd.s32 $0xF4280, s8  }
0x61: {  	[tilespmem:s28], [sflag:$0x1] =	stream.linear.gather [hbm4b:s0+s15], $0x400, $0x38;
	[tilespmem:$0x18400] =	vst v63  }
0x62: {  	s28 =	simm.s32 $0x9400;
	s0 =	sadd.s32 $0x1E8500, s8  }
0x63: {  	[tilespmem:s28], [sflag:$0x1] =	stream.linear.gather [hbm4b:s0+s15], $0x400, $0x38;
	[tilespmem:$0x18400] =	vst v63  }
0x64: {  	s9 =	spop (v2sf);
	s8 =	sadd.s32 $0x2DC780, s8;
	s0 =	simm.s32 $0xD400  }
0x65: {  	[tilespmem:s0], [sflag:$0x1] =	stream.linear.gather [hbm4b:s8+s15], $0x400, $0x38;
	[tilespmem:$0x18400] =	vst v63  }
0x66: {  	v33, _, _ =	vpop (xrf0);
	s8 =	sand.u32 $0xFFFFF80, s9  }
0x67: {  	(v2sf) =	vpush v33, $0xF;
	s0 =	simm.s32 $0x1800;
	s8 =	sadd.s32 s1, s8  }
0x68: {  	v54 =	vsel vm8, $0x0, v32;
	[tilespmem:s0], [sflag:$0x1] =	stream.linear.gather [hbm4b:s8+s15], $0x400, $0x38;
	[tilespmem:$0x18400] =	vst v63  }
0x69: {  	s29 =	simm.s32 $0x5800;
	(xrf0) =	vadd.scan.msk.s32 $0xffff, v54;
	s0 =	sadd.s32 $0xF4280, s8  }
0x6a: {  	[tilespmem:s29], [sflag:$0x1] =	stream.linear.gather [hbm4b:s0+s15], $0x400, $0x38;
	[tilespmem:$0x18400] =	vst v63  }
0x6b: {  	s29 =	simm.s32 $0x9800;
	s0 =	sadd.s32 $0x1E8500, s8  }
0x6c: {  	[tilespmem:s29], [sflag:$0x1] =	stream.linear.gather [hbm4b:s0+s15], $0x400, $0x38;
	[tilespmem:$0x18400] =	vst v63  }
0x6d: {  	s8 =	sadd.s32 $0x2DC780, s8;
	s9 =	spop (v2sf);
	s0 =	simm.s32 $0xD800  }
0x6e: {  	[tilespmem:s0], [sflag:$0x1] =	stream.linear.gather [hbm4b:s8+s15], $0x400, $0x38;
	[tilespmem:$0x18400] =	vst v63  }
0x6f: {  	v33, _, _ =	vpop (xrf0);
	s8 =	sand.u32 $0xFFFFF80, s9  }
0x70: {  	(v2sf) =	vpush v33, $0xF;
	s0 =	simm.s32 $0x1C00;
	s8 =	sadd.s32 s1, s8  }
0x71: {  	v55 =	vsel vm9, $0x0, v32;
	[tilespmem:s0], [sflag:$0x1] =	stream.linear.gather [hbm4b:s8+s15], $0x400, $0x38;
	[tilespmem:$0x18400] =	vst v63  }
0x72: {  	s30 =	simm.s32 $0x5C00;
	(xrf0) =	vadd.scan.msk.s32 $0xffff, v55;
	s0 =	sadd.s32 $0xF4280, s8  }
0x73: {  	[tilespmem:s30], [sflag:$0x1] =	stream.linear.gather [hbm4b:s0+s15], $0x400, $0x38;
	[tilespmem:$0x18400] =	vst v63  }
0x74: {  	s30 =	simm.s32 $0x9C00;
	s0 =	sadd.s32 $0x1E8500, s8  }
0x75: {  	[tilespmem:s30], [sflag:$0x1] =	stream.linear.gather [hbm4b:s0+s15], $0x400, $0x38;
	[tilespmem:$0x18400] =	vst v63  }
0x76: {  	s9 =	spop (v2sf);
	s8 =	sadd.s32 $0x2DC780, s8;
	s0 =	simm.s32 $0xDC00  }
0x77: {  	[tilespmem:s0], [sflag:$0x1] =	stream.linear.gather [hbm4b:s8+s15], $0x400, $0x38;
	[tilespmem:$0x18400] =	vst v63  }
0x78: {  	v33, _, _ =	vpop (xrf0);
	s8 =	sand.u32 $0xFFFFF80, s9  }
0x79: {  	(v2sf) =	vpush v33, $0xF;
	s0 =	simm.s32 $0x2000;
	s8 =	sadd.s32 s1, s8  }
0x7a: {  	v56 =	vsel vm10, $0x0, v32;
	[tilespmem:s0], [sflag:$0x1] =	stream.linear.gather [hbm4b:s8+s15], $0x400, $0x38;
	[tilespmem:$0x18400] =	vst v63  }
0x7b: {  	s31 =	simm.s32 $0x6000;
	(xrf0) =	vadd.scan.msk.s32 $0xffff, v56;
	s0 =	sadd.s32 $0xF4280, s8  }
0x7c: {  	[tilespmem:s31], [sflag:$0x1] =	stream.linear.gather [hbm4b:s0+s15], $0x400, $0x38;
	[tilespmem:$0x18400] =	vst v63  }
0x7d: {  	s31 =	simm.s32 $0xA000;
	s0 =	sadd.s32 $0x1E8500, s8  }
0x7e: {  	[tilespmem:s31], [sflag:$0x1] =	stream.linear.gather [hbm4b:s0+s15], $0x400, $0x38;
	[tilespmem:$0x18400] =	vst v63  }
0x7f: {  	s9 =	spop (v2sf);
	s8 =	sadd.s32 $0x2DC780, s8;
	s0 =	simm.s32 $0xE000  }
0x80: {  	[tilespmem:s0], [sflag:$0x1] =	stream.linear.gather [hbm4b:s8+s15], $0x400, $0x38;
	[tilespmem:$0x18400] =	vst v63  }
0x81: {  	v33, _, _ =	vpop (xrf0);
	s8 =	sand.u32 $0xFFFFF80, s9  }
0x82: {  	(v2sf) =	vpush v33, $0xF;
	s0 =	simm.s32 $0x2400;
	s8 =	sadd.s32 s1, s8  }
0x83: {  	v57 =	vsel vm11, $0x0, v32;
	[tilespmem:s0], [sflag:$0x1] =	stream.linear.gather [hbm4b:s8+s15], $0x400, $0x38;
	[tilespmem:$0x18400] =	vst v63  }
0x84: {  	(xrf0) =	vadd.scan.msk.s32 $0xffff, v57;
	s9 =	sadd.s32 $0xF4280, s8;
	s0 =	simm.s32 $0x6400  }
0x85: {  	[tilespmem:s0], [sflag:$0x1] =	stream.linear.gather [hbm4b:s9+s15], $0x400, $0x38;
	[tilespmem:$0x18400] =	vst v63  }
0x86: {  	s9 =	sadd.s32 $0x1E8500, s8;
	s0 =	simm.s32 $0xA400  }
0x87: {  	[tilespmem:s0], [sflag:$0x1] =	stream.linear.gather [hbm4b:s9+s15], $0x400, $0x38;
	[tilespmem:$0x18400] =	vst v63  }
0x88: {  	s8 =	sadd.s32 $0x2DC780, s8;
	s9 =	simm.s32 $0xE400;
	s0 =	spop (v2sf)  }
0x89: {  	[tilespmem:s9], [sflag:$0x1] =	stream.linear.gather [hbm4b:s8+s15], $0x400, $0x38;
	[tilespmem:$0x18400] =	vst v63  }
0x8a: {  	v33, _, _ =	vpop (xrf0);
	s8 =	sand.u32 $0xFFFFF80, s0  }
0x8b: {  	(v2sf) =	vpush v33, $0xF;
	s9 =	simm.s32 $0x2800;
	s8 =	sadd.s32 s1, s8  }
0x8c: {  	v58 =	vsel vm12, $0x0, v32;
	[tilespmem:s9], [sflag:$0x1] =	stream.linear.gather [hbm4b:s8+s15], $0x400, $0x38;
	[tilespmem:$0x18400] =	vst v63  }
0x8d: {  	(xrf0) =	vadd.scan.msk.s32 $0xffff, v58;
	s0 =	simm.s32 $0x6800;
	s9 =	sadd.s32 $0xF4280, s8  }
0x8e: {  	[tilespmem:s0], [sflag:$0x1] =	stream.linear.gather [hbm4b:s9+s15], $0x400, $0x38;
	[tilespmem:$0x18400] =	vst v63  }
0x8f: {  	s9 =	sadd.s32 $0x1E8500, s8;
	s0 =	simm.s32 $0xA800  }
0x90: {  	[tilespmem:s0], [sflag:$0x1] =	stream.linear.gather [hbm4b:s9+s15], $0x400, $0x38;
	[tilespmem:$0x18400] =	vst v63  }
0x91: {  	s8 =	sadd.s32 $0x2DC780, s8;
	s9 =	simm.s32 $0xE800;
	s0 =	spop (v2sf)  }
0x92: {  	[tilespmem:s9], [sflag:$0x1] =	stream.linear.gather [hbm4b:s8+s15], $0x400, $0x38;
	[tilespmem:$0x18400] =	vst v63  }
0x93: {  	v33, _, _ =	vpop (xrf0);
	s8 =	sand.u32 $0xFFFFF80, s0  }
0x94: {  	(v2sf) =	vpush v33, $0xF;
	s9 =	simm.s32 $0x2C00;
	s8 =	sadd.s32 s1, s8  }
0x95: {  	v59 =	vsel vm13, $0x0, v32;
	[tilespmem:s9], [sflag:$0x1] =	stream.linear.gather [hbm4b:s8+s15], $0x400, $0x38;
	[tilespmem:$0x18400] =	vst v63  }
0x96: {  	(xrf0) =	vadd.scan.msk.s32 $0xffff, v59;
	s0 =	simm.s32 $0x6C00;
	s9 =	sadd.s32 $0xF4280, s8  }
0x97: {  	[tilespmem:s0], [sflag:$0x1] =	stream.linear.gather [hbm4b:s9+s15], $0x400, $0x38;
	[tilespmem:$0x18400] =	vst v63  }
0x98: {  	s9 =	sadd.s32 $0x1E8500, s8;
	s0 =	simm.s32 $0xAC00  }
0x99: {  	[tilespmem:s0], [sflag:$0x1] =	stream.linear.gather [hbm4b:s9+s15], $0x400, $0x38;
	[tilespmem:$0x18400] =	vst v63  }
0x9a: {  	s8 =	sadd.s32 $0x2DC780, s8;
	s9 =	simm.s32 $0xEC00;
	s0 =	spop (v2sf)  }
0x9b: {  	[tilespmem:s9], [sflag:$0x1] =	stream.linear.gather [hbm4b:s8+s15], $0x400, $0x38;
	[tilespmem:$0x18400] =	vst v63  }
0x9c: {  	v33, _, _ =	vpop (xrf0);
	s8 =	sand.u32 $0xFFFFF80, s0  }
0x9d: {  	(v2sf) =	vpush v33, $0xF;
	s9 =	simm.s32 $0x3000;
	s8 =	sadd.s32 s1, s8  }
0x9e: {  	v60 =	vsel vm14, $0x0, v32;
	[tilespmem:s9], [sflag:$0x1] =	stream.linear.gather [hbm4b:s8+s15], $0x400, $0x38;
	[tilespmem:$0x18400] =	vst v63  }
0x9f: {  	(xrf0) =	vadd.scan.msk.s32 $0xffff, v60;
	s0 =	simm.s32 $0x7000;
	s9 =	sadd.s32 $0xF4280, s8  }
0xa0: {  	[tilespmem:s0], [sflag:$0x1] =	stream.linear.gather [hbm4b:s9+s15], $0x400, $0x38;
	[tilespmem:$0x18400] =	vst v63  }
0xa1: {  	s9 =	sadd.s32 $0x1E8500, s8;
	s0 =	simm.s32 $0xB000  }
0xa2: {  	[tilespmem:s0], [sflag:$0x1] =	stream.linear.gather [hbm4b:s9+s15], $0x400, $0x38;
	[tilespmem:$0x18400] =	vst v63  }
0xa3: {  	s8 =	sadd.s32 $0x2DC780, s8;
	s9 =	simm.s32 $0xF000;
	s0 =	spop (v2sf)  }
0xa4: {  	[tilespmem:s9], [sflag:$0x1] =	stream.linear.gather [hbm4b:s8+s15], $0x400, $0x38;
	[tilespmem:$0x18400] =	vst v63  }
0xa5: {  	v33, _, _ =	vpop (xrf0);
	s8 =	sand.u32 $0xFFFFF80, s0  }
0xa6: {  	(v2sf) =	vpush v33, $0xF;
	s9 =	simm.s32 $0x3400;
	s8 =	sadd.s32 s1, s8  }
0xa7: {  	v61 =	vsel vm15, $0x0, v32;
	[tilespmem:s9], [sflag:$0x1] =	stream.linear.gather [hbm4b:s8+s15], $0x400, $0x38;
	[tilespmem:$0x18400] =	vst v63  }
0xa8: {  	(xrf0) =	vadd.scan.msk.s32 $0xffff, v61;
	s0 =	simm.s32 $0x7400;
	s9 =	sadd.s32 $0xF4280, s8  }
0xa9: {  	[tilespmem:s0], [sflag:$0x1] =	stream.linear.gather [hbm4b:s9+s15], $0x400, $0x38;
	[tilespmem:$0x18400] =	vst v63  }
0xaa: {  	s9 =	sadd.s32 $0x1E8500, s8;
	s0 =	simm.s32 $0xB400  }
0xab: {  	[tilespmem:s0], [sflag:$0x1] =	stream.linear.gather [hbm4b:s9+s15], $0x400, $0x38;
	[tilespmem:$0x18400] =	vst v63  }
0xac: {  	s8 =	sadd.s32 $0x2DC780, s8;
	s9 =	simm.s32 $0xF400;
	s0 =	spop (v2sf)  }
0xad: {  	[tilespmem:s9], [sflag:$0x1] =	stream.linear.gather [hbm4b:s8+s15], $0x400, $0x38;
	[tilespmem:$0x18400] =	vst v63  }
0xae: {  	v33, _, _ =	vpop (xrf0);
	s8 =	sand.u32 $0xFFFFF80, s0  }
0xaf: {  	(v2sf) =	vpush v33, $0xF;
	s9 =	simm.s32 $0x3800;
	s8 =	sadd.s32 s1, s8  }
0xb0: {  	[tilespmem:s9], [sflag:$0x1] =	stream.linear.gather [hbm4b:s8+s15], $0x400, $0x38;
	[tilespmem:$0x18400] =	vst v63  }
0xb1: {  	s0 =	simm.s32 $0x7800;
	s9 =	sadd.s32 $0xF4280, s8  }
0xb2: {  	[tilespmem:s0], [sflag:$0x1] =	stream.linear.gather [hbm4b:s9+s15], $0x400, $0x38;
	[tilespmem:$0x18400] =	vst v63  }
0xb3: {  	s0 =	sadd.s32 $0x1E8500, s8  }
0xb4: {  	[tilespmem:s2], [sflag:$0x1] =	stream.linear.gather [hbm4b:s0+s15], $0x400, $0x38;
	[tilespmem:$0x18400] =	vst v63  }
0xb5: {  	s0 =	spop (v2sf)  }
0xb6: {  	s8 =	sadd.s32 $0x2DC780, s8;
	s9 =	sand.u32 $0xFFFFF80, s0  }
0xb7: {  	[tilespmem:s13], [sflag:$0x1] =	stream.linear.gather [hbm4b:s8+s15], $0x400, $0x38;
	[tilespmem:$0x18400] =	vst v63  }
0xb8: {  	s8 =	sadd.s32 s1, s9  }
0xb9: {  	[tilespmem:s10], [sflag:$0x1] =	stream.linear.gather [hbm4b:s8+s15], $0x400, $0x38;
	[tilespmem:$0x18400] =	vst v63  }
0xba: {  	s0 =	sadd.s32 $0xF4280, s8  }
0xbb: {  	[tilespmem:s11], [sflag:$0x1] =	stream.linear.gather [hbm4b:s0+s15], $0x400, $0x38;
	[tilespmem:$0x18400] =	vst v63  }
0xbc: {  	s0 =	sadd.s32 $0x1E8500, s8  }
0xbd: {  	[tilespmem:s26], [sflag:$0x1] =	stream.linear.gather [hbm4b:s0+s15], $0x400, $0x38;
	[tilespmem:$0x18400] =	vst v63  }
0xbe: {  	s8 =	sadd.s32 $0x2DC780, s8;
	s9 =	spop (v2sf)  }
0xbf: {  	[tilespmem:s12], [sflag:$0x1] =	stream.linear.gather [hbm4b:s8+s15], $0x400, $0x38;
	[tilespmem:$0x18400] =	vst v63  }
0xc0: {  	s8 =	sand.u32 $0xFFFFF80, s9  }
0xc1: {  	s8 =	sadd.s32 s1, s8  }
0xc2: {  	[tilespmem:s18], [sflag:$0x1] =	stream.linear.gather [hbm4b:s8+s15], $0x400, $0x38;
	[tilespmem:$0x18400] =	vst v63  }
0xc3: {  	s0 =	sadd.s32 $0xF4280, s8  }
0xc4: {  	[tilespmem:s20], [sflag:$0x1] =	stream.linear.gather [hbm4b:s0+s15], $0x400, $0x38;
	[tilespmem:$0x18400] =	vst v63  }
0xc5: {  	s0 =	sadd.s32 $0x1E8500, s8  }
0xc6: {  	v32 =	vand.u32 $0x7F, v32;
	[tilespmem:s22], [sflag:$0x1] =	stream.linear.gather [hbm4b:s0+s15], $0x400, $0x38;
	[tilespmem:$0x18400] =	vst v63  }
0xc7: {  	v62 =	vor.u32 v0, v32;
	s8 =	sadd.s32 $0x2DC780, s8  }
0xc8: {  	[tilespmem:s5], [sflag:$0x1] =	stream.linear.gather [hbm4b:s8+s15], $0x400, $0x38;
	[tilespmem:$0x18400] =	vst v63  }
0xc9: {  	_ =	swait.ge [sflag:s14], $0x10000  }
0xca: {  	[sflag:s14] =	ssyncset.done $0x0  }
0xcb: {  	[sflag:s14] =	ssyncadd.s32 $0xFFFF0000  }
0xcc: {  	v33 =	vld.idx.msk [tilespmem:v62+s24+$0x0], $0xffff  }
0xcd: {  	v34 =	vor.u32 v1, v32;
	_ =	sdelay $0x2  }
0xce: {  	s7 =	sor.u32 s7, s23  }
0xcf: {  	[tilespmem:s7+$0x10400] =	vst v33  }
0xd0: {  	v33 =	vld.idx.msk [tilespmem:v34+s24+$0x0], $0xffff  }
0xd1: {  	v63 =	vor.u32 v2, v32;
	_ =	sdelay $0x2  }
0xd2: {  	s23 =	sadd.s32 $0x10400, s7  }
0xd3: {  	[tilespmem:s23+$0x80] =	vst v33  }
0xd4: {  	v33 =	vld.idx.msk [tilespmem:v63+s24+$0x0], $0xffff  }
0xd5: {  	v36 =	vor.u32 v3, v32;
	_ =	sdelay $0x3  }
0xd6: {  	[tilespmem:s23+$0x100] =	vst v33  }
0xd7: {  	v33 =	vld.idx.msk [tilespmem:v36+s24+$0x0], $0xffff  }
0xd8: {  	v37 =	vor.u32 v4, v32;
	_ =	sdelay $0x3  }
0xd9: {  	[tilespmem:s23+$0x180] =	vst v33  }
0xda: {  	v33 =	vld.idx.msk [tilespmem:v37+s24+$0x0], $0xffff  }
0xdb: {  	v38 =	vor.u32 v5, v32;
	_ =	sdelay $0x3  }
0xdc: {  	[tilespmem:s23+$0x200] =	vst v33  }
0xdd: {  	v33 =	vld.idx.msk [tilespmem:v38+s24+$0x0], $0xffff  }
0xde: {  	v39 =	vor.u32 v6, v32;
	_ =	sdelay $0x3  }
0xdf: {  	[tilespmem:s23+$0x280] =	vst v33  }
0xe0: {  	v33 =	vld.idx.msk [tilespmem:v39+s24+$0x0], $0xffff  }
0xe1: {  	v40 =	vor.u32 v7, v32;
	_ =	sdelay $0x3  }
0xe2: {  	[tilespmem:s23+$0x300] =	vst v33  }
0xe3: {  	v33 =	vld.idx.msk [tilespmem:v40+s24+$0x0], $0xffff  }
0xe4: {  	v41 =	vor.u32 v8, v32;
	_ =	sdelay $0x3  }
0xe5: {  	[tilespmem:s23+$0x380] =	vst v33  }
0xe6: {  	v33 =	vld.idx.msk [tilespmem:v41+s24+$0x0], $0xffff  }
0xe7: {  	v42 =	vor.u32 v9, v32;
	_ =	sdelay $0x3  }
0xe8: {  	[tilespmem:s7+$0x11400] =	vst v33  }
0xe9: {  	v33 =	vld.idx.msk [tilespmem:v42+s24+$0x0], $0xffff  }
0xea: {  	v43 =	vor.u32 v10, v32;
	_ =	sdelay $0x3  }
0xeb: {  	[tilespmem:s7+$0x11480] =	vst v33  }
0xec: {  	v33 =	vld.idx.msk [tilespmem:v43+s24+$0x0], $0xffff  }
0xed: {  	v44 =	vor.u32 v11, v32;
	_ =	sdelay $0x3  }
0xee: {  	[tilespmem:s7+$0x11500] =	vst v33  }
0xef: {  	v33 =	vld.idx.msk [tilespmem:v44+s24+$0x0], $0xffff  }
0xf0: {  	v45 =	vor.u32 v12, v32;
	_ =	sdelay $0x3  }
0xf1: {  	[tilespmem:s7+$0x11580] =	vst v33  }
0xf2: {  	v33 =	vld.idx.msk [tilespmem:v45+s24+$0x0], $0xffff  }
0xf3: {  	v46 =	vor.u32 v13, v32;
	_ =	sdelay $0x3  }
0xf4: {  	[tilespmem:s7+$0x11600] =	vst v33  }
0xf5: {  	v33 =	vld.idx.msk [tilespmem:v46+s24+$0x0], $0xffff  }
0xf6: {  	v47 =	vor.u32 v14, v32;
	_ =	sdelay $0x3  }
0xf7: {  	[tilespmem:s7+$0x11680] =	vst v33  }
0xf8: {  	v33 =	vld.idx.msk [tilespmem:v47+s24+$0x0], $0xffff  }
0xf9: {  	v48 =	vor.u32 v15, v32;
	_ =	sdelay $0x3  }
0xfa: {  	[tilespmem:s7+$0x11700] =	vst v33  }
0xfb: {  	v33 =	vld.idx.msk [tilespmem:v48+s24+$0x0], $0xffff  }
0xfc: {  	v49 =	vor.u32 v16, v32;
	_ =	sdelay $0x3  }
0xfd: {  	[tilespmem:s7+$0x11780] =	vst v33  }
0xfe: {  	v33 =	vld.idx.msk [tilespmem:v49+s24+$0x0], $0xffff  }
0xff: {  	v50 =	vor.u32 v17, v32;
	_ =	sdelay $0x3  }
0x100: {  	[tilespmem:s7+$0x12400] =	vst v33  }
0x101: {  	v33 =	vld.idx.msk [tilespmem:v50+s24+$0x0], $0xffff  }
0x102: {  	v51 =	vor.u32 v18, v32;
	_ =	sdelay $0x3  }
0x103: {  	[tilespmem:s7+$0x12480] =	vst v33  }
0x104: {  	v33 =	vld.idx.msk [tilespmem:v51+s24+$0x0], $0xffff  }
0x105: {  	v52 =	vor.u32 v19, v32;
	_ =	sdelay $0x3  }
0x106: {  	[tilespmem:s7+$0x12500] =	vst v33  }
0x107: {  	v33 =	vld.idx.msk [tilespmem:v52+s24+$0x0], $0xffff  }
0x108: {  	v53 =	vor.u32 v20, v32;
	_ =	sdelay $0x3  }
0x109: {  	[tilespmem:s7+$0x12580] =	vst v33  }
0x10a: {  	v33 =	vld.idx.msk [tilespmem:v53+s24+$0x0], $0xffff  }
0x10b: {  	v54 =	vor.u32 v21, v32;
	_ =	sdelay $0x3  }
0x10c: {  	[tilespmem:s7+$0x12600] =	vst v33  }
0x10d: {  	v33 =	vld.idx.msk [tilespmem:v54+s24+$0x0], $0xffff  }
0x10e: {  	v55 =	vor.u32 v22, v32;
	_ =	sdelay $0x3  }
0x10f: {  	[tilespmem:s7+$0x12680] =	vst v33  }
0x110: {  	v33 =	vld.idx.msk [tilespmem:v55+s24+$0x0], $0xffff  }
0x111: {  	v56 =	vor.u32 v23, v32;
	_ =	sdelay $0x3  }
0x112: {  	[tilespmem:s7+$0x12700] =	vst v33  }
0x113: {  	v33 =	vld.idx.msk [tilespmem:v56+s24+$0x0], $0xffff  }
0x114: {  	v57 =	vor.u32 v24, v32;
	_ =	sdelay $0x3  }
0x115: {  	[tilespmem:s7+$0x12780] =	vst v33  }
0x116: {  	v33 =	vld.idx.msk [tilespmem:v57+s24+$0x0], $0xffff  }
0x117: {  	v58 =	vor.u32 v25, v32;
	_ =	sdelay $0x3  }
0x118: {  	[tilespmem:s7+$0x13400] =	vst v33  }
0x119: {  	v33 =	vld.idx.msk [tilespmem:v58+s24+$0x0], $0xffff  }
0x11a: {  	v59 =	vor.u32 v26, v32;
	_ =	sdelay $0x3  }
0x11b: {  	[tilespmem:s7+$0x13480] =	vst v33  }
0x11c: {  	v33 =	vld.idx.msk [tilespmem:v59+s24+$0x0], $0xffff  }
0x11d: {  	v60 =	vor.u32 v27, v32;
	_ =	sdelay $0x3  }
0x11e: {  	[tilespmem:s7+$0x13500] =	vst v33  }
0x11f: {  	v33 =	vld.idx.msk [tilespmem:v60+s24+$0x0], $0xffff  }
0x120: {  	v61 =	vor.u32 v28, v32;
	_ =	sdelay $0x3  }
0x121: {  	[tilespmem:s7+$0x13580] =	vst v33  }
0x122: {  	v33 =	vld.idx.msk [tilespmem:v61+s24+$0x0], $0xffff  }
0x123: {  	v62 =	vor.u32 v29, v32;
	_ =	sdelay $0x3  }
0x124: {  	[tilespmem:s7+$0x13600] =	vst v33  }
0x125: {  	v33 =	vld.idx.msk [tilespmem:v62+s24+$0x0], $0xffff  }
0x126: {  	v63 =	vor.u32 v30, v32;
	_ =	sdelay $0x3  }
0x127: {  	[tilespmem:s7+$0x13680] =	vst v33  }
0x128: {  	v33 =	vld.idx.msk [tilespmem:v63+s24+$0x0], $0xffff  }
0x129: {  	v32 =	vor.u32 v31, v32;
	_ =	sdelay $0x3  }
0x12a: {  	[tilespmem:s7+$0x13700] =	vst v33  }
0x12b: {  	p0 =	sne.s32 s21, $0xF80;
	v32 =	vld.idx.msk [tilespmem:v32+s24+$0x0], $0xffff  }
.Ltmp0:
0x12c: {  	_ = 	snop;
	(pc) =	sbr.rel @p0 .LBB2_2-.Ltmp0, $2  }
0x12d: {  	_ =	sdelay $0x2  }
0x12e: {  	s19 =	sadd.s32 $0x10, s19;
	s21 =	sadd.s32 $0x80, s21;
	s23 =	simm.s32 $0x0;
	[tilespmem:s7+$0x13780] =	vst v32  }
.LBB2_3:
0x12f: {  	s7 =	sand.u32 $0xC00, s23  }
0x130: {  	s19 =	sand.u32 $0x70, s15;
	s8 =	sshrl.u32 s7, $0x2  }
0x131: {  	s8 =	sor.u32 s19, s8  }
0x132: {  	v32 =	vld [tilespmem:s8+$0x80];
	_ =	sdelay $0x4  }
0x133: {  	v33 =	vnsel vm0, $0x0, v32  }
0x134: {  	(xrf0) =	vadd.scan.msk.s32 $0xffff, v33;
	_ =	sdelay $0x5  }
0x135: {  	v33, _, _ =	vpop (xrf0)  }
0x136: {  	v47 =	vsel vm1, $0x0, v32;
	(v2sf) =	vpush v33, $0xF  }
0x137: {  	(xrf0) =	vadd.scan.msk.s32 $0xffff, v47;
	_ =	sdelay $0x5  }
0x138: {  	v33, _, _ =	vpop (xrf0)  }
0x139: {  	(v2sf) =	vpush v33, $0xF  }
0x13a: {  	v48 =	vsel vm2, $0x0, v32  }
0x13b: {  	(xrf0) =	vadd.scan.msk.s32 $0xffff, v48;
	_ =	sdelay $0x4  }
0x13c: {  	s9 =	spop (v2sf)  }
0x13d: {  	v33, _, _ =	vpop (xrf0);
	s8 =	sand.u32 $0xFFFFF80, s9  }
0x13e: {  	(v2sf) =	vpush v33, $0xF;
	s8 =	sadd.s32 s3, s8  }
0x13f: {  	v49 =	vsel vm3, $0x0, v32;
	[tilespmem:s24], [sflag:$0x1] =	stream.linear.gather [hbm4b:s8+s4], $0x400, $0x38;
	[tilespmem:$0x18400] =	vst v63  }
0x140: {  	s21 =	simm.s32 $0x4400;
	(xrf0) =	vadd.scan.msk.s32 $0xffff, v49;
	s9 =	sadd.s32 $0xF4280, s8  }
0x141: {  	[tilespmem:s21], [sflag:$0x1] =	stream.linear.gather [hbm4b:s9+s4], $0x400, $0x38;
	[tilespmem:$0x18400] =	vst v63  }
0x142: {  	s21 =	sadd.s32 $0x1E8500, s8  }
0x143: {  	[tilespmem:s6], [sflag:$0x1] =	stream.linear.gather [hbm4b:s21+s4], $0x400, $0x38;
	[tilespmem:$0x18400] =	vst v63  }
0x144: {  	s0 =	simm.s32 $0xC400;
	s8 =	sadd.s32 $0x2DC780, s8;
	s21 =	spop (v2sf)  }
0x145: {  	[tilespmem:s0], [sflag:$0x1] =	stream.linear.gather [hbm4b:s8+s4], $0x400, $0x38;
	[tilespmem:$0x18400] =	vst v63  }
0x146: {  	v33, _, _ =	vpop (xrf0);
	s8 =	sand.u32 $0xFFFFF80, s21  }
0x147: {  	(v2sf) =	vpush v33, $0xF;
	s0 =	simm.s32 $0x800;
	s8 =	sadd.s32 s3, s8  }
0x148: {  	v50 =	vsel vm4, $0x0, v32;
	[tilespmem:s0], [sflag:$0x1] =	stream.linear.gather [hbm4b:s8+s4], $0x400, $0x38;
	[tilespmem:$0x18400] =	vst v63  }
0x149: {  	(xrf0) =	vadd.scan.msk.s32 $0xffff, v50;
	s21 =	sadd.s32 $0xF4280, s8;
	s0 =	simm.s32 $0x4800  }
0x14a: {  	[tilespmem:s0], [sflag:$0x1] =	stream.linear.gather [hbm4b:s21+s4], $0x400, $0x38;
	[tilespmem:$0x18400] =	vst v63  }
0x14b: {  	s21 =	sadd.s32 $0x1E8500, s8  }
0x14c: {  	[tilespmem:s16], [sflag:$0x1] =	stream.linear.gather [hbm4b:s21+s4], $0x400, $0x38;
	[tilespmem:$0x18400] =	vst v63  }
0x14d: {  	s8 =	sadd.s32 $0x2DC780, s8;
	s0 =	simm.s32 $0xC800;
	s21 =	spop (v2sf)  }
0x14e: {  	[tilespmem:s0], [sflag:$0x1] =	stream.linear.gather [hbm4b:s8+s4], $0x400, $0x38;
	[tilespmem:$0x18400] =	vst v63  }
0x14f: {  	v33, _, _ =	vpop (xrf0);
	s8 =	sand.u32 $0xFFFFF80, s21  }
0x150: {  	(v2sf) =	vpush v33, $0xF;
	s0 =	simm.s32 $0xC00;
	s8 =	sadd.s32 s3, s8  }
0x151: {  	v51 =	vsel vm5, $0x0, v32;
	[tilespmem:s0], [sflag:$0x1] =	stream.linear.gather [hbm4b:s8+s4], $0x400, $0x38;
	[tilespmem:$0x18400] =	vst v63  }
0x152: {  	(xrf0) =	vadd.scan.msk.s32 $0xffff, v51;
	s21 =	sadd.s32 $0xF4280, s8;
	s0 =	simm.s32 $0x4C00  }
0x153: {  	[tilespmem:s0], [sflag:$0x1] =	stream.linear.gather [hbm4b:s21+s4], $0x400, $0x38;
	[tilespmem:$0x18400] =	vst v63  }
0x154: {  	s21 =	sadd.s32 $0x1E8500, s8  }
0x155: {  	[tilespmem:s17], [sflag:$0x1] =	stream.linear.gather [hbm4b:s21+s4], $0x400, $0x38;
	[tilespmem:$0x18400] =	vst v63  }
0x156: {  	s8 =	sadd.s32 $0x2DC780, s8;
	s0 =	simm.s32 $0xCC00;
	s21 =	spop (v2sf)  }
0x157: {  	[tilespmem:s0], [sflag:$0x1] =	stream.linear.gather [hbm4b:s8+s4], $0x400, $0x38;
	[tilespmem:$0x18400] =	vst v63  }
0x158: {  	v33, _, _ =	vpop (xrf0);
	s8 =	sand.u32 $0xFFFFF80, s21  }
0x159: {  	(v2sf) =	vpush v33, $0xF;
	s0 =	simm.s32 $0x1000;
	s8 =	sadd.s32 s3, s8  }
0x15a: {  	v52 =	vsel vm6, $0x0, v32;
	[tilespmem:s0], [sflag:$0x1] =	stream.linear.gather [hbm4b:s8+s4], $0x400, $0x38;
	[tilespmem:$0x18400] =	vst v63  }
0x15b: {  	(xrf0) =	vadd.scan.msk.s32 $0xffff, v52;
	s21 =	sadd.s32 $0xF4280, s8;
	s0 =	simm.s32 $0x5000  }
0x15c: {  	[tilespmem:s0], [sflag:$0x1] =	stream.linear.gather [hbm4b:s21+s4], $0x400, $0x38;
	[tilespmem:$0x18400] =	vst v63  }
0x15d: {  	s21 =	sadd.s32 $0x1E8500, s8  }
0x15e: {  	[tilespmem:s25], [sflag:$0x1] =	stream.linear.gather [hbm4b:s21+s4], $0x400, $0x38;
	[tilespmem:$0x18400] =	vst v63  }
0x15f: {  	s8 =	sadd.s32 $0x2DC780, s8;
	s0 =	simm.s32 $0xD000;
	s21 =	spop (v2sf)  }
0x160: {  	[tilespmem:s0], [sflag:$0x1] =	stream.linear.gather [hbm4b:s8+s4], $0x400, $0x38;
	[tilespmem:$0x18400] =	vst v63  }
0x161: {  	v33, _, _ =	vpop (xrf0);
	s8 =	sand.u32 $0xFFFFF80, s21  }
0x162: {  	(v2sf) =	vpush v33, $0xF;
	s0 =	simm.s32 $0x1400;
	s8 =	sadd.s32 s3, s8  }
0x163: {  	v53 =	vsel vm7, $0x0, v32;
	[tilespmem:s0], [sflag:$0x1] =	stream.linear.gather [hbm4b:s8+s4], $0x400, $0x38;
	[tilespmem:$0x18400] =	vst v63  }
0x164: {  	(xrf0) =	vadd.scan.msk.s32 $0xffff, v53;
	s21 =	sadd.s32 $0xF4280, s8;
	s0 =	simm.s32 $0x5400  }
0x165: {  	[tilespmem:s0], [sflag:$0x1] =	stream.linear.gather [hbm4b:s21+s4], $0x400, $0x38;
	[tilespmem:$0x18400] =	vst v63  }
0x166: {  	s21 =	sadd.s32 $0x1E8500, s8  }
0x167: {  	[tilespmem:s28], [sflag:$0x1] =	stream.linear.gather [hbm4b:s21+s4], $0x400, $0x38;
	[tilespmem:$0x18400] =	vst v63  }
0x168: {  	s8 =	sadd.s32 $0x2DC780, s8;
	s0 =	simm.s32 $0xD400;
	s21 =	spop (v2sf)  }
0x169: {  	[tilespmem:s0], [sflag:$0x1] =	stream.linear.gather [hbm4b:s8+s4], $0x400, $0x38;
	[tilespmem:$0x18400] =	vst v63  }
0x16a: {  	v33, _, _ =	vpop (xrf0);
	s8 =	sand.u32 $0xFFFFF80, s21  }
0x16b: {  	(v2sf) =	vpush v33, $0xF;
	s0 =	simm.s32 $0x1800;
	s8 =	sadd.s32 s3, s8  }
0x16c: {  	v54 =	vsel vm8, $0x0, v32;
	[tilespmem:s0], [sflag:$0x1] =	stream.linear.gather [hbm4b:s8+s4], $0x400, $0x38;
	[tilespmem:$0x18400] =	vst v63  }
0x16d: {  	(xrf0) =	vadd.scan.msk.s32 $0xffff, v54;
	s21 =	sadd.s32 $0xF4280, s8;
	s0 =	simm.s32 $0x5800  }
0x16e: {  	[tilespmem:s0], [sflag:$0x1] =	stream.linear.gather [hbm4b:s21+s4], $0x400, $0x38;
	[tilespmem:$0x18400] =	vst v63  }
0x16f: {  	s21 =	sadd.s32 $0x1E8500, s8  }
0x170: {  	[tilespmem:s29], [sflag:$0x1] =	stream.linear.gather [hbm4b:s21+s4], $0x400, $0x38;
	[tilespmem:$0x18400] =	vst v63  }
0x171: {  	s8 =	sadd.s32 $0x2DC780, s8;
	s0 =	simm.s32 $0xD800;
	s21 =	spop (v2sf)  }
0x172: {  	[tilespmem:s0], [sflag:$0x1] =	stream.linear.gather [hbm4b:s8+s4], $0x400, $0x38;
	[tilespmem:$0x18400] =	vst v63  }
0x173: {  	v33, _, _ =	vpop (xrf0);
	s8 =	sand.u32 $0xFFFFF80, s21  }
0x174: {  	(v2sf) =	vpush v33, $0xF;
	s0 =	simm.s32 $0x1C00;
	s8 =	sadd.s32 s3, s8  }
0x175: {  	v55 =	vsel vm9, $0x0, v32;
	[tilespmem:s0], [sflag:$0x1] =	stream.linear.gather [hbm4b:s8+s4], $0x400, $0x38;
	[tilespmem:$0x18400] =	vst v63  }
0x176: {  	(xrf0) =	vadd.scan.msk.s32 $0xffff, v55;
	s21 =	sadd.s32 $0xF4280, s8;
	s0 =	simm.s32 $0x5C00  }
0x177: {  	[tilespmem:s0], [sflag:$0x1] =	stream.linear.gather [hbm4b:s21+s4], $0x400, $0x38;
	[tilespmem:$0x18400] =	vst v63  }
0x178: {  	s21 =	sadd.s32 $0x1E8500, s8  }
0x179: {  	[tilespmem:s30], [sflag:$0x1] =	stream.linear.gather [hbm4b:s21+s4], $0x400, $0x38;
	[tilespmem:$0x18400] =	vst v63  }
0x17a: {  	s8 =	sadd.s32 $0x2DC780, s8;
	s0 =	simm.s32 $0xDC00;
	s21 =	spop (v2sf)  }
0x17b: {  	[tilespmem:s0], [sflag:$0x1] =	stream.linear.gather [hbm4b:s8+s4], $0x400, $0x38;
	[tilespmem:$0x18400] =	vst v63  }
0x17c: {  	v33, _, _ =	vpop (xrf0);
	s8 =	sand.u32 $0xFFFFF80, s21  }
0x17d: {  	(v2sf) =	vpush v33, $0xF;
	s0 =	simm.s32 $0x2000;
	s8 =	sadd.s32 s3, s8  }
0x17e: {  	v56 =	vsel vm10, $0x0, v32;
	[tilespmem:s0], [sflag:$0x1] =	stream.linear.gather [hbm4b:s8+s4], $0x400, $0x38;
	[tilespmem:$0x18400] =	vst v63  }
0x17f: {  	(xrf0) =	vadd.scan.msk.s32 $0xffff, v56;
	s21 =	sadd.s32 $0xF4280, s8;
	s0 =	simm.s32 $0x6000  }
0x180: {  	[tilespmem:s0], [sflag:$0x1] =	stream.linear.gather [hbm4b:s21+s4], $0x400, $0x38;
	[tilespmem:$0x18400] =	vst v63  }
0x181: {  	s21 =	sadd.s32 $0x1E8500, s8  }
0x182: {  	[tilespmem:s31], [sflag:$0x1] =	stream.linear.gather [hbm4b:s21+s4], $0x400, $0x38;
	[tilespmem:$0x18400] =	vst v63  }
0x183: {  	s8 =	sadd.s32 $0x2DC780, s8;
	s0 =	simm.s32 $0xE000;
	s21 =	spop (v2sf)  }
0x184: {  	[tilespmem:s0], [sflag:$0x1] =	stream.linear.gather [hbm4b:s8+s4], $0x400, $0x38;
	[tilespmem:$0x18400] =	vst v63  }
0x185: {  	v33, _, _ =	vpop (xrf0);
	s8 =	sand.u32 $0xFFFFF80, s21  }
0x186: {  	(v2sf) =	vpush v33, $0xF;
	s0 =	simm.s32 $0x2400;
	s8 =	sadd.s32 s3, s8  }
0x187: {  	v57 =	vsel vm11, $0x0, v32;
	[tilespmem:s0], [sflag:$0x1] =	stream.linear.gather [hbm4b:s8+s4], $0x400, $0x38;
	[tilespmem:$0x18400] =	vst v63  }
0x188: {  	(xrf0) =	vadd.scan.msk.s32 $0xffff, v57;
	s21 =	sadd.s32 $0xF4280, s8;
	s0 =	simm.s32 $0x6400  }
0x189: {  	[tilespmem:s0], [sflag:$0x1] =	stream.linear.gather [hbm4b:s21+s4], $0x400, $0x38;
	[tilespmem:$0x18400] =	vst v63  }
0x18a: {  	s0 =	sadd.s32 $0x1E8500, s8;
	s21 =	simm.s32 $0xA400  }
0x18b: {  	[tilespmem:s21], [sflag:$0x1] =	stream.linear.gather [hbm4b:s0+s4], $0x400, $0x38;
	[tilespmem:$0x18400] =	vst v63  }
0x18c: {  	s8 =	sadd.s32 $0x2DC780, s8;
	s9 =	spop (v2sf);
	s21 =	simm.s32 $0xE400  }
0x18d: {  	[tilespmem:s21], [sflag:$0x1] =	stream.linear.gather [hbm4b:s8+s4], $0x400, $0x38;
	[tilespmem:$0x18400] =	vst v63  }
0x18e: {  	v33, _, _ =	vpop (xrf0);
	s8 =	sand.u32 $0xFFFFF80, s9  }
0x18f: {  	(v2sf) =	vpush v33, $0xF;
	s21 =	simm.s32 $0x2800;
	s8 =	sadd.s32 s3, s8  }
0x190: {  	v58 =	vsel vm12, $0x0, v32;
	[tilespmem:s21], [sflag:$0x1] =	stream.linear.gather [hbm4b:s8+s4], $0x400, $0x38;
	[tilespmem:$0x18400] =	vst v63  }
0x191: {  	(xrf0) =	vadd.scan.msk.s32 $0xffff, v58;
	s0 =	sadd.s32 $0xF4280, s8;
	s21 =	simm.s32 $0x6800  }
0x192: {  	[tilespmem:s21], [sflag:$0x1] =	stream.linear.gather [hbm4b:s0+s4], $0x400, $0x38;
	[tilespmem:$0x18400] =	vst v63  }
0x193: {  	s0 =	sadd.s32 $0x1E8500, s8;
	s21 =	simm.s32 $0xA800  }
0x194: {  	[tilespmem:s21], [sflag:$0x1] =	stream.linear.gather [hbm4b:s0+s4], $0x400, $0x38;
	[tilespmem:$0x18400] =	vst v63  }
0x195: {  	s8 =	sadd.s32 $0x2DC780, s8;
	s9 =	spop (v2sf);
	s21 =	simm.s32 $0xE800  }
0x196: {  	[tilespmem:s21], [sflag:$0x1] =	stream.linear.gather [hbm4b:s8+s4], $0x400, $0x38;
	[tilespmem:$0x18400] =	vst v63  }
0x197: {  	v33, _, _ =	vpop (xrf0);
	s8 =	sand.u32 $0xFFFFF80, s9  }
0x198: {  	(v2sf) =	vpush v33, $0xF;
	s21 =	simm.s32 $0x2C00;
	s8 =	sadd.s32 s3, s8  }
0x199: {  	v59 =	vsel vm13, $0x0, v32;
	[tilespmem:s21], [sflag:$0x1] =	stream.linear.gather [hbm4b:s8+s4], $0x400, $0x38;
	[tilespmem:$0x18400] =	vst v63  }
0x19a: {  	(xrf0) =	vadd.scan.msk.s32 $0xffff, v59;
	s0 =	sadd.s32 $0xF4280, s8;
	s21 =	simm.s32 $0x6C00  }
0x19b: {  	[tilespmem:s21], [sflag:$0x1] =	stream.linear.gather [hbm4b:s0+s4], $0x400, $0x38;
	[tilespmem:$0x18400] =	vst v63  }
0x19c: {  	s0 =	sadd.s32 $0x1E8500, s8;
	s21 =	simm.s32 $0xAC00  }
0x19d: {  	[tilespmem:s21], [sflag:$0x1] =	stream.linear.gather [hbm4b:s0+s4], $0x400, $0x38;
	[tilespmem:$0x18400] =	vst v63  }
0x19e: {  	s8 =	sadd.s32 $0x2DC780, s8;
	s9 =	spop (v2sf);
	s21 =	simm.s32 $0xEC00  }
0x19f: {  	[tilespmem:s21], [sflag:$0x1] =	stream.linear.gather [hbm4b:s8+s4], $0x400, $0x38;
	[tilespmem:$0x18400] =	vst v63  }
0x1a0: {  	v60 =	vsel vm14, $0x0, v32;
	v33, _, _ =	vpop (xrf0);
	s8 =	sand.u32 $0xFFFFF80, s9  }
0x1a1: {  	(xrf0) =	vadd.scan.msk.s32 $0xffff, v60;
	(v2sf) =	vpush v33, $0xF;
	s21 =	simm.s32 $0x3000;
	s8 =	sadd.s32 s3, s8  }
0x1a2: {  	[tilespmem:s21], [sflag:$0x1] =	stream.linear.gather [hbm4b:s8+s4], $0x400, $0x38;
	[tilespmem:$0x18400] =	vst v63  }
0x1a3: {  	s0 =	sadd.s32 $0xF4280, s8;
	s21 =	simm.s32 $0x7000  }
0x1a4: {  	[tilespmem:s21], [sflag:$0x1] =	stream.linear.gather [hbm4b:s0+s4], $0x400, $0x38;
	[tilespmem:$0x18400] =	vst v63  }
0x1a5: {  	s0 =	sadd.s32 $0x1E8500, s8;
	s21 =	simm.s32 $0xB000  }
0x1a6: {  	[tilespmem:s21], [sflag:$0x1] =	stream.linear.gather [hbm4b:s0+s4], $0x400, $0x38;
	[tilespmem:$0x18400] =	vst v63  }
0x1a7: {  	v33, _, _ =	vpop (xrf0);
	s8 =	sadd.s32 $0x2DC780, s8;
	s9 =	spop (v2sf);
	s21 =	simm.s32 $0xF000  }
0x1a8: {  	(v2sf) =	vpush v33, $0xF;
	[tilespmem:s21], [sflag:$0x1] =	stream.linear.gather [hbm4b:s8+s4], $0x400, $0x38;
	[tilespmem:$0x18400] =	vst v63  }
0x1a9: {  	v61 =	vsel vm15, $0x0, v32;
	s8 =	sand.u32 $0xFFFFF80, s9  }
0x1aa: {  	(xrf0) =	vadd.scan.msk.s32 $0xffff, v61;
	s21 =	simm.s32 $0x3400;
	s8 =	sadd.s32 s3, s8  }
0x1ab: {  	[tilespmem:s21], [sflag:$0x1] =	stream.linear.gather [hbm4b:s8+s4], $0x400, $0x38;
	[tilespmem:$0x18400] =	vst v63  }
0x1ac: {  	s0 =	sadd.s32 $0xF4280, s8;
	s21 =	simm.s32 $0x7400  }
0x1ad: {  	[tilespmem:s21], [sflag:$0x1] =	stream.linear.gather [hbm4b:s0+s4], $0x400, $0x38;
	[tilespmem:$0x18400] =	vst v63  }
0x1ae: {  	s0 =	sadd.s32 $0x1E8500, s8;
	s21 =	simm.s32 $0xB400  }
0x1af: {  	[tilespmem:s21], [sflag:$0x1] =	stream.linear.gather [hbm4b:s0+s4], $0x400, $0x38;
	[tilespmem:$0x18400] =	vst v63  }
0x1b0: {  	s9 =	spop (v2sf);
	s8 =	sadd.s32 $0x2DC780, s8;
	s21 =	simm.s32 $0xF400  }
0x1b1: {  	v33, _, _ =	vpop (xrf0);
	[tilespmem:s21], [sflag:$0x1] =	stream.linear.gather [hbm4b:s8+s4], $0x400, $0x38;
	[tilespmem:$0x18400] =	vst v63  }
0x1b2: {  	(v2sf) =	vpush v33, $0xF;
	s8 =	sand.u32 $0xFFFFF80, s9  }
0x1b3: {  	s21 =	simm.s32 $0x3800;
	s8 =	sadd.s32 s3, s8  }
0x1b4: {  	[tilespmem:s21], [sflag:$0x1] =	stream.linear.gather [hbm4b:s8+s4], $0x400, $0x38;
	[tilespmem:$0x18400] =	vst v63  }
0x1b5: {  	s0 =	sadd.s32 $0xF4280, s8;
	s21 =	simm.s32 $0x7800  }
0x1b6: {  	[tilespmem:s21], [sflag:$0x1] =	stream.linear.gather [hbm4b:s0+s4], $0x400, $0x38;
	[tilespmem:$0x18400] =	vst v63  }
0x1b7: {  	s21 =	sadd.s32 $0x1E8500, s8;
	s0 =	spop (v2sf)  }
0x1b8: {  	[tilespmem:s2], [sflag:$0x1] =	stream.linear.gather [hbm4b:s21+s4], $0x400, $0x38;
	[tilespmem:$0x18400] =	vst v63  }
0x1b9: {  	s8 =	sadd.s32 $0x2DC780, s8;
	s9 =	sand.u32 $0xFFFFF80, s0  }
0x1ba: {  	[tilespmem:s13], [sflag:$0x1] =	stream.linear.gather [hbm4b:s8+s4], $0x400, $0x38;
	[tilespmem:$0x18400] =	vst v63  }
0x1bb: {  	s8 =	sadd.s32 s3, s9  }
0x1bc: {  	[tilespmem:s10], [sflag:$0x1] =	stream.linear.gather [hbm4b:s8+s4], $0x400, $0x38;
	[tilespmem:$0x18400] =	vst v63  }
0x1bd: {  	s21 =	sadd.s32 $0xF4280, s8  }
0x1be: {  	[tilespmem:s11], [sflag:$0x1] =	stream.linear.gather [hbm4b:s21+s4], $0x400, $0x38;
	[tilespmem:$0x18400] =	vst v63  }
0x1bf: {  	s0 =	sadd.s32 $0x1E8500, s8  }
0x1c0: {  	[tilespmem:s26], [sflag:$0x1] =	stream.linear.gather [hbm4b:s0+s4], $0x400, $0x38;
	[tilespmem:$0x18400] =	vst v63  }
0x1c1: {  	s8 =	sadd.s32 $0x2DC780, s8;
	s9 =	spop (v2sf)  }
0x1c2: {  	[tilespmem:s12], [sflag:$0x1] =	stream.linear.gather [hbm4b:s8+s4], $0x400, $0x38;
	[tilespmem:$0x18400] =	vst v63  }
0x1c3: {  	s8 =	sand.u32 $0xFFFFF80, s9  }
0x1c4: {  	s8 =	sadd.s32 s3, s8  }
0x1c5: {  	[tilespmem:s18], [sflag:$0x1] =	stream.linear.gather [hbm4b:s8+s4], $0x400, $0x38;
	[tilespmem:$0x18400] =	vst v63  }
0x1c6: {  	s21 =	sadd.s32 $0xF4280, s8  }
0x1c7: {  	[tilespmem:s20], [sflag:$0x1] =	stream.linear.gather [hbm4b:s21+s4], $0x400, $0x38;
	[tilespmem:$0x18400] =	vst v63  }
0x1c8: {  	s0 =	sadd.s32 $0x1E8500, s8  }
0x1c9: {  	v32 =	vand.u32 $0x7F, v32;
	[tilespmem:s22], [sflag:$0x1] =	stream.linear.gather [hbm4b:s0+s4], $0x400, $0x38;
	[tilespmem:$0x18400] =	vst v63  }
0x1ca: {  	v62 =	vor.u32 v0, v32;
	s8 =	sadd.s32 $0x2DC780, s8  }
0x1cb: {  	[tilespmem:s5], [sflag:$0x1] =	stream.linear.gather [hbm4b:s8+s4], $0x400, $0x38;
	[tilespmem:$0x18400] =	vst v63  }
0x1cc: {  	_ =	swait.ge [sflag:s14], $0x10000  }
0x1cd: {  	[sflag:s14] =	ssyncset.done $0x0  }
0x1ce: {  	[sflag:s14] =	ssyncadd.s32 $0xFFFF0000  }
0x1cf: {  	v33 =	vld.idx.msk [tilespmem:v62+s24+$0x0], $0xffff  }
0x1d0: {  	v34 =	vor.u32 v1, v32;
	_ =	sdelay $0x2  }
0x1d1: {  	s7 =	sor.u32 s19, s7  }
0x1d2: {  	[tilespmem:s7+$0x14400] =	vst v33  }
0x1d3: {  	v33 =	vld.idx.msk [tilespmem:v34+s24+$0x0], $0xffff  }
0x1d4: {  	v63 =	vor.u32 v2, v32;
	_ =	sdelay $0x2  }
0x1d5: {  	s21 =	sadd.s32 $0x14400, s7  }
0x1d6: {  	[tilespmem:s21+$0x80] =	vst v33  }
0x1d7: {  	v33 =	vld.idx.msk [tilespmem:v63+s24+$0x0], $0xffff  }
0x1d8: {  	v36 =	vor.u32 v3, v32;
	_ =	sdelay $0x3  }
0x1d9: {  	[tilespmem:s21+$0x100] =	vst v33  }
0x1da: {  	v33 =	vld.idx.msk [tilespmem:v36+s24+$0x0], $0xffff  }
0x1db: {  	v37 =	vor.u32 v4, v32;
	_ =	sdelay $0x3  }
0x1dc: {  	[tilespmem:s21+$0x180] =	vst v33  }
0x1dd: {  	v33 =	vld.idx.msk [tilespmem:v37+s24+$0x0], $0xffff  }
0x1de: {  	v38 =	vor.u32 v5, v32;
	_ =	sdelay $0x3  }
0x1df: {  	[tilespmem:s21+$0x200] =	vst v33  }
0x1e0: {  	v33 =	vld.idx.msk [tilespmem:v38+s24+$0x0], $0xffff  }
0x1e1: {  	v39 =	vor.u32 v6, v32;
	_ =	sdelay $0x3  }
0x1e2: {  	[tilespmem:s21+$0x280] =	vst v33  }
0x1e3: {  	v33 =	vld.idx.msk [tilespmem:v39+s24+$0x0], $0xffff  }
0x1e4: {  	v40 =	vor.u32 v7, v32;
	_ =	sdelay $0x3  }
0x1e5: {  	[tilespmem:s21+$0x300] =	vst v33  }
0x1e6: {  	v33 =	vld.idx.msk [tilespmem:v40+s24+$0x0], $0xffff  }
0x1e7: {  	v41 =	vor.u32 v8, v32;
	_ =	sdelay $0x3  }
0x1e8: {  	[tilespmem:s21+$0x380] =	vst v33  }
0x1e9: {  	v33 =	vld.idx.msk [tilespmem:v41+s24+$0x0], $0xffff  }
0x1ea: {  	v42 =	vor.u32 v9, v32;
	_ =	sdelay $0x3  }
0x1eb: {  	[tilespmem:s7+$0x15400] =	vst v33  }
0x1ec: {  	v33 =	vld.idx.msk [tilespmem:v42+s24+$0x0], $0xffff  }
0x1ed: {  	v43 =	vor.u32 v10, v32;
	_ =	sdelay $0x3  }
0x1ee: {  	[tilespmem:s7+$0x15480] =	vst v33  }
0x1ef: {  	v33 =	vld.idx.msk [tilespmem:v43+s24+$0x0], $0xffff  }
0x1f0: {  	v44 =	vor.u32 v11, v32;
	_ =	sdelay $0x3  }
0x1f1: {  	[tilespmem:s7+$0x15500] =	vst v33  }
0x1f2: {  	v33 =	vld.idx.msk [tilespmem:v44+s24+$0x0], $0xffff  }
0x1f3: {  	v45 =	vor.u32 v12, v32;
	_ =	sdelay $0x3  }
0x1f4: {  	[tilespmem:s7+$0x15580] =	vst v33  }
0x1f5: {  	v33 =	vld.idx.msk [tilespmem:v45+s24+$0x0], $0xffff  }
0x1f6: {  	v46 =	vor.u32 v13, v32;
	_ =	sdelay $0x3  }
0x1f7: {  	[tilespmem:s7+$0x15600] =	vst v33  }
0x1f8: {  	v33 =	vld.idx.msk [tilespmem:v46+s24+$0x0], $0xffff  }
0x1f9: {  	v47 =	vor.u32 v14, v32;
	_ =	sdelay $0x3  }
0x1fa: {  	[tilespmem:s7+$0x15680] =	vst v33  }
0x1fb: {  	v33 =	vld.idx.msk [tilespmem:v47+s24+$0x0], $0xffff  }
0x1fc: {  	v48 =	vor.u32 v15, v32;
	_ =	sdelay $0x3  }
0x1fd: {  	[tilespmem:s7+$0x15700] =	vst v33  }
0x1fe: {  	v33 =	vld.idx.msk [tilespmem:v48+s24+$0x0], $0xffff  }
0x1ff: {  	v49 =	vor.u32 v16, v32;
	_ =	sdelay $0x3  }
0x200: {  	[tilespmem:s7+$0x15780] =	vst v33  }
0x201: {  	v33 =	vld.idx.msk [tilespmem:v49+s24+$0x0], $0xffff  }
0x202: {  	v50 =	vor.u32 v17, v32;
	_ =	sdelay $0x3  }
0x203: {  	[tilespmem:s7+$0x16400] =	vst v33  }
0x204: {  	v33 =	vld.idx.msk [tilespmem:v50+s24+$0x0], $0xffff  }
0x205: {  	v51 =	vor.u32 v18, v32;
	_ =	sdelay $0x3  }
0x206: {  	[tilespmem:s7+$0x16480] =	vst v33  }
0x207: {  	v33 =	vld.idx.msk [tilespmem:v51+s24+$0x0], $0xffff  }
0x208: {  	v52 =	vor.u32 v19, v32;
	_ =	sdelay $0x3  }
0x209: {  	[tilespmem:s7+$0x16500] =	vst v33  }
0x20a: {  	v33 =	vld.idx.msk [tilespmem:v52+s24+$0x0], $0xffff  }
0x20b: {  	v53 =	vor.u32 v20, v32;
	_ =	sdelay $0x3  }
0x20c: {  	[tilespmem:s7+$0x16580] =	vst v33  }
0x20d: {  	v33 =	vld.idx.msk [tilespmem:v53+s24+$0x0], $0xffff  }
0x20e: {  	v54 =	vor.u32 v21, v32;
	_ =	sdelay $0x3  }
0x20f: {  	[tilespmem:s7+$0x16600] =	vst v33  }
0x210: {  	v33 =	vld.idx.msk [tilespmem:v54+s24+$0x0], $0xffff  }
0x211: {  	v55 =	vor.u32 v22, v32;
	_ =	sdelay $0x3  }
0x212: {  	[tilespmem:s7+$0x16680] =	vst v33  }
0x213: {  	v33 =	vld.idx.msk [tilespmem:v55+s24+$0x0], $0xffff  }
0x214: {  	v56 =	vor.u32 v23, v32;
	_ =	sdelay $0x3  }
0x215: {  	[tilespmem:s7+$0x16700] =	vst v33  }
0x216: {  	v33 =	vld.idx.msk [tilespmem:v56+s24+$0x0], $0xffff  }
0x217: {  	v57 =	vor.u32 v24, v32;
	_ =	sdelay $0x3  }
0x218: {  	[tilespmem:s7+$0x16780] =	vst v33  }
0x219: {  	v33 =	vld.idx.msk [tilespmem:v57+s24+$0x0], $0xffff  }
0x21a: {  	v58 =	vor.u32 v25, v32;
	_ =	sdelay $0x3  }
0x21b: {  	[tilespmem:s7+$0x17400] =	vst v33  }
0x21c: {  	v33 =	vld.idx.msk [tilespmem:v58+s24+$0x0], $0xffff  }
0x21d: {  	v59 =	vor.u32 v26, v32;
	_ =	sdelay $0x3  }
0x21e: {  	[tilespmem:s7+$0x17480] =	vst v33  }
0x21f: {  	v33 =	vld.idx.msk [tilespmem:v59+s24+$0x0], $0xffff  }
0x220: {  	v60 =	vor.u32 v27, v32;
	_ =	sdelay $0x3  }
0x221: {  	[tilespmem:s7+$0x17500] =	vst v33  }
0x222: {  	v33 =	vld.idx.msk [tilespmem:v60+s24+$0x0], $0xffff  }
0x223: {  	v61 =	vor.u32 v28, v32;
	_ =	sdelay $0x3  }
0x224: {  	[tilespmem:s7+$0x17580] =	vst v33  }
0x225: {  	v33 =	vld.idx.msk [tilespmem:v61+s24+$0x0], $0xffff  }
0x226: {  	v62 =	vor.u32 v29, v32;
	_ =	sdelay $0x3  }
0x227: {  	[tilespmem:s7+$0x17600] =	vst v33  }
0x228: {  	v33 =	vld.idx.msk [tilespmem:v62+s24+$0x0], $0xffff  }
0x229: {  	v63 =	vor.u32 v30, v32;
	_ =	sdelay $0x3  }
0x22a: {  	[tilespmem:s7+$0x17680] =	vst v33  }
0x22b: {  	v33 =	vld.idx.msk [tilespmem:v63+s24+$0x0], $0xffff  }
0x22c: {  	v32 =	vor.u32 v31, v32;
	_ =	sdelay $0x3  }
0x22d: {  	[tilespmem:s7+$0x17700] =	vst v33  }
0x22e: {  	p0 =	sne.s32 s23, $0xF80;
	v32 =	vld.idx.msk [tilespmem:v32+s24+$0x0], $0xffff  }
.Ltmp1:
0x22f: {  	_ = 	snop;
	(pc) =	sbr.rel @p0 .LBB2_3-.Ltmp1, $2  }
0x230: {  	_ =	sdelay $0x2  }
0x231: {  	s15 =	sadd.s32 $0x10, s15;
	s23 =	sadd.s32 $0x80, s23;
	[tilespmem:s7+$0x17780] =	vst v32  }
0x232: {  	s7 =	rddreg [dreg:$0x8];
	s0 =	simm.s32 $0x20000  }
0x233: {  	s2 =	simm.s32 $0x10400;
	s5 =	simm.s32 $0x1000;
	s9 =	simm.s32 $0x2  }
0x234: {  	[hbm4b:s7+s5] =	stream.strided.scatter [tilespmem:s2], [sflag:$0x2], $0x4000, s0, s5, $0x38;
	[tilespmem:$0x18400] =	vst v63  }
0x235: {  	_ =	swait.ge [sflag:s9], $0x4000  }
0x236: {  	[sflag:s9] =	ssyncset.done $0x0  }
0x237: {  	s29 =	simm.s32 $0x14400;
	s28 =	rddreg [dreg:$0x9];
	[sflag:s9] =	ssyncadd.s32 $0xFFFFC000  }
0x238: {  	[hbm4b:s28+s5] =	stream.strided.scatter [tilespmem:s29], [sflag:$0x2], $0x4000, s0, s5, $0x38;
	[tilespmem:$0x18400] =	vst v63  }
0x239: {  	_ =	swait.ge [sflag:s9], $0x4000  }
0x23a: {  	s30 =	rddreg [dreg:$0x11]  }
0x23b: {  	s31 =	rddreg [dreg:$0xa];
	s0 =	sadd.s32 $0x1, s30  }
0x23c: {  	p0 =	sne.s32 s0, s31  }
.Ltmp2:
0x23d: {  	_ = 	snop;
	(pc) =	sbr.rel @p0 .LBB2_1-.Ltmp2, $3  }
0x23e: {  	_ =	sdelay $0x1  }
0x23f: {  	[sflag:s9] =	ssyncset.done $0x0  }
0x240: {  	[sflag:s9] =	ssyncadd.s32 $0xFFFFC000  }
0x241: {  	_ =	sfence.sel $0x180000  }
0x242: {  	[bflag:$0x0] =	sbarrier.arrive $0xFFFF  }
0x243: {  	_ =	strace $0x90000047  }
0x244: {  	s0 =	stileid.u32;
	[bflag:$0x2] =	sbarrier.arrive $0xFFFF  }
0x245: {  	p0 =	sne.s32 s0, $0x0;
	s0 =	rddreg [dreg:$0x5]  }
0x246: {  	s0 =	sadd.s32 @!p0 $0x100000, s0  }
0x247: {  	[sflag:s0] =	ssyncadd.tile.s32 @!p0 $0x1;
	_ =	shalt  }
.Lfunc_end2:
_tile_overlayer_lowered:
.L_overlay_start_2:
0x248: {  	(tag) =	ssettag $0x2  }
0x249: {  	s0 =	rddreg [dreg:$0x0];
	s2 =	stileid.u32  }
0x24a: {  	s1 =	rddreg [dreg:$0x1];
	p0 =	sne.s32 s2, $0x0  }
0x24b: {  	s3 =	rddreg [dreg:$0x2];
	[bflag:$0x3] =	sbarrier.arrive $0xFFFF;
	s2 =	simm.s32 @!p0 $0x1C02  }
0x24c: {  	[timem:s3], [sflag:s2] =	dma.local @!p0 [hbm:s0], s1  }
0x24d: {  	s0 =	simm.s32 @!p0 $0x2  }
0x24e: {  	_ =	swait.ge @!p0 [sflag:s0], s1  }
0x24f: {  	s1 =	ssub.s32 @!p0 $0x0, s1;
	[sflag:s0] =	ssyncset.done @!p0 $0x0  }
0x250: {  	[sflag:s0] =	ssyncadd.s32 @!p0 s1  }
0x251: {  	[bflag:$0x3] =	sbarrier.arrive $0xFFFF  }
0x252: {  	_ =	shalt  }

</sc_bundles>
